<compile_context>
chip_gen: v7x
topology: tpu7x:2x2x1
jax: 0.10.2.dev20260603
libtpu: 0.0.44.dev20260713+nightly
codegen_flags: <defaults>
</compile_context>

<pallas_src>
import functools
import jax
import jax.numpy as jnp
import numpy as np
from jax import lax
from jax.experimental import pallas as pl
from jax.experimental.pallas import tpu as pltpu
from jax.experimental.pallas import tpu_sc as plsc

_DIM = 128
_BASE = 10000.0
_SEQ_BLK = 256

_ROW = 2 * 16 * _DIM
_NW = 32
_P = 8
_RING = 3
_CH = _P * _ROW
_CS_ROW = 2 * _DIM
_CS_CH = _P * _CS_ROW


def _freqs_np(sq):
    freqs = 1.0 / (_BASE ** (np.arange(0, _DIM, 2)[: _DIM // 2].astype(np.float32) / _DIM))
    t = np.arange(sq, dtype=np.float32)
    f = np.outer(t, freqs)
    return np.cos(f).astype(np.float32), np.sin(f).astype(np.float32)


@functools.lru_cache(maxsize=None)
def _tc_tables(sq):
    cos, sin = _freqs_np(sq)
    zeros = np.zeros_like(sin)
    c_full = np.repeat(cos, 2, axis=1)
    a_full = np.stack([-sin, zeros], axis=-1).reshape(sq, _DIM)
    b_full = np.stack([zeros, sin], axis=-1).reshape(sq, _DIM)
    return (c_full.reshape(sq, 1, _DIM), a_full.reshape(sq, 1, _DIM),
            b_full.reshape(sq, 1, _DIM))


@functools.lru_cache(maxsize=None)
def _sc_cs_table(sq):
    cos, sin = _freqs_np(sq)
    c_full = np.repeat(cos, 2, axis=1)
    s_full = np.stack([-sin, sin], axis=-1).reshape(sq, _DIM)
    return np.concatenate([c_full, s_full], axis=1).reshape(-1)


def _tc_body(c_ref, a_ref, b_ref, x_ref, o_ref):
    c = c_ref[...]
    a = a_ref[...]
    b = b_ref[...]
    x = x_ref[...]
    lo = pltpu.roll(x, _DIM - 1, axis=2)
    hi = pltpu.roll(x, 1, axis=2)
    o_ref[...] = x * c + lo * a + hi * b


def _tc_rope(x):
    sq, bsz, nh, hh = x.shape
    c_t, a_t, b_t = _tc_tables(sq)
    fl = bsz * nh
    x3 = x.reshape(sq, fl, hh)
    blk = _SEQ_BLK if sq % _SEQ_BLK == 0 else sq
    tab_spec = pl.BlockSpec((blk, 1, hh), lambda i: (i, 0, 0))
    dat_spec = pl.BlockSpec((blk, fl, hh), lambda i: (i, 0, 0))
    out = pl.pallas_call(
        _tc_body,
        grid=(sq // blk,),
        in_specs=[tab_spec, tab_spec, tab_spec, dat_spec],
        out_specs=dat_spec,
        out_shape=jax.ShapeDtypeStruct((sq, fl, hh), x.dtype),
    )(c_t, a_t, b_t, x3)
    return out.reshape(x.shape)


def _make_sc_rope(sq):
    pos_per_w = sq // _NW
    chunks = pos_per_w // _P
    n = sq * _ROW
    mesh = plsc.VectorSubcoreMesh(core_axis_name="c", subcore_axis_name="s")

    @functools.partial(
        pl.kernel,
        mesh=mesh,
        out_type=jax.ShapeDtypeStruct((n,), jnp.float32),
        scratch_types=[pltpu.VMEM((_CH,), jnp.float32)] * _RING
        + [pltpu.VMEM((_CS_CH,), jnp.float32)] * _RING
        + [pltpu.SemaphoreType.DMA] * (2 * _RING),
    )
    def rope_sc(x_hbm, cs_hbm, o_hbm, *scratch):
        bufs = scratch[:_RING]
        csbufs = scratch[_RING:2 * _RING]
        in_sems = scratch[2 * _RING:3 * _RING]
        out_sems = scratch[3 * _RING:4 * _RING]
        wid = lax.axis_index("s") * 2 + lax.axis_index("c")
        start_pos = wid * pos_per_w
        swp = jnp.bitwise_xor(lax.iota(jnp.int32, 16), 1)
        swp_idx = swp.reshape(16, 1)
        gather_dnums = lax.GatherDimensionNumbers(
            offset_dims=(), collapsed_slice_dims=(0,), start_index_map=(0,))

        def pair_swap(v):
            return lax.gather(
                v, swp_idx, gather_dnums, (1,),
                mode=lax.GatherScatterMode.PROMISE_IN_BOUNDS)

        def in_copies(g, b):
            base = (start_pos + g * _P) * _ROW
            cbase = (start_pos + g * _P) * _CS_ROW
            return (
                pltpu.make_async_copy(x_hbm.at[pl.ds(base, _CH)], bufs[b], in_sems[b]),
                pltpu.make_async_copy(cs_hbm.at[pl.ds(cbase, _CS_CH)], csbufs[b], in_sems[b]),
            )

        def out_copies(g, b):
            base = (start_pos + g * _P) * _ROW
            return (
                pltpu.make_async_copy(bufs[b], o_hbm.at[pl.ds(base, _CH)], out_sems[b]),
            )

        def start_in(g, b):
            for c in in_copies(g, b):
                c.start()

        def wait_in(g, b):
            for c in in_copies(g, b):
                c.wait()

        def start_out(g, b):
            for c in out_copies(g, b):
                c.start()

        def wait_out(g, b):
            for c in out_copies(g, b):
                c.wait()

        def compute(b):
            xb = bufs[b]
            csb = csbufs[b]

            @plsc.parallel_loop(0, _P)
            def _pos_loop(pos):
                for t in range(_DIM // 16):
                    cvec = csb[pl.ds(pos * _CS_ROW + t * 16, 16)]
                    svec = csb[pl.ds(pos * _CS_ROW + _DIM + t * 16, 16)]

                    @plsc.parallel_loop(0, _ROW // _DIM, unroll=4)
                    def _h_loop(h, pos=pos, t=t, cvec=cvec, svec=svec):
                        addr = pos * _ROW + h * _DIM + t * 16
                        x = xb[pl.ds(addr, 16)]
                        sw = pair_swap(x)
                        xb[pl.ds(addr, 16)] = x * cvec + sw * svec

        start_in(0, 0)
        start_in(1, 1)

        def outer(i, carry):
            gbase = i * _RING
            for b in range(_RING):
                g = gbase + b

                @pl.when(g < chunks)
                def _():
                    bp = (b - 1) % _RING
                    wait_in(g, b)
                    compute(b)
                    start_out(g, b)

                    @pl.when(g >= 1)
                    def _():
                        wait_out(g - 1, bp)

                    @pl.when(g + 2 < chunks)
                    def _():
                        start_in(g + 2, bp)

            return carry

        n_outer = (chunks + _RING - 1) // _RING
        lax.fori_loop(0, n_outer, outer, 0)
        wait_out(chunks - 1, (chunks - 1) % _RING)

    return rope_sc


def kernel(query, key):
    sq, bsz, nh, hh = query.shape
    n = sq * bsz * nh * hh
    ko = _make_sc_rope(sq)(key.reshape(n), _sc_cs_table(sq)).reshape(key.shape)
    qo = _tc_rope(query)
    return qo, ko

# --- scband reference (transcript-rebuilt; emitter-appended) ---
"""Pipeline reference for scband-rotary-embedding-complex-26688926778054 (READ-ONLY COPY).

The authoritative reference and input builder live on the scoring server;
editing this copy changes nothing except your own understanding.
"""

import jax, jax.numpy as jnp
import numpy as np

DIM = 128
BASE = 10000
MAX_SEQ = 4096


def _freqs(dim, end, theta):
    freqs = 1.0 / (theta ** (jnp.arange(0, dim, 2)[: dim // 2].astype(jnp.float32) / dim))
    t = jnp.arange(end).astype(jnp.float32)
    f = jnp.outer(t, freqs)
    return jnp.cos(f), jnp.sin(f)


def setup_inputs(seed: int = 0) -> dict:
    key = jax.random.key(seed)
    k1, k2 = jax.random.split(key)
    query = jax.random.normal(k1, (4096, 2, 16, 128), dtype=jnp.float32)
    key_t = jax.random.normal(k2, (4096, 2, 16, 128), dtype=jnp.float32)
    return {"query": query, "key": key_t}


def _apply_rotary(x, cos, sin):
    # x: [b, sq, nh, hh]; complex multiply implemented with real arithmetic
    b, sq, nh, hh = x.shape
    xr = x.astype(jnp.float32).reshape(b, sq, nh, hh // 2, 2)
    re = xr[..., 0]
    im = xr[..., 1]
    c = cos[None, :, None, :]
    s = sin[None, :, None, :]
    out_re = re * c - im * s
    out_im = re * s + im * c
    out = jnp.stack([out_re, out_im], axis=-1)
    return out.reshape(b, sq, nh, hh)


def reference(query, key):
    cos, sin = _freqs(DIM, MAX_SEQ, float(BASE))
    sq = query.shape[0]
    cos = cos[:sq]
    sin = sin[:sq]
    # rearrange 'sq b nh hh -> b sq nh hh'
    q = jnp.transpose(query, (1, 0, 2, 3))
    k = jnp.transpose(key, (1, 0, 2, 3))
    q_out = _apply_rotary(q, cos, sin).astype(query.dtype)
    k_out = _apply_rotary(k, cos, sin).astype(key.dtype)
    # rearrange back 'b sq nh hh -> sq b nh hh'
    return (jnp.transpose(q_out, (1, 0, 2, 3)), jnp.transpose(k_out, (1, 0, 2, 3)))

if __name__ == "__main__":
    import jax
    _d = setup_inputs()
    print(jax.jit(kernel)(*tuple(_d.values())))

</pallas_src>

<mosaic_0001>
#map = affine_map<(d0, d1) -> (0)>
module attributes {stable_mosaic.version = 14 : i64} {
  func.func @rope_sc(%arg0: i32, %arg1: i32, %arg2: memref<16777216xf32, #tpu.memory_space<hbm>>, %arg3: memref<1048576xf32, #tpu.memory_space<hbm>>, %arg4: memref<16777216xf32, #tpu.memory_space<hbm>>, %arg5: memref<32768xf32, #tpu.memory_space<vmem>>, %arg6: memref<32768xf32, #tpu.memory_space<vmem>>, %arg7: memref<32768xf32, #tpu.memory_space<vmem>>, %arg8: memref<2048xf32, #tpu.memory_space<vmem>>, %arg9: memref<2048xf32, #tpu.memory_space<vmem>>, %arg10: memref<2048xf32, #tpu.memory_space<vmem>>, %arg11: memref<!tpu.dma_semaphore, #tpu.memory_space<semaphore_mem>>, %arg12: memref<!tpu.dma_semaphore, #tpu.memory_space<semaphore_mem>>, %arg13: memref<!tpu.dma_semaphore, #tpu.memory_space<semaphore_mem>>, %arg14: memref<!tpu.dma_semaphore, #tpu.memory_space<semaphore_mem>>, %arg15: memref<!tpu.dma_semaphore, #tpu.memory_space<semaphore_mem>>, %arg16: memref<!tpu.dma_semaphore, #tpu.memory_space<semaphore_mem>>) attributes {dimension_semantics = [#tpu.dimension_semantics<core_parallel>, #tpu.dimension_semantics<subcore_parallel>], iteration_bounds = array<i64: 2, 16>, scalar_prefetch = 0 : i64, scratch_operands = 12 : i64, tpu.core_type = #tpu.core_type<sc_vector_subcore>, window_params = [{transform_indices = #map}, {transform_indices = #map}, {transform_indices = #map}]} {
    %mul3A = arith.constant 2 : i32
    %mul3A_0 = arith.muli %arg1, %mul3A : i32
    %add3A = arith.addi %mul3A_0, %arg0 : i32
    %mul3A_1 = arith.constant 128 : i32
    %mul3A_2 = arith.muli %add3A, %mul3A_1 : i32
    %iota3A = tpu.iota {dimensions = array<i32: 0>} : vector<16xi32>
    %xor3A = arith.constant 1 : i32
    %xor3A_3 = vector.broadcast %xor3A : i32 to vector<16xi32>
    %xor3A_4 = arith.xori %iota3A, %xor3A_3 : vector<16xi32>
    %reshape3A = vector.shape_cast %xor3A_4 : vector<16xi32> to vector<16x1xi32>
    %add3A_5 = arith.constant 0 : i32
    %add3A_6 = arith.addi %mul3A_2, %add3A_5 : i32
    %mul3A_7 = arith.constant 4096 : i32
    %mul3A_8 = arith.muli %add3A_6, %mul3A_7 : i32
    %add3A_9 = arith.constant 0 : i32
    %add3A_10 = arith.addi %mul3A_2, %add3A_9 : i32
    %mul3A_11 = arith.constant 256 : i32
    %mul3A_12 = arith.muli %add3A_10, %mul3A_11 : i32
    %dma_start3A = tpu.memref_slice %arg2[%mul3A_8] : memref<16777216xf32, #tpu.memory_space<hbm>> -> memref<32768xf32, #tpu.memory_space<hbm>>
    %dma_start3A_13 = tpu.memref_slice %arg2[%mul3A_8] : memref<16777216xf32, #tpu.memory_space<hbm>> -> memref<32768xf32, #tpu.memory_space<hbm>>
    tpu.enqueue_dma source(%dma_start3A_13 : memref<32768xf32, #tpu.memory_space<hbm>>) target(%arg5 : memref<32768xf32, #tpu.memory_space<vmem>>) target_semaphore(%arg11 : memref<!tpu.dma_semaphore, #tpu.memory_space<semaphore_mem>>)
    %dma_start3A_14 = tpu.memref_slice %arg3[%mul3A_12] : memref<1048576xf32, #tpu.memory_space<hbm>> -> memref<2048xf32, #tpu.memory_space<hbm>>
    %dma_start3A_15 = tpu.memref_slice %arg3[%mul3A_12] : memref<1048576xf32, #tpu.memory_space<hbm>> -> memref<2048xf32, #tpu.memory_space<hbm>>
    tpu.enqueue_dma source(%dma_start3A_15 : memref<2048xf32, #tpu.memory_space<hbm>>) target(%arg8 : memref<2048xf32, #tpu.memory_space<vmem>>) target_semaphore(%arg11 : memref<!tpu.dma_semaphore, #tpu.memory_space<semaphore_mem>>)
    %add3A_16 = arith.constant 8 : i32
    %add3A_17 = arith.addi %mul3A_2, %add3A_16 : i32
    %mul3A_18 = arith.constant 4096 : i32
    %mul3A_19 = arith.muli %add3A_17, %mul3A_18 : i32
    %add3A_20 = arith.constant 8 : i32
    %add3A_21 = arith.addi %mul3A_2, %add3A_20 : i32
    %mul3A_22 = arith.constant 256 : i32
    %mul3A_23 = arith.muli %add3A_21, %mul3A_22 : i32
    %dma_start3A_24 = tpu.memref_slice %arg2[%mul3A_19] : memref<16777216xf32, #tpu.memory_space<hbm>> -> memref<32768xf32, #tpu.memory_space<hbm>>
    %dma_start3A_25 = tpu.memref_slice %arg2[%mul3A_19] : memref<16777216xf32, #tpu.memory_space<hbm>> -> memref<32768xf32, #tpu.memory_space<hbm>>
    tpu.enqueue_dma source(%dma_start3A_25 : memref<32768xf32, #tpu.memory_space<hbm>>) target(%arg6 : memref<32768xf32, #tpu.memory_space<vmem>>) target_semaphore(%arg12 : memref<!tpu.dma_semaphore, #tpu.memory_space<semaphore_mem>>)
    %dma_start3A_26 = tpu.memref_slice %arg3[%mul3A_23] : memref<1048576xf32, #tpu.memory_space<hbm>> -> memref<2048xf32, #tpu.memory_space<hbm>>
    %dma_start3A_27 = tpu.memref_slice %arg3[%mul3A_23] : memref<1048576xf32, #tpu.memory_space<hbm>> -> memref<2048xf32, #tpu.memory_space<hbm>>
    tpu.enqueue_dma source(%dma_start3A_27 : memref<2048xf32, #tpu.memory_space<hbm>>) target(%arg9 : memref<2048xf32, #tpu.memory_space<vmem>>) target_semaphore(%arg12 : memref<!tpu.dma_semaphore, #tpu.memory_space<semaphore_mem>>)
    %scan3A = arith.constant 0 : i32
    %scan3A_28 = arith.constant 0 : i32
    %scan3A_29 = arith.constant 6 : i32
    %scan3A_30 = arith.addi %scan3A_28, %scan3A_29 : i32
    %scan3A_31 = arith.constant 1 : i32
    scf.for %scan3A_38 = %scan3A_28 to %scan3A_30 step %scan3A_31  : i32 {
      %mul3A_39 = arith.constant 3 : i32
      %mul3A_40 = arith.muli %scan3A_38, %mul3A_39 : i32
      %add3A_41 = arith.constant 0 : i32
      %add3A_42 = arith.addi %mul3A_40, %add3A_41 : i32
      %lt3A = arith.constant 16 : i32
      %lt3A_43 = arith.cmpi slt, %add3A_42, %lt3A : i32
      %convert_element_type3A = arith.extui %lt3A_43 : i1 to i32
      %cond3A = arith.constant 0 : i32
      %cond3A_44 = arith.cmpi ne, %convert_element_type3A, %cond3A : i32
      scf.if %cond3A_44 {
        %mul3A_59 = arith.constant 8 : i32
        %mul3A_60 = arith.muli %add3A_42, %mul3A_59 : i32
        %add3A_61 = arith.addi %mul3A_2, %mul3A_60 : i32
        %mul3A_62 = arith.constant 4096 : i32
        %mul3A_63 = arith.muli %add3A_61, %mul3A_62 : i32
        %mul3A_64 = arith.constant 8 : i32
        %mul3A_65 = arith.muli %add3A_42, %mul3A_64 : i32
        %add3A_66 = arith.addi %mul3A_2, %mul3A_65 : i32
        %mul3A_67 = arith.constant 256 : i32
        %mul3A_68 = arith.muli %add3A_66, %mul3A_67 : i32
        %dma_wait3A_69 = tpu.memref_slice %arg2[%mul3A_63] : memref<16777216xf32, #tpu.memory_space<hbm>> -> memref<32768xf32, #tpu.memory_space<hbm>>
        %dma_wait3A_70 = tpu.memref_slice %arg2[%mul3A_63] : memref<16777216xf32, #tpu.memory_space<hbm>> -> memref<32768xf32, #tpu.memory_space<hbm>>
        tpu.wait_dma2 semaphore(%arg11 : memref<!tpu.dma_semaphore, #tpu.memory_space<semaphore_mem>>) src(%dma_wait3A_70 : memref<32768xf32, #tpu.memory_space<hbm>>) dst(%arg5 : memref<32768xf32, #tpu.memory_space<vmem>>)
        %dma_wait3A_71 = tpu.memref_slice %arg3[%mul3A_68] : memref<1048576xf32, #tpu.memory_space<hbm>> -> memref<2048xf32, #tpu.memory_space<hbm>>
        %dma_wait3A_72 = tpu.memref_slice %arg3[%mul3A_68] : memref<1048576xf32, #tpu.memory_space<hbm>> -> memref<2048xf32, #tpu.memory_space<hbm>>
        tpu.wait_dma2 semaphore(%arg11 : memref<!tpu.dma_semaphore, #tpu.memory_space<semaphore_mem>>) src(%dma_wait3A_72 : memref<2048xf32, #tpu.memory_space<hbm>>) dst(%arg8 : memref<2048xf32, #tpu.memory_space<vmem>>)
        %parallel_loop3A = arith.constant 0 : i32
        %parallel_loop3A_73 = arith.constant 8 : i32
        %parallel_loop3A_74 = arith.constant 1 : i32
        scf.for %parallel_loop3A_93 = %parallel_loop3A to %parallel_loop3A_73 step %parallel_loop3A_74  : i32 {
          %parallel_loop3A_94 = arith.constant 256 : i32
          %parallel_loop3A_95 = arith.muli %parallel_loop3A_93, %parallel_loop3A_94 : i32
          %parallel_loop3A_96 = arith.constant 0 : i32
          %parallel_loop3A_97 = arith.addi %parallel_loop3A_95, %parallel_loop3A_96 : i32
          %parallel_loop3A_98 = arith.index_cast %parallel_loop3A_97 : i32 to index
          %parallel_loop3A_99 = tpu.vector_load %arg8[%parallel_loop3A_98] {strides = array<i32>} : memref<2048xf32, #tpu.memory_space<vmem>>, vector<16xf32>,
          %parallel_loop3A_100 = vector.shape_cast %parallel_loop3A_99 : vector<16xf32> to vector<16xf32>
          %parallel_loop3A_101 = arith.constant 256 : i32
          %parallel_loop3A_102 = arith.muli %parallel_loop3A_93, %parallel_loop3A_101 : i32
          %parallel_loop3A_103 = arith.constant 128 : i32
          %parallel_loop3A_104 = arith.addi %parallel_loop3A_102, %parallel_loop3A_103 : i32
          %parallel_loop3A_105 = arith.constant 0 : i32
          %parallel_loop3A_106 = arith.addi %parallel_loop3A_104, %parallel_loop3A_105 : i32
          %parallel_loop3A_107 = arith.index_cast %parallel_loop3A_106 : i32 to index
          %parallel_loop3A_108 = tpu.vector_load %arg8[%parallel_loop3A_107] {strides = array<i32>} : memref<2048xf32, #tpu.memory_space<vmem>>, vector<16xf32>,
          %parallel_loop3A_109 = vector.shape_cast %parallel_loop3A_108 : vector<16xf32> to vector<16xf32>
          %parallel_loop3A_110 = arith.constant 0 : i32
          %parallel_loop3A_111 = arith.constant 32 : i32
          %parallel_loop3A_112 = arith.constant 1 : i32
          scf.for %parallel_loop3A_246 = %parallel_loop3A_110 to %parallel_loop3A_111 step %parallel_loop3A_112  : i32 {
            %parallel_loop3A_247 = arith.constant 4096 : i32
            %parallel_loop3A_248 = arith.muli %parallel_loop3A_93, %parallel_loop3A_247 : i32
            %parallel_loop3A_249 = arith.constant 128 : i32
            %parallel_loop3A_250 = arith.muli %parallel_loop3A_246, %parallel_loop3A_249 : i32
            %parallel_loop3A_251 = arith.addi %parallel_loop3A_248, %parallel_loop3A_250 : i32
            %parallel_loop3A_252 = arith.constant 0 : i32
            %parallel_loop3A_253 = arith.addi %parallel_loop3A_251, %parallel_loop3A_252 : i32
            %parallel_loop3A_254 = arith.index_cast %parallel_loop3A_253 : i32 to index
            %parallel_loop3A_255 = tpu.vector_load %arg5[%parallel_loop3A_254] {strides = array<i32>} : memref<32768xf32, #tpu.memory_space<vmem>>, vector<16xf32>,
            %parallel_loop3A_256 = vector.shape_cast %parallel_loop3A_255 : vector<16xf32> to vector<16xf32>
            %parallel_loop3A_257 = vector.shape_cast %reshape3A : vector<16x1xi32> to vector<16xi32>
            %parallel_loop3A_258 = tpu.dynamic_gather %parallel_loop3A_256[%parallel_loop3A_257] in [0] : vector<16xf32>, vector<16xi32> -> vector<16xf32>
            %parallel_loop3A_259 = arith.mulf %parallel_loop3A_256, %parallel_loop3A_100 : vector<16xf32>
            %parallel_loop3A_260 = arith.mulf %parallel_loop3A_258, %parallel_loop3A_109 : vector<16xf32>
            %parallel_loop3A_261 = arith.addf %parallel_loop3A_259, %parallel_loop3A_260 : vector<16xf32>
            %parallel_loop3A_262 = arith.index_cast %parallel_loop3A_253 : i32 to index
            %parallel_loop3A_263 = tpu.vector_load %arg5[%parallel_loop3A_262] {strides = array<i32>} : memref<32768xf32, #tpu.memory_space<vmem>>, vector<16xf32>,
            %parallel_loop3A_264 = vector.shape_cast %parallel_loop3A_263 : vector<16xf32> to vector<16xf32>
            %parallel_loop3A_265 = vector.shape_cast %parallel_loop3A_261 : vector<16xf32> to vector<16xf32>
            tpu.vector_store %arg5[%parallel_loop3A_262], %parallel_loop3A_265 {strides = array<i32>} : memref<32768xf32, #tpu.memory_space<vmem>>, vector<16xf32>,
          } {sc.loop_unroll_factor = 4 : i64, sc.parallel_access}
          %parallel_loop3A_113 = arith.constant 256 : i32
          %parallel_loop3A_114 = arith.muli %parallel_loop3A_93, %parallel_loop3A_113 : i32
          %parallel_loop3A_115 = arith.constant 16 : i32
          %parallel_loop3A_116 = arith.addi %parallel_loop3A_114, %parallel_loop3A_115 : i32
          %parallel_loop3A_117 = arith.index_cast %parallel_loop3A_116 : i32 to index
          %parallel_loop3A_118 = tpu.vector_load %arg8[%parallel_loop3A_117] {strides = array<i32>} : memref<2048xf32, #tpu.memory_space<vmem>>, vector<16xf32>,
          %parallel_loop3A_119 = vector.shape_cast %parallel_loop3A_118 : vector<16xf32> to vector<16xf32>
          %parallel_loop3A_120 = arith.constant 256 : i32
          %parallel_loop3A_121 = arith.muli %parallel_loop3A_93, %parallel_loop3A_120 : i32
          %parallel_loop3A_122 = arith.constant 128 : i32
          %parallel_loop3A_123 = arith.addi %parallel_loop3A_121, %parallel_loop3A_122 : i32
          %parallel_loop3A_124 = arith.constant 16 : i32
          %parallel_loop3A_125 = arith.addi %parallel_loop3A_123, %parallel_loop3A_124 : i32
          %parallel_loop3A_126 = arith.index_cast %parallel_loop3A_125 : i32 to index
          %parallel_loop3A_127 = tpu.vector_load %arg8[%parallel_loop3A_126] {strides = array<i32>} : memref<2048xf32, #tpu.memory_space<vmem>>, vector<16xf32>,
          %parallel_loop3A_128 = vector.shape_cast %parallel_loop3A_127 : vector<16xf32> to vector<16xf32>
          %parallel_loop3A_129 = arith.constant 0 : i32
          %parallel_loop3A_130 = arith.constant 32 : i32
          %parallel_loop3A_131 = arith.constant 1 : i32
          scf.for %parallel_loop3A_246 = %parallel_loop3A_129 to %parallel_loop3A_130 step %parallel_loop3A_131  : i32 {
            %parallel_loop3A_247 = arith.constant 4096 : i32
            %parallel_loop3A_248 = arith.muli %parallel_loop3A_93, %parallel_loop3A_247 : i32
            %parallel_loop3A_249 = arith.constant 128 : i32
            %parallel_loop3A_250 = arith.muli %parallel_loop3A_246, %parallel_loop3A_249 : i32
            %parallel_loop3A_251 = arith.addi %parallel_loop3A_248, %parallel_loop3A_250 : i32
            %parallel_loop3A_252 = arith.constant 16 : i32
            %parallel_loop3A_253 = arith.addi %parallel_loop3A_251, %parallel_loop3A_252 : i32
            %parallel_loop3A_254 = arith.index_cast %parallel_loop3A_253 : i32 to index
            %parallel_loop3A_255 = tpu.vector_load %arg5[%parallel_loop3A_254] {strides = array<i32>} : memref<32768xf32, #tpu.memory_space<vmem>>, vector<16xf32>,
            %parallel_loop3A_256 = vector.shape_cast %parallel_loop3A_255 : vector<16xf32> to vector<16xf32>
            %parallel_loop3A_257 = vector.shape_cast %reshape3A : vector<16x1xi32> to vector<16xi32>
            %parallel_loop3A_258 = tpu.dynamic_gather %parallel_loop3A_256[%parallel_loop3A_257] in [0] : vector<16xf32>, vector<16xi32> -> vector<16xf32>
            %parallel_loop3A_259 = arith.mulf %parallel_loop3A_256, %parallel_loop3A_119 : vector<16xf32>
            %parallel_loop3A_260 = arith.mulf %parallel_loop3A_258, %parallel_loop3A_128 : vector<16xf32>
            %parallel_loop3A_261 = arith.addf %parallel_loop3A_259, %parallel_loop3A_260 : vector<16xf32>
            %parallel_loop3A_262 = arith.index_cast %parallel_loop3A_253 : i32 to index
            %parallel_loop3A_263 = tpu.vector_load %arg5[%parallel_loop3A_262] {strides = array<i32>} : memref<32768xf32, #tpu.memory_space<vmem>>, vector<16xf32>,
            %parallel_loop3A_264 = vector.shape_cast %parallel_loop3A_263 : vector<16xf32> to vector<16xf32>
            %parallel_loop3A_265 = vector.shape_cast %parallel_loop3A_261 : vector<16xf32> to vector<16xf32>
            tpu.vector_store %arg5[%parallel_loop3A_262], %parallel_loop3A_265 {strides = array<i32>} : memref<32768xf32, #tpu.memory_space<vmem>>, vector<16xf32>,
          } {sc.loop_unroll_factor = 4 : i64, sc.parallel_access}
          %parallel_loop3A_132 = arith.constant 256 : i32
          %parallel_loop3A_133 = arith.muli %parallel_loop3A_93, %parallel_loop3A_132 : i32
          %parallel_loop3A_134 = arith.constant 32 : i32
          %parallel_loop3A_135 = arith.addi %parallel_loop3A_133, %parallel_loop3A_134 : i32
          %parallel_loop3A_136 = arith.index_cast %parallel_loop3A_135 : i32 to index
          %parallel_loop3A_137 = tpu.vector_load %arg8[%parallel_loop3A_136] {strides = array<i32>} : memref<2048xf32, #tpu.memory_space<vmem>>, vector<16xf32>,
          %parallel_loop3A_138 = vector.shape_cast %parallel_loop3A_137 : vector<16xf32> to vector<16xf32>
          %parallel_loop3A_139 = arith.constant 256 : i32
          %parallel_loop3A_140 = arith.muli %parallel_loop3A_93, %parallel_loop3A_139 : i32
          %parallel_loop3A_141 = arith.constant 128 : i32
          %parallel_loop3A_142 = arith.addi %parallel_loop3A_140, %parallel_loop3A_141 : i32
          %parallel_loop3A_143 = arith.constant 32 : i32
          %parallel_loop3A_144 = arith.addi %parallel_loop3A_142, %parallel_loop3A_143 : i32
          %parallel_loop3A_145 = arith.index_cast %parallel_loop3A_144 : i32 to index
          %parallel_loop3A_146 = tpu.vector_load %arg8[%parallel_loop3A_145] {strides = array<i32>} : memref<2048xf32, #tpu.memory_space<vmem>>, vector<16xf32>,
          %parallel_loop3A_147 = vector.shape_cast %parallel_loop3A_146 : vector<16xf32> to vector<16xf32>
          %parallel_loop3A_148 = arith.constant 0 : i32
          %parallel_loop3A_149 = arith.constant 32 : i32
          %parallel_loop3A_150 = arith.constant 1 : i32
          scf.for %parallel_loop3A_246 = %parallel_loop3A_148 to %parallel_loop3A_149 step %parallel_loop3A_150  : i32 {
            %parallel_loop3A_247 = arith.constant 4096 : i32
            %parallel_loop3A_248 = arith.muli %parallel_loop3A_93, %parallel_loop3A_247 : i32
            %parallel_loop3A_249 = arith.constant 128 : i32
            %parallel_loop3A_250 = arith.muli %parallel_loop3A_246, %parallel_loop3A_249 : i32
            %parallel_loop3A_251 = arith.addi %parallel_loop3A_248, %parallel_loop3A_250 : i32
            %parallel_loop3A_252 = arith.constant 32 : i32
            %parallel_loop3A_253 = arith.addi %parallel_loop3A_251, %parallel_loop3A_252 : i32
            %parallel_loop3A_254 = arith.index_cast %parallel_loop3A_253 : i32 to index
            %parallel_loop3A_255 = tpu.vector_load %arg5[%parallel_loop3A_254] {strides = array<i32>} : memref<32768xf32, #tpu.memory_space<vmem>>, vector<16xf32>,
            %parallel_loop3A_256 = vector.shape_cast %parallel_loop3A_255 : vector<16xf32> to vector<16xf32>
            %parallel_loop3A_257 = vector.shape_cast %reshape3A : vector<16x1xi32> to vector<16xi32>
            %parallel_loop3A_258 = tpu.dynamic_gather %parallel_loop3A_256[%parallel_loop3A_257] in [0] : vector<16xf32>, vector<16xi32> -> vector<16xf32>
            %parallel_loop3A_259 = arith.mulf %parallel_loop3A_256, %parallel_loop3A_138 : vector<16xf32>
            %parallel_loop3A_260 = arith.mulf %parallel_loop3A_258, %parallel_loop3A_147 : vector<16xf32>
            %parallel_loop3A_261 = arith.addf %parallel_loop3A_259, %parallel_loop3A_260 : vector<16xf32>
            %parallel_loop3A_262 = arith.index_cast %parallel_loop3A_253 : i32 to index
            %parallel_loop3A_263 = tpu.vector_load %arg5[%parallel_loop3A_262] {strides = array<i32>} : memref<32768xf32, #tpu.memory_space<vmem>>, vector<16xf32>,
            %parallel_loop3A_264 = vector.shape_cast %parallel_loop3A_263 : vector<16xf32> to vector<16xf32>
            %parallel_loop3A_265 = vector.shape_cast %parallel_loop3A_261 : vector<16xf32> to vector<16xf32>
            tpu.vector_store %arg5[%parallel_loop3A_262], %parallel_loop3A_265 {strides = array<i32>} : memref<32768xf32, #tpu.memory_space<vmem>>, vector<16xf32>,
          } {sc.loop_unroll_factor = 4 : i64, sc.parallel_access}
          %parallel_loop3A_151 = arith.constant 256 : i32
          %parallel_loop3A_152 = arith.muli %parallel_loop3A_93, %parallel_loop3A_151 : i32
          %parallel_loop3A_153 = arith.constant 48 : i32
          %parallel_loop3A_154 = arith.addi %parallel_loop3A_152, %parallel_loop3A_153 : i32
          %parallel_loop3A_155 = arith.index_cast %parallel_loop3A_154 : i32 to index
          %parallel_loop3A_156 = tpu.vector_load %arg8[%parallel_loop3A_155] {strides = array<i32>} : memref<2048xf32, #tpu.memory_space<vmem>>, vector<16xf32>,
          %parallel_loop3A_157 = vector.shape_cast %parallel_loop3A_156 : vector<16xf32> to vector<16xf32>
          %parallel_loop3A_158 = arith.constant 256 : i32
          %parallel_loop3A_159 = arith.muli %parallel_loop3A_93, %parallel_loop3A_158 : i32
          %parallel_loop3A_160 = arith.constant 128 : i32
          %parallel_loop3A_161 = arith.addi %parallel_loop3A_159, %parallel_loop3A_160 : i32
          %parallel_loop3A_162 = arith.constant 48 : i32
          %parallel_loop3A_163 = arith.addi %parallel_loop3A_161, %parallel_loop3A_162 : i32
          %parallel_loop3A_164 = arith.index_cast %parallel_loop3A_163 : i32 to index
          %parallel_loop3A_165 = tpu.vector_load %arg8[%parallel_loop3A_164] {strides = array<i32>} : memref<2048xf32, #tpu.memory_space<vmem>>, vector<16xf32>,
          %parallel_loop3A_166 = vector.shape_cast %parallel_loop3A_165 : vector<16xf32> to vector<16xf32>
          %parallel_loop3A_167 = arith.constant 0 : i32
          %parallel_loop3A_168 = arith.constant 32 : i32
          %parallel_loop3A_169 = arith.constant 1 : i32
          scf.for %parallel_loop3A_246 = %parallel_loop3A_167 to %parallel_loop3A_168 step %parallel_loop3A_169  : i32 {
            %parallel_loop3A_247 = arith.constant 4096 : i32
            %parallel_loop3A_248 = arith.muli %parallel_loop3A_93, %parallel_loop3A_247 : i32
            %parallel_loop3A_249 = arith.constant 128 : i32
            %parallel_loop3A_250 = arith.muli %parallel_loop3A_246, %parallel_loop3A_249 : i32
            %parallel_loop3A_251 = arith.addi %parallel_loop3A_248, %parallel_loop3A_250 : i32
            %parallel_loop3A_252 = arith.constant 48 : i32
            %parallel_loop3A_253 = arith.addi %parallel_loop3A_251, %parallel_loop3A_252 : i32
            %parallel_loop3A_254 = arith.index_cast %parallel_loop3A_253 : i32 to index
            %parallel_loop3A_255 = tpu.vector_load %arg5[%parallel_loop3A_254] {strides = array<i32>} : memref<32768xf32, #tpu.memory_space<vmem>>, vector<16xf32>,
            %parallel_loop3A_256 = vector.shape_cast %parallel_loop3A_255 : vector<16xf32> to vector<16xf32>
            %parallel_loop3A_257 = vector.shape_cast %reshape3A : vector<16x1xi32> to vector<16xi32>
            %parallel_loop3A_258 = tpu.dynamic_gather %parallel_loop3A_256[%parallel_loop3A_257] in [0] : vector<16xf32>, vector<16xi32> -> vector<16xf32>
            %parallel_loop3A_259 = arith.mulf %parallel_loop3A_256, %parallel_loop3A_157 : vector<16xf32>
            %parallel_loop3A_260 = arith.mulf %parallel_loop3A_258, %parallel_loop3A_166 : vector<16xf32>
            %parallel_loop3A_261 = arith.addf %parallel_loop3A_259, %parallel_loop3A_260 : vector<16xf32>
            %parallel_loop3A_262 = arith.index_cast %parallel_loop3A_253 : i32 to index
            %parallel_loop3A_263 = tpu.vector_load %arg5[%parallel_loop3A_262] {strides = array<i32>} : memref<32768xf32, #tpu.memory_space<vmem>>, vector<16xf32>,
            %parallel_loop3A_264 = vector.shape_cast %parallel_loop3A_263 : vector<16xf32> to vector<16xf32>
            %parallel_loop3A_265 = vector.shape_cast %parallel_loop3A_261 : vector<16xf32> to vector<16xf32>
            tpu.vector_store %arg5[%parallel_loop3A_262], %parallel_loop3A_265 {strides = array<i32>} : memref<32768xf32, #tpu.memory_space<vmem>>, vector<16xf32>,
          } {sc.loop_unroll_factor = 4 : i64, sc.parallel_access}
          %parallel_loop3A_170 = arith.constant 256 : i32
          %parallel_loop3A_171 = arith.muli %parallel_loop3A_93, %parallel_loop3A_170 : i32
          %parallel_loop3A_172 = arith.constant 64 : i32
          %parallel_loop3A_173 = arith.addi %parallel_loop3A_171, %parallel_loop3A_172 : i32
          %parallel_loop3A_174 = arith.index_cast %parallel_loop3A_173 : i32 to index
          %parallel_loop3A_175 = tpu.vector_load %arg8[%parallel_loop3A_174] {strides = array<i32>} : memref<2048xf32, #tpu.memory_space<vmem>>, vector<16xf32>,
          %parallel_loop3A_176 = vector.shape_cast %parallel_loop3A_175 : vector<16xf32> to vector<16xf32>
          %parallel_loop3A_177 = arith.constant 256 : i32
          %parallel_loop3A_178 = arith.muli %parallel_loop3A_93, %parallel_loop3A_177 : i32
          %parallel_loop3A_179 = arith.constant 128 : i32
          %parallel_loop3A_180 = arith.addi %parallel_loop3A_178, %parallel_loop3A_179 : i32
          %parallel_loop3A_181 = arith.constant 64 : i32
          %parallel_loop3A_182 = arith.addi %parallel_loop3A_180, %parallel_loop3A_181 : i32
          %parallel_loop3A_183 = arith.index_cast %parallel_loop3A_182 : i32 to index
          %parallel_loop3A_184 = tpu.vector_load %arg8[%parallel_loop3A_183] {strides = array<i32>} : memref<2048xf32, #tpu.memory_space<vmem>>, vector<16xf32>,
          %parallel_loop3A_185 = vector.shape_cast %parallel_loop3A_184 : vector<16xf32> to vector<16xf32>
          %parallel_loop3A_186 = arith.constant 0 : i32
          %parallel_loop3A_187 = arith.constant 32 : i32
          %parallel_loop3A_188 = arith.constant 1 : i32
          scf.for %parallel_loop3A_246 = %parallel_loop3A_186 to %parallel_loop3A_187 step %parallel_loop3A_188  : i32 {
            %parallel_loop3A_247 = arith.constant 4096 : i32
            %parallel_loop3A_248 = arith.muli %parallel_loop3A_93, %parallel_loop3A_247 : i32
            %parallel_loop3A_249 = arith.constant 128 : i32
            %parallel_loop3A_250 = arith.muli %parallel_loop3A_246, %parallel_loop3A_249 : i32
            %parallel_loop3A_251 = arith.addi %parallel_loop3A_248, %parallel_loop3A_250 : i32
            %parallel_loop3A_252 = arith.constant 64 : i32
            %parallel_loop3A_253 = arith.addi %parallel_loop3A_251, %parallel_loop3A_252 : i32
            %parallel_loop3A_254 = arith.index_cast %parallel_loop3A_253 : i32 to index
            %parallel_loop3A_255 = tpu.vector_load %arg5[%parallel_loop3A_254] {strides = array<i32>} : memref<32768xf32, #tpu.memory_space<vmem>>, vector<16xf32>,
            %parallel_loop3A_256 = vector.shape_cast %parallel_loop3A_255 : vector<16xf32> to vector<16xf32>
            %parallel_loop3A_257 = vector.shape_cast %reshape3A : vector<16x1xi32> to vector<16xi32>
            %parallel_loop3A_258 = tpu.dynamic_gather %parallel_loop3A_256[%parallel_loop3A_257] in [0] : vector<16xf32>, vector<16xi32> -> vector<16xf32>
            %parallel_loop3A_259 = arith.mulf %parallel_loop3A_256, %parallel_loop3A_176 : vector<16xf32>
            %parallel_loop3A_260 = arith.mulf %parallel_loop3A_258, %parallel_loop3A_185 : vector<16xf32>
            %parallel_loop3A_261 = arith.addf %parallel_loop3A_259, %parallel_loop3A_260 : vector<16xf32>
            %parallel_loop3A_262 = arith.index_cast %parallel_loop3A_253 : i32 to index
            %parallel_loop3A_263 = tpu.vector_load %arg5[%parallel_loop3A_262] {strides = array<i32>} : memref<32768xf32, #tpu.memory_space<vmem>>, vector<16xf32>,
            %parallel_loop3A_264 = vector.shape_cast %parallel_loop3A_263 : vector<16xf32> to vector<16xf32>
            %parallel_loop3A_265 = vector.shape_cast %parallel_loop3A_261 : vector<16xf32> to vector<16xf32>
            tpu.vector_store %arg5[%parallel_loop3A_262], %parallel_loop3A_265 {strides = array<i32>} : memref<32768xf32, #tpu.memory_space<vmem>>, vector<16xf32>,
          } {sc.loop_unroll_factor = 4 : i64, sc.parallel_access}
          %parallel_loop3A_189 = arith.constant 256 : i32
          %parallel_loop3A_190 = arith.muli %parallel_loop3A_93, %parallel_loop3A_189 : i32
          %parallel_loop3A_191 = arith.constant 80 : i32
          %parallel_loop3A_192 = arith.addi %parallel_loop3A_190, %parallel_loop3A_191 : i32
          %parallel_loop3A_193 = arith.index_cast %parallel_loop3A_192 : i32 to index
          %parallel_loop3A_194 = tpu.vector_load %arg8[%parallel_loop3A_193] {strides = array<i32>} : memref<2048xf32, #tpu.memory_space<vmem>>, vector<16xf32>,
          %parallel_loop3A_195 = vector.shape_cast %parallel_loop3A_194 : vector<16xf32> to vector<16xf32>
          %parallel_loop3A_196 = arith.constant 256 : i32
          %parallel_loop3A_197 = arith.muli %parallel_loop3A_93, %parallel_loop3A_196 : i32
          %parallel_loop3A_198 = arith.constant 128 : i32
          %parallel_loop3A_199 = arith.addi %parallel_loop3A_197, %parallel_loop3A_198 : i32
          %parallel_loop3A_200 = arith.constant 80 : i32
          %parallel_loop3A_201 = arith.addi %parallel_loop3A_199, %parallel_loop3A_200 : i32
          %parallel_loop3A_202 = arith.index_cast %parallel_loop3A_201 : i32 to index
          %parallel_loop3A_203 = tpu.vector_load %arg8[%parallel_loop3A_202] {strides = array<i32>} : memref<2048xf32, #tpu.memory_space<vmem>>, vector<16xf32>,
          %parallel_loop3A_204 = vector.shape_cast %parallel_loop3A_203 : vector<16xf32> to vector<16xf32>
          %parallel_loop3A_205 = arith.constant 0 : i32
          %parallel_loop3A_206 = arith.constant 32 : i32
          %parallel_loop3A_207 = arith.constant 1 : i32
          scf.for %parallel_loop3A_246 = %parallel_loop3A_205 to %parallel_loop3A_206 step %parallel_loop3A_207  : i32 {
            %parallel_loop3A_247 = arith.constant 4096 : i32
            %parallel_loop3A_248 = arith.muli %parallel_loop3A_93, %parallel_loop3A_247 : i32
            %parallel_loop3A_249 = arith.constant 128 : i32
            %parallel_loop3A_250 = arith.muli %parallel_loop3A_246, %parallel_loop3A_249 : i32
            %parallel_loop3A_251 = arith.addi %parallel_loop3A_248, %parallel_loop3A_250 : i32
            %parallel_loop3A_252 = arith.constant 80 : i32
            %parallel_loop3A_253 = arith.addi %parallel_loop3A_251, %parallel_loop3A_252 : i32
            %parallel_loop3A_254 = arith.index_cast %parallel_loop3A_253 : i32 to index
            %parallel_loop3A_255 = tpu.vector_load %arg5[%parallel_loop3A_254] {strides = array<i32>} : memref<32768xf32, #tpu.memory_space<vmem>>, vector<16xf32>,
            %parallel_loop3A_256 = vector.shape_cast %parallel_loop3A_255 : vector<16xf32> to vector<16xf32>
            %parallel_loop3A_257 = vector.shape_cast %reshape3A : vector<16x1xi32> to vector<16xi32>
            %parallel_loop3A_258 = tpu.dynamic_gather %parallel_loop3A_256[%parallel_loop3A_257] in [0] : vector<16xf32>, vector<16xi32> -> vector<16xf32>
            %parallel_loop3A_259 = arith.mulf %parallel_loop3A_256, %parallel_loop3A_195 : vector<16xf32>
            %parallel_loop3A_260 = arith.mulf %parallel_loop3A_258, %parallel_loop3A_204 : vector<16xf32>
            %parallel_loop3A_261 = arith.addf %parallel_loop3A_259, %parallel_loop3A_260 : vector<16xf32>
            %parallel_loop3A_262 = arith.index_cast %parallel_loop3A_253 : i32 to index
            %parallel_loop3A_263 = tpu.vector_load %arg5[%parallel_loop3A_262] {strides = array<i32>} : memref<32768xf32, #tpu.memory_space<vmem>>, vector<16xf32>,
            %parallel_loop3A_264 = vector.shape_cast %parallel_loop3A_263 : vector<16xf32> to vector<16xf32>
            %parallel_loop3A_265 = vector.shape_cast %parallel_loop3A_261 : vector<16xf32> to vector<16xf32>
            tpu.vector_store %arg5[%parallel_loop3A_262], %parallel_loop3A_265 {strides = array<i32>} : memref<32768xf32, #tpu.memory_space<vmem>>, vector<16xf32>,
          } {sc.loop_unroll_factor = 4 : i64, sc.parallel_access}
          %parallel_loop3A_208 = arith.constant 256 : i32
          %parallel_loop3A_209 = arith.muli %parallel_loop3A_93, %parallel_loop3A_208 : i32
          %parallel_loop3A_210 = arith.constant 96 : i32
          %parallel_loop3A_211 = arith.addi %parallel_loop3A_209, %parallel_loop3A_210 : i32
          %parallel_loop3A_212 = arith.index_cast %parallel_loop3A_211 : i32 to index
          %parallel_loop3A_213 = tpu.vector_load %arg8[%parallel_loop3A_212] {strides = array<i32>} : memref<2048xf32, #tpu.memory_space<vmem>>, vector<16xf32>,
          %parallel_loop3A_214 = vector.shape_cast %parallel_loop3A_213 : vector<16xf32> to vector<16xf32>
          %parallel_loop3A_215 = arith.constant 256 : i32
          %parallel_loop3A_216 = arith.muli %parallel_loop3A_93, %parallel_loop3A_215 : i32
          %parallel_loop3A_217 = arith.constant 128 : i32
          %parallel_loop3A_218 = arith.addi %parallel_loop3A_216, %parallel_loop3A_217 : i32
          %parallel_loop3A_219 = arith.constant 96 : i32
          %parallel_loop3A_220 = arith.addi %parallel_loop3A_218, %parallel_loop3A_219 : i32
          %parallel_loop3A_221 = arith.index_cast %parallel_loop3A_220 : i32 to index
          %parallel_loop3A_222 = tpu.vector_load %arg8[%parallel_loop3A_221] {strides = array<i32>} : memref<2048xf32, #tpu.memory_space<vmem>>, vector<16xf32>,
          %parallel_loop3A_223 = vector.shape_cast %parallel_loop3A_222 : vector<16xf32> to vector<16xf32>
          %parallel_loop3A_224 = arith.constant 0 : i32
          %parallel_loop3A_225 = arith.constant 32 : i32
          %parallel_loop3A_226 = arith.constant 1 : i32
          scf.for %parallel_loop3A_246 = %parallel_loop3A_224 to %parallel_loop3A_225 step %parallel_loop3A_226  : i32 {
            %parallel_loop3A_247 = arith.constant 4096 : i32
            %parallel_loop3A_248 = arith.muli %parallel_loop3A_93, %parallel_loop3A_247 : i32
            %parallel_loop3A_249 = arith.constant 128 : i32
            %parallel_loop3A_250 = arith.muli %parallel_loop3A_246, %parallel_loop3A_249 : i32
            %parallel_loop3A_251 = arith.addi %parallel_loop3A_248, %parallel_loop3A_250 : i32
            %parallel_loop3A_252 = arith.constant 96 : i32
            %parallel_loop3A_253 = arith.addi %parallel_loop3A_251, %parallel_loop3A_252 : i32
            %parallel_loop3A_254 = arith.index_cast %parallel_loop3A_253 : i32 to index
            %parallel_loop3A_255 = tpu.vector_load %arg5[%parallel_loop3A_254] {strides = array<i32>} : memref<32768xf32, #tpu.memory_space<vmem>>, vector<16xf32>,
            %parallel_loop3A_256 = vector.shape_cast %parallel_loop3A_255 : vector<16xf32> to vector<16xf32>
            %parallel_loop3A_257 = vector.shape_cast %reshape3A : vector<16x1xi32> to vector<16xi32>
            %parallel_loop3A_258 = tpu.dynamic_gather %parallel_loop3A_256[%parallel_loop3A_257] in [0] : vector<16xf32>, vector<16xi32> -> vector<16xf32>
            %parallel_loop3A_259 = arith.mulf %parallel_loop3A_256, %parallel_loop3A_214 : vector<16xf32>
            %parallel_loop3A_260 = arith.mulf %parallel_loop3A_258, %parallel_loop3A_223 : vector<16xf32>
            %parallel_loop3A_261 = arith.addf %parallel_loop3A_259, %parallel_loop3A_260 : vector<16xf32>
            %parallel_loop3A_262 = arith.index_cast %parallel_loop3A_253 : i32 to index
            %parallel_loop3A_263 = tpu.vector_load %arg5[%parallel_loop3A_262] {strides = array<i32>} : memref<32768xf32, #tpu.memory_space<vmem>>, vector<16xf32>,
            %parallel_loop3A_264 = vector.shape_cast %parallel_loop3A_263 : vector<16xf32> to vector<16xf32>
            %parallel_loop3A_265 = vector.shape_cast %parallel_loop3A_261 : vector<16xf32> to vector<16xf32>
            tpu.vector_store %arg5[%parallel_loop3A_262], %parallel_loop3A_265 {strides = array<i32>} : memref<32768xf32, #tpu.memory_space<vmem>>, vector<16xf32>,
          } {sc.loop_unroll_factor = 4 : i64, sc.parallel_access}
          %parallel_loop3A_227 = arith.constant 256 : i32
          %parallel_loop3A_228 = arith.muli %parallel_loop3A_93, %parallel_loop3A_227 : i32
          %parallel_loop3A_229 = arith.constant 112 : i32
          %parallel_loop3A_230 = arith.addi %parallel_loop3A_228, %parallel_loop3A_229 : i32
          %parallel_loop3A_231 = arith.index_cast %parallel_loop3A_230 : i32 to index
          %parallel_loop3A_232 = tpu.vector_load %arg8[%parallel_loop3A_231] {strides = array<i32>} : memref<2048xf32, #tpu.memory_space<vmem>>, vector<16xf32>,
          %parallel_loop3A_233 = vector.shape_cast %parallel_loop3A_232 : vector<16xf32> to vector<16xf32>
          %parallel_loop3A_234 = arith.constant 256 : i32
          %parallel_loop3A_235 = arith.muli %parallel_loop3A_93, %parallel_loop3A_234 : i32
          %parallel_loop3A_236 = arith.constant 128 : i32
          %parallel_loop3A_237 = arith.addi %parallel_loop3A_235, %parallel_loop3A_236 : i32
          %parallel_loop3A_238 = arith.constant 112 : i32
          %parallel_loop3A_239 = arith.addi %parallel_loop3A_237, %parallel_loop3A_238 : i32
          %parallel_loop3A_240 = arith.index_cast %parallel_loop3A_239 : i32 to index
          %parallel_loop3A_241 = tpu.vector_load %arg8[%parallel_loop3A_240] {strides = array<i32>} : memref<2048xf32, #tpu.memory_space<vmem>>, vector<16xf32>,
          %parallel_loop3A_242 = vector.shape_cast %parallel_loop3A_241 : vector<16xf32> to vector<16xf32>
          %parallel_loop3A_243 = arith.constant 0 : i32
          %parallel_loop3A_244 = arith.constant 32 : i32
          %parallel_loop3A_245 = arith.constant 1 : i32
          scf.for %parallel_loop3A_246 = %parallel_loop3A_243 to %parallel_loop3A_244 step %parallel_loop3A_245  : i32 {
            %parallel_loop3A_247 = arith.constant 4096 : i32
            %parallel_loop3A_248 = arith.muli %parallel_loop3A_93, %parallel_loop3A_247 : i32
            %parallel_loop3A_249 = arith.constant 128 : i32
            %parallel_loop3A_250 = arith.muli %parallel_loop3A_246, %parallel_loop3A_249 : i32
            %parallel_loop3A_251 = arith.addi %parallel_loop3A_248, %parallel_loop3A_250 : i32
            %parallel_loop3A_252 = arith.constant 112 : i32
            %parallel_loop3A_253 = arith.addi %parallel_loop3A_251, %parallel_loop3A_252 : i32
            %parallel_loop3A_254 = arith.index_cast %parallel_loop3A_253 : i32 to index
            %parallel_loop3A_255 = tpu.vector_load %arg5[%parallel_loop3A_254] {strides = array<i32>} : memref<32768xf32, #tpu.memory_space<vmem>>, vector<16xf32>,
            %parallel_loop3A_256 = vector.shape_cast %parallel_loop3A_255 : vector<16xf32> to vector<16xf32>
            %parallel_loop3A_257 = vector.shape_cast %reshape3A : vector<16x1xi32> to vector<16xi32>
            %parallel_loop3A_258 = tpu.dynamic_gather %parallel_loop3A_256[%parallel_loop3A_257] in [0] : vector<16xf32>, vector<16xi32> -> vector<16xf32>
            %parallel_loop3A_259 = arith.mulf %parallel_loop3A_256, %parallel_loop3A_233 : vector<16xf32>
            %parallel_loop3A_260 = arith.mulf %parallel_loop3A_258, %parallel_loop3A_242 : vector<16xf32>
            %parallel_loop3A_261 = arith.addf %parallel_loop3A_259, %parallel_loop3A_260 : vector<16xf32>
            %parallel_loop3A_262 = arith.index_cast %parallel_loop3A_253 : i32 to index
            %parallel_loop3A_263 = tpu.vector_load %arg5[%parallel_loop3A_262] {strides = array<i32>} : memref<32768xf32, #tpu.memory_space<vmem>>, vector<16xf32>,
            %parallel_loop3A_264 = vector.shape_cast %parallel_loop3A_263 : vector<16xf32> to vector<16xf32>
            %parallel_loop3A_265 = vector.shape_cast %parallel_loop3A_261 : vector<16xf32> to vector<16xf32>
            tpu.vector_store %arg5[%parallel_loop3A_262], %parallel_loop3A_265 {strides = array<i32>} : memref<32768xf32, #tpu.memory_space<vmem>>, vector<16xf32>,
          } {sc.loop_unroll_factor = 4 : i64, sc.parallel_access}
        } {sc.loop_unroll_factor = 1 : i64, sc.parallel_access}
        %mul3A_75 = arith.constant 8 : i32
        %mul3A_76 = arith.muli %add3A_42, %mul3A_75 : i32
        %add3A_77 = arith.addi %mul3A_2, %mul3A_76 : i32
        %mul3A_78 = arith.constant 4096 : i32
        %mul3A_79 = arith.muli %add3A_77, %mul3A_78 : i32
        %dma_start3A_80 = tpu.memref_slice %arg4[%mul3A_79] : memref<16777216xf32, #tpu.memory_space<hbm>> -> memref<32768xf32, #tpu.memory_space<hbm>>
        %dma_start3A_81 = tpu.memref_slice %arg4[%mul3A_79] : memref<16777216xf32, #tpu.memory_space<hbm>> -> memref<32768xf32, #tpu.memory_space<hbm>>
        tpu.enqueue_dma source(%arg5 : memref<32768xf32, #tpu.memory_space<vmem>>) target(%dma_start3A_81 : memref<32768xf32, #tpu.memory_space<hbm>>) target_semaphore(%arg14 : memref<!tpu.dma_semaphore, #tpu.memory_space<semaphore_mem>>)
        %ge3A = arith.constant 1 : i32
        %ge3A_82 = arith.cmpi sge, %add3A_42, %ge3A : i32
        %convert_element_type3A_83 = arith.extui %ge3A_82 : i1 to i32
        %cond3A_84 = arith.constant 0 : i32
        %cond3A_85 = arith.cmpi ne, %convert_element_type3A_83, %cond3A_84 : i32
        scf.if %cond3A_85 {
          %sub3A = arith.constant 1 : i32
          %sub3A_93 = arith.subi %add3A_42, %sub3A : i32
          %mul3A_94 = arith.constant 8 : i32
          %mul3A_95 = arith.muli %sub3A_93, %mul3A_94 : i32
          %add3A_96 = arith.addi %mul3A_2, %mul3A_95 : i32
          %mul3A_97 = arith.constant 4096 : i32
          %mul3A_98 = arith.muli %add3A_96, %mul3A_97 : i32
          %dma_wait3A_99 = tpu.memref_slice %arg4[%mul3A_98] : memref<16777216xf32, #tpu.memory_space<hbm>> -> memref<32768xf32, #tpu.memory_space<hbm>>
          %dma_wait3A_100 = tpu.memref_slice %arg4[%mul3A_98] : memref<16777216xf32, #tpu.memory_space<hbm>> -> memref<32768xf32, #tpu.memory_space<hbm>>
          tpu.wait_dma2 semaphore(%arg16 : memref<!tpu.dma_semaphore, #tpu.memory_space<semaphore_mem>>) src(%arg7 : memref<32768xf32, #tpu.memory_space<vmem>>) dst(%dma_wait3A_100 : memref<32768xf32, #tpu.memory_space<hbm>>)
        } else {
        }
        %add3A_86 = arith.constant 2 : i32
        %add3A_87 = arith.addi %add3A_42, %add3A_86 : i32
        %lt3A_88 = arith.constant 16 : i32
        %lt3A_89 = arith.cmpi slt, %add3A_87, %lt3A_88 : i32
        %convert_element_type3A_90 = arith.extui %lt3A_89 : i1 to i32
        %cond3A_91 = arith.constant 0 : i32
        %cond3A_92 = arith.cmpi ne, %convert_element_type3A_90, %cond3A_91 : i32
        scf.if %cond3A_92 {
          %add3A_93 = arith.constant 2 : i32
          %add3A_94 = arith.addi %add3A_42, %add3A_93 : i32
          %mul3A_95 = arith.constant 8 : i32
          %mul3A_96 = arith.muli %add3A_94, %mul3A_95 : i32
          %add3A_97 = arith.addi %mul3A_2, %mul3A_96 : i32
          %mul3A_98 = arith.constant 4096 : i32
          %mul3A_99 = arith.muli %add3A_97, %mul3A_98 : i32
          %mul3A_100 = arith.constant 8 : i32
          %mul3A_101 = arith.muli %add3A_94, %mul3A_100 : i32
          %add3A_102 = arith.addi %mul3A_2, %mul3A_101 : i32
          %mul3A_103 = arith.constant 256 : i32
          %mul3A_104 = arith.muli %add3A_102, %mul3A_103 : i32
          %dma_start3A_105 = tpu.memref_slice %arg2[%mul3A_99] : memref<16777216xf32, #tpu.memory_space<hbm>> -> memref<32768xf32, #tpu.memory_space<hbm>>
          %dma_start3A_106 = tpu.memref_slice %arg2[%mul3A_99] : memref<16777216xf32, #tpu.memory_space<hbm>> -> memref<32768xf32, #tpu.memory_space<hbm>>
          tpu.enqueue_dma source(%dma_start3A_106 : memref<32768xf32, #tpu.memory_space<hbm>>) target(%arg7 : memref<32768xf32, #tpu.memory_space<vmem>>) target_semaphore(%arg13 : memref<!tpu.dma_semaphore, #tpu.memory_space<semaphore_mem>>)
          %dma_start3A_107 = tpu.memref_slice %arg3[%mul3A_104] : memref<1048576xf32, #tpu.memory_space<hbm>> -> memref<2048xf32, #tpu.memory_space<hbm>>
          %dma_start3A_108 = tpu.memref_slice %arg3[%mul3A_104] : memref<1048576xf32, #tpu.memory_space<hbm>> -> memref<2048xf32, #tpu.memory_space<hbm>>
          tpu.enqueue_dma source(%dma_start3A_108 : memref<2048xf32, #tpu.memory_space<hbm>>) target(%arg10 : memref<2048xf32, #tpu.memory_space<vmem>>) target_semaphore(%arg13 : memref<!tpu.dma_semaphore, #tpu.memory_space<semaphore_mem>>)
        } else {
        }
      } else {
      }
      %add3A_45 = arith.constant 1 : i32
      %add3A_46 = arith.addi %mul3A_40, %add3A_45 : i32
      %lt3A_47 = arith.constant 16 : i32
      %lt3A_48 = arith.cmpi slt, %add3A_46, %lt3A_47 : i32
      %convert_element_type3A_49 = arith.extui %lt3A_48 : i1 to i32
      %cond3A_50 = arith.constant 0 : i32
      %cond3A_51 = arith.cmpi ne, %convert_element_type3A_49, %cond3A_50 : i32
      scf.if %cond3A_51 {
        %mul3A_59 = arith.constant 8 : i32
        %mul3A_60 = arith.muli %add3A_46, %mul3A_59 : i32
        %add3A_61 = arith.addi %mul3A_2, %mul3A_60 : i32
        %mul3A_62 = arith.constant 4096 : i32
        %mul3A_63 = arith.muli %add3A_61, %mul3A_62 : i32
        %mul3A_64 = arith.constant 8 : i32
        %mul3A_65 = arith.muli %add3A_46, %mul3A_64 : i32
        %add3A_66 = arith.addi %mul3A_2, %mul3A_65 : i32
        %mul3A_67 = arith.constant 256 : i32
        %mul3A_68 = arith.muli %add3A_66, %mul3A_67 : i32
        %dma_wait3A_69 = tpu.memref_slice %arg2[%mul3A_63] : memref<16777216xf32, #tpu.memory_space<hbm>> -> memref<32768xf32, #tpu.memory_space<hbm>>
        %dma_wait3A_70 = tpu.memref_slice %arg2[%mul3A_63] : memref<16777216xf32, #tpu.memory_space<hbm>> -> memref<32768xf32, #tpu.memory_space<hbm>>
        tpu.wait_dma2 semaphore(%arg12 : memref<!tpu.dma_semaphore, #tpu.memory_space<semaphore_mem>>) src(%dma_wait3A_70 : memref<32768xf32, #tpu.memory_space<hbm>>) dst(%arg6 : memref<32768xf32, #tpu.memory_space<vmem>>)
        %dma_wait3A_71 = tpu.memref_slice %arg3[%mul3A_68] : memref<1048576xf32, #tpu.memory_space<hbm>> -> memref<2048xf32, #tpu.memory_space<hbm>>
        %dma_wait3A_72 = tpu.memref_slice %arg3[%mul3A_68] : memref<1048576xf32, #tpu.memory_space<hbm>> -> memref<2048xf32, #tpu.memory_space<hbm>>
        tpu.wait_dma2 semaphore(%arg12 : memref<!tpu.dma_semaphore, #tpu.memory_space<semaphore_mem>>) src(%dma_wait3A_72 : memref<2048xf32, #tpu.memory_space<hbm>>) dst(%arg9 : memref<2048xf32, #tpu.memory_space<vmem>>)
        %parallel_loop3A = arith.constant 0 : i32
        %parallel_loop3A_73 = arith.constant 8 : i32
        %parallel_loop3A_74 = arith.constant 1 : i32
        scf.for %parallel_loop3A_93 = %parallel_loop3A to %parallel_loop3A_73 step %parallel_loop3A_74  : i32 {
          %parallel_loop3A_94 = arith.constant 256 : i32
          %parallel_loop3A_95 = arith.muli %parallel_loop3A_93, %parallel_loop3A_94 : i32
          %parallel_loop3A_96 = arith.constant 0 : i32
          %parallel_loop3A_97 = arith.addi %parallel_loop3A_95, %parallel_loop3A_96 : i32
          %parallel_loop3A_98 = arith.index_cast %parallel_loop3A_97 : i32 to index
          %parallel_loop3A_99 = tpu.vector_load %arg9[%parallel_loop3A_98] {strides = array<i32>} : memref<2048xf32, #tpu.memory_space<vmem>>, vector<16xf32>,
          %parallel_loop3A_100 = vector.shape_cast %parallel_loop3A_99 : vector<16xf32> to vector<16xf32>
          %parallel_loop3A_101 = arith.constant 256 : i32
          %parallel_loop3A_102 = arith.muli %parallel_loop3A_93, %parallel_loop3A_101 : i32
          %parallel_loop3A_103 = arith.constant 128 : i32
          %parallel_loop3A_104 = arith.addi %parallel_loop3A_102, %parallel_loop3A_103 : i32
          %parallel_loop3A_105 = arith.constant 0 : i32
          %parallel_loop3A_106 = arith.addi %parallel_loop3A_104, %parallel_loop3A_105 : i32
          %parallel_loop3A_107 = arith.index_cast %parallel_loop3A_106 : i32 to index
          %parallel_loop3A_108 = tpu.vector_load %arg9[%parallel_loop3A_107] {strides = array<i32>} : memref<2048xf32, #tpu.memory_space<vmem>>, vector<16xf32>,
          %parallel_loop3A_109 = vector.shape_cast %parallel_loop3A_108 : vector<16xf32> to vector<16xf32>
          %parallel_loop3A_110 = arith.constant 0 : i32
          %parallel_loop3A_111 = arith.constant 32 : i32
          %parallel_loop3A_112 = arith.constant 1 : i32
          scf.for %parallel_loop3A_246 = %parallel_loop3A_110 to %parallel_loop3A_111 step %parallel_loop3A_112  : i32 {
            %parallel_loop3A_247 = arith.constant 4096 : i32
            %parallel_loop3A_248 = arith.muli %parallel_loop3A_93, %parallel_loop3A_247 : i32
            %parallel_loop3A_249 = arith.constant 128 : i32
            %parallel_loop3A_250 = arith.muli %parallel_loop3A_246, %parallel_loop3A_249 : i32
            %parallel_loop3A_251 = arith.addi %parallel_loop3A_248, %parallel_loop3A_250 : i32
            %parallel_loop3A_252 = arith.constant 0 : i32
            %parallel_loop3A_253 = arith.addi %parallel_loop3A_251, %parallel_loop3A_252 : i32
            %parallel_loop3A_254 = arith.index_cast %parallel_loop3A_253 : i32 to index
            %parallel_loop3A_255 = tpu.vector_load %arg6[%parallel_loop3A_254] {strides = array<i32>} : memref<32768xf32, #tpu.memory_space<vmem>>, vector<16xf32>,
            %parallel_loop3A_256 = vector.shape_cast %parallel_loop3A_255 : vector<16xf32> to vector<16xf32>
            %parallel_loop3A_257 = vector.shape_cast %reshape3A : vector<16x1xi32> to vector<16xi32>
            %parallel_loop3A_258 = tpu.dynamic_gather %parallel_loop3A_256[%parallel_loop3A_257] in [0] : vector<16xf32>, vector<16xi32> -> vector<16xf32>
            %parallel_loop3A_259 = arith.mulf %parallel_loop3A_256, %parallel_loop3A_100 : vector<16xf32>
            %parallel_loop3A_260 = arith.mulf %parallel_loop3A_258, %parallel_loop3A_109 : vector<16xf32>
            %parallel_loop3A_261 = arith.addf %parallel_loop3A_259, %parallel_loop3A_260 : vector<16xf32>
            %parallel_loop3A_262 = arith.index_cast %parallel_loop3A_253 : i32 to index
            %parallel_loop3A_263 = tpu.vector_load %arg6[%parallel_loop3A_262] {strides = array<i32>} : memref<32768xf32, #tpu.memory_space<vmem>>, vector<16xf32>,
            %parallel_loop3A_264 = vector.shape_cast %parallel_loop3A_263 : vector<16xf32> to vector<16xf32>
            %parallel_loop3A_265 = vector.shape_cast %parallel_loop3A_261 : vector<16xf32> to vector<16xf32>
            tpu.vector_store %arg6[%parallel_loop3A_262], %parallel_loop3A_265 {strides = array<i32>} : memref<32768xf32, #tpu.memory_space<vmem>>, vector<16xf32>,
          } {sc.loop_unroll_factor = 4 : i64, sc.parallel_access}
          %parallel_loop3A_113 = arith.constant 256 : i32
          %parallel_loop3A_114 = arith.muli %parallel_loop3A_93, %parallel_loop3A_113 : i32
          %parallel_loop3A_115 = arith.constant 16 : i32
          %parallel_loop3A_116 = arith.addi %parallel_loop3A_114, %parallel_loop3A_115 : i32
          %parallel_loop3A_117 = arith.index_cast %parallel_loop3A_116 : i32 to index
          %parallel_loop3A_118 = tpu.vector_load %arg9[%parallel_loop3A_117] {strides = array<i32>} : memref<2048xf32, #tpu.memory_space<vmem>>, vector<16xf32>,
          %parallel_loop3A_119 = vector.shape_cast %parallel_loop3A_118 : vector<16xf32> to vector<16xf32>
          %parallel_loop3A_120 = arith.constant 256 : i32
          %parallel_loop3A_121 = arith.muli %parallel_loop3A_93, %parallel_loop3A_120 : i32
          %parallel_loop3A_122 = arith.constant 128 : i32
          %parallel_loop3A_123 = arith.addi %parallel_loop3A_121, %parallel_loop3A_122 : i32
          %parallel_loop3A_124 = arith.constant 16 : i32
          %parallel_loop3A_125 = arith.addi %parallel_loop3A_123, %parallel_loop3A_124 : i32
          %parallel_loop3A_126 = arith.index_cast %parallel_loop3A_125 : i32 to index
          %parallel_loop3A_127 = tpu.vector_load %arg9[%parallel_loop3A_126] {strides = array<i32>} : memref<2048xf32, #tpu.memory_space<vmem>>, vector<16xf32>,
          %parallel_loop3A_128 = vector.shape_cast %parallel_loop3A_127 : vector<16xf32> to vector<16xf32>
          %parallel_loop3A_129 = arith.constant 0 : i32
          %parallel_loop3A_130 = arith.constant 32 : i32
          %parallel_loop3A_131 = arith.constant 1 : i32
          scf.for %parallel_loop3A_246 = %parallel_loop3A_129 to %parallel_loop3A_130 step %parallel_loop3A_131  : i32 {
            %parallel_loop3A_247 = arith.constant 4096 : i32
            %parallel_loop3A_248 = arith.muli %parallel_loop3A_93, %parallel_loop3A_247 : i32
            %parallel_loop3A_249 = arith.constant 128 : i32
            %parallel_loop3A_250 = arith.muli %parallel_loop3A_246, %parallel_loop3A_249 : i32
            %parallel_loop3A_251 = arith.addi %parallel_loop3A_248, %parallel_loop3A_250 : i32
            %parallel_loop3A_252 = arith.constant 16 : i32
            %parallel_loop3A_253 = arith.addi %parallel_loop3A_251, %parallel_loop3A_252 : i32
            %parallel_loop3A_254 = arith.index_cast %parallel_loop3A_253 : i32 to index
            %parallel_loop3A_255 = tpu.vector_load %arg6[%parallel_loop3A_254] {strides = array<i32>} : memref<32768xf32, #tpu.memory_space<vmem>>, vector<16xf32>,
            %parallel_loop3A_256 = vector.shape_cast %parallel_loop3A_255 : vector<16xf32> to vector<16xf32>
            %parallel_loop3A_257 = vector.shape_cast %reshape3A : vector<16x1xi32> to vector<16xi32>
            %parallel_loop3A_258 = tpu.dynamic_gather %parallel_loop3A_256[%parallel_loop3A_257] in [0] : vector<16xf32>, vector<16xi32> -> vector<16xf32>
            %parallel_loop3A_259 = arith.mulf %parallel_loop3A_256, %parallel_loop3A_119 : vector<16xf32>
            %parallel_loop3A_260 = arith.mulf %parallel_loop3A_258, %parallel_loop3A_128 : vector<16xf32>
            %parallel_loop3A_261 = arith.addf %parallel_loop3A_259, %parallel_loop3A_260 : vector<16xf32>
            %parallel_loop3A_262 = arith.index_cast %parallel_loop3A_253 : i32 to index
            %parallel_loop3A_263 = tpu.vector_load %arg6[%parallel_loop3A_262] {strides = array<i32>} : memref<32768xf32, #tpu.memory_space<vmem>>, vector<16xf32>,
            %parallel_loop3A_264 = vector.shape_cast %parallel_loop3A_263 : vector<16xf32> to vector<16xf32>
            %parallel_loop3A_265 = vector.shape_cast %parallel_loop3A_261 : vector<16xf32> to vector<16xf32>
            tpu.vector_store %arg6[%parallel_loop3A_262], %parallel_loop3A_265 {strides = array<i32>} : memref<32768xf32, #tpu.memory_space<vmem>>, vector<16xf32>,
          } {sc.loop_unroll_factor = 4 : i64, sc.parallel_access}
          %parallel_loop3A_132 = arith.constant 256 : i32
          %parallel_loop3A_133 = arith.muli %parallel_loop3A_93, %parallel_loop3A_132 : i32
          %parallel_loop3A_134 = arith.constant 32 : i32
          %parallel_loop3A_135 = arith.addi %parallel_loop3A_133, %parallel_loop3A_134 : i32
          %parallel_loop3A_136 = arith.index_cast %parallel_loop3A_135 : i32 to index
          %parallel_loop3A_137 = tpu.vector_load %arg9[%parallel_loop3A_136] {strides = array<i32>} : memref<2048xf32, #tpu.memory_space<vmem>>, vector<16xf32>,
          %parallel_loop3A_138 = vector.shape_cast %parallel_loop3A_137 : vector<16xf32> to vector<16xf32>
          %parallel_loop3A_139 = arith.constant 256 : i32
          %parallel_loop3A_140 = arith.muli %parallel_loop3A_93, %parallel_loop3A_139 : i32
          %parallel_loop3A_141 = arith.constant 128 : i32
          %parallel_loop3A_142 = arith.addi %parallel_loop3A_140, %parallel_loop3A_141 : i32
          %parallel_loop3A_143 = arith.constant 32 : i32
          %parallel_loop3A_144 = arith.addi %parallel_loop3A_142, %parallel_loop3A_143 : i32
          %parallel_loop3A_145 = arith.index_cast %parallel_loop3A_144 : i32 to index
          %parallel_loop3A_146 = tpu.vector_load %arg9[%parallel_loop3A_145] {strides = array<i32>} : memref<2048xf32, #tpu.memory_space<vmem>>, vector<16xf32>,
          %parallel_loop3A_147 = vector.shape_cast %parallel_loop3A_146 : vector<16xf32> to vector<16xf32>
          %parallel_loop3A_148 = arith.constant 0 : i32
          %parallel_loop3A_149 = arith.constant 32 : i32
          %parallel_loop3A_150 = arith.constant 1 : i32
          scf.for %parallel_loop3A_246 = %parallel_loop3A_148 to %parallel_loop3A_149 step %parallel_loop3A_150  : i32 {
            %parallel_loop3A_247 = arith.constant 4096 : i32
            %parallel_loop3A_248 = arith.muli %parallel_loop3A_93, %parallel_loop3A_247 : i32
            %parallel_loop3A_249 = arith.constant 128 : i32
            %parallel_loop3A_250 = arith.muli %parallel_loop3A_246, %parallel_loop3A_249 : i32
            %parallel_loop3A_251 = arith.addi %parallel_loop3A_248, %parallel_loop3A_250 : i32
            %parallel_loop3A_252 = arith.constant 32 : i32
            %parallel_loop3A_253 = arith.addi %parallel_loop3A_251, %parallel_loop3A_252 : i32
            %parallel_loop3A_254 = arith.index_cast %parallel_loop3A_253 : i32 to index
            %parallel_loop3A_255 = tpu.vector_load %arg6[%parallel_loop3A_254] {strides = array<i32>} : memref<32768xf32, #tpu.memory_space<vmem>>, vector<16xf32>,
            %parallel_loop3A_256 = vector.shape_cast %parallel_loop3A_255 : vector<16xf32> to vector<16xf32>
            %parallel_loop3A_257 = vector.shape_cast %reshape3A : vector<16x1xi32> to vector<16xi32>
            %parallel_loop3A_258 = tpu.dynamic_gather %parallel_loop3A_256[%parallel_loop3A_257] in [0] : vector<16xf32>, vector<16xi32> -> vector<16xf32>
            %parallel_loop3A_259 = arith.mulf %parallel_loop3A_256, %parallel_loop3A_138 : vector<16xf32>
            %parallel_loop3A_260 = arith.mulf %parallel_loop3A_258, %parallel_loop3A_147 : vector<16xf32>
            %parallel_loop3A_261 = arith.addf %parallel_loop3A_259, %parallel_loop3A_260 : vector<16xf32>
            %parallel_loop3A_262 = arith.index_cast %parallel_loop3A_253 : i32 to index
            %parallel_loop3A_263 = tpu.vector_load %arg6[%parallel_loop3A_262] {strides = array<i32>} : memref<32768xf32, #tpu.memory_space<vmem>>, vector<16xf32>,
            %parallel_loop3A_264 = vector.shape_cast %parallel_loop3A_263 : vector<16xf32> to vector<16xf32>
            %parallel_loop3A_265 = vector.shape_cast %parallel_loop3A_261 : vector<16xf32> to vector<16xf32>
            tpu.vector_store %arg6[%parallel_loop3A_262], %parallel_loop3A_265 {strides = array<i32>} : memref<32768xf32, #tpu.memory_space<vmem>>, vector<16xf32>,
          } {sc.loop_unroll_factor = 4 : i64, sc.parallel_access}
          %parallel_loop3A_151 = arith.constant 256 : i32
          %parallel_loop3A_152 = arith.muli %parallel_loop3A_93, %parallel_loop3A_151 : i32
          %parallel_loop3A_153 = arith.constant 48 : i32
          %parallel_loop3A_154 = arith.addi %parallel_loop3A_152, %parallel_loop3A_153 : i32
          %parallel_loop3A_155 = arith.index_cast %parallel_loop3A_154 : i32 to index
          %parallel_loop3A_156 = tpu.vector_load %arg9[%parallel_loop3A_155] {strides = array<i32>} : memref<2048xf32, #tpu.memory_space<vmem>>, vector<16xf32>,
          %parallel_loop3A_157 = vector.shape_cast %parallel_loop3A_156 : vector<16xf32> to vector<16xf32>
          %parallel_loop3A_158 = arith.constant 256 : i32
          %parallel_loop3A_159 = arith.muli %parallel_loop3A_93, %parallel_loop3A_158 : i32
          %parallel_loop3A_160 = arith.constant 128 : i32
          %parallel_loop3A_161 = arith.addi %parallel_loop3A_159, %parallel_loop3A_160 : i32
          %parallel_loop3A_162 = arith.constant 48 : i32
          %parallel_loop3A_163 = arith.addi %parallel_loop3A_161, %parallel_loop3A_162 : i32
          %parallel_loop3A_164 = arith.index_cast %parallel_loop3A_163 : i32 to index
          %parallel_loop3A_165 = tpu.vector_load %arg9[%parallel_loop3A_164] {strides = array<i32>} : memref<2048xf32, #tpu.memory_space<vmem>>, vector<16xf32>,
          %parallel_loop3A_166 = vector.shape_cast %parallel_loop3A_165 : vector<16xf32> to vector<16xf32>
          %parallel_loop3A_167 = arith.constant 0 : i32
          %parallel_loop3A_168 = arith.constant 32 : i32
          %parallel_loop3A_169 = arith.constant 1 : i32
          scf.for %parallel_loop3A_246 = %parallel_loop3A_167 to %parallel_loop3A_168 step %parallel_loop3A_169  : i32 {
            %parallel_loop3A_247 = arith.constant 4096 : i32
            %parallel_loop3A_248 = arith.muli %parallel_loop3A_93, %parallel_loop3A_247 : i32
            %parallel_loop3A_249 = arith.constant 128 : i32
            %parallel_loop3A_250 = arith.muli %parallel_loop3A_246, %parallel_loop3A_249 : i32
            %parallel_loop3A_251 = arith.addi %parallel_loop3A_248, %parallel_loop3A_250 : i32
            %parallel_loop3A_252 = arith.constant 48 : i32
            %parallel_loop3A_253 = arith.addi %parallel_loop3A_251, %parallel_loop3A_252 : i32
            %parallel_loop3A_254 = arith.index_cast %parallel_loop3A_253 : i32 to index
            %parallel_loop3A_255 = tpu.vector_load %arg6[%parallel_loop3A_254] {strides = array<i32>} : memref<32768xf32, #tpu.memory_space<vmem>>, vector<16xf32>,
            %parallel_loop3A_256 = vector.shape_cast %parallel_loop3A_255 : vector<16xf32> to vector<16xf32>
            %parallel_loop3A_257 = vector.shape_cast %reshape3A : vector<16x1xi32> to vector<16xi32>
            %parallel_loop3A_258 = tpu.dynamic_gather %parallel_loop3A_256[%parallel_loop3A_257] in [0] : vector<16xf32>, vector<16xi32> -> vector<16xf32>
            %parallel_loop3A_259 = arith.mulf %parallel_loop3A_256, %parallel_loop3A_157 : vector<16xf32>
            %parallel_loop3A_260 = arith.mulf %parallel_loop3A_258, %parallel_loop3A_166 : vector<16xf32>
            %parallel_loop3A_261 = arith.addf %parallel_loop3A_259, %parallel_loop3A_260 : vector<16xf32>
            %parallel_loop3A_262 = arith.index_cast %parallel_loop3A_253 : i32 to index
            %parallel_loop3A_263 = tpu.vector_load %arg6[%parallel_loop3A_262] {strides = array<i32>} : memref<32768xf32, #tpu.memory_space<vmem>>, vector<16xf32>,
            %parallel_loop3A_264 = vector.shape_cast %parallel_loop3A_263 : vector<16xf32> to vector<16xf32>
            %parallel_loop3A_265 = vector.shape_cast %parallel_loop3A_261 : vector<16xf32> to vector<16xf32>
            tpu.vector_store %arg6[%parallel_loop3A_262], %parallel_loop3A_265 {strides = array<i32>} : memref<32768xf32, #tpu.memory_space<vmem>>, vector<16xf32>,
          } {sc.loop_unroll_factor = 4 : i64, sc.parallel_access}
          %parallel_loop3A_170 = arith.constant 256 : i32
          %parallel_loop3A_171 = arith.muli %parallel_loop3A_93, %parallel_loop3A_170 : i32
          %parallel_loop3A_172 = arith.constant 64 : i32
          %parallel_loop3A_173 = arith.addi %parallel_loop3A_171, %parallel_loop3A_172 : i32
          %parallel_loop3A_174 = arith.index_cast %parallel_loop3A_173 : i32 to index
          %parallel_loop3A_175 = tpu.vector_load %arg9[%parallel_loop3A_174] {strides = array<i32>} : memref<2048xf32, #tpu.memory_space<vmem>>, vector<16xf32>,
          %parallel_loop3A_176 = vector.shape_cast %parallel_loop3A_175 : vector<16xf32> to vector<16xf32>
          %parallel_loop3A_177 = arith.constant 256 : i32
          %parallel_loop3A_178 = arith.muli %parallel_loop3A_93, %parallel_loop3A_177 : i32
          %parallel_loop3A_179 = arith.constant 128 : i32
          %parallel_loop3A_180 = arith.addi %parallel_loop3A_178, %parallel_loop3A_179 : i32
          %parallel_loop3A_181 = arith.constant 64 : i32
          %parallel_loop3A_182 = arith.addi %parallel_loop3A_180, %parallel_loop3A_181 : i32
          %parallel_loop3A_183 = arith.index_cast %parallel_loop3A_182 : i32 to index
          %parallel_loop3A_184 = tpu.vector_load %arg9[%parallel_loop3A_183] {strides = array<i32>} : memref<2048xf32, #tpu.memory_space<vmem>>, vector<16xf32>,
          %parallel_loop3A_185 = vector.shape_cast %parallel_loop3A_184 : vector<16xf32> to vector<16xf32>
          %parallel_loop3A_186 = arith.constant 0 : i32
          %parallel_loop3A_187 = arith.constant 32 : i32
          %parallel_loop3A_188 = arith.constant 1 : i32
          scf.for %parallel_loop3A_246 = %parallel_loop3A_186 to %parallel_loop3A_187 step %parallel_loop3A_188  : i32 {
            %parallel_loop3A_247 = arith.constant 4096 : i32
            %parallel_loop3A_248 = arith.muli %parallel_loop3A_93, %parallel_loop3A_247 : i32
            %parallel_loop3A_249 = arith.constant 128 : i32
            %parallel_loop3A_250 = arith.muli %parallel_loop3A_246, %parallel_loop3A_249 : i32
            %parallel_loop3A_251 = arith.addi %parallel_loop3A_248, %parallel_loop3A_250 : i32
            %parallel_loop3A_252 = arith.constant 64 : i32
            %parallel_loop3A_253 = arith.addi %parallel_loop3A_251, %parallel_loop3A_252 : i32
            %parallel_loop3A_254 = arith.index_cast %parallel_loop3A_253 : i32 to index
            %parallel_loop3A_255 = tpu.vector_load %arg6[%parallel_loop3A_254] {strides = array<i32>} : memref<32768xf32, #tpu.memory_space<vmem>>, vector<16xf32>,
            %parallel_loop3A_256 = vector.shape_cast %parallel_loop3A_255 : vector<16xf32> to vector<16xf32>
            %parallel_loop3A_257 = vector.shape_cast %reshape3A : vector<16x1xi32> to vector<16xi32>
            %parallel_loop3A_258 = tpu.dynamic_gather %parallel_loop3A_256[%parallel_loop3A_257] in [0] : vector<16xf32>, vector<16xi32> -> vector<16xf32>
            %parallel_loop3A_259 = arith.mulf %parallel_loop3A_256, %parallel_loop3A_176 : vector<16xf32>
            %parallel_loop3A_260 = arith.mulf %parallel_loop3A_258, %parallel_loop3A_185 : vector<16xf32>
            %parallel_loop3A_261 = arith.addf %parallel_loop3A_259, %parallel_loop3A_260 : vector<16xf32>
            %parallel_loop3A_262 = arith.index_cast %parallel_loop3A_253 : i32 to index
            %parallel_loop3A_263 = tpu.vector_load %arg6[%parallel_loop3A_262] {strides = array<i32>} : memref<32768xf32, #tpu.memory_space<vmem>>, vector<16xf32>,
            %parallel_loop3A_264 = vector.shape_cast %parallel_loop3A_263 : vector<16xf32> to vector<16xf32>
            %parallel_loop3A_265 = vector.shape_cast %parallel_loop3A_261 : vector<16xf32> to vector<16xf32>
            tpu.vector_store %arg6[%parallel_loop3A_262], %parallel_loop3A_265 {strides = array<i32>} : memref<32768xf32, #tpu.memory_space<vmem>>, vector<16xf32>,
          } {sc.loop_unroll_factor = 4 : i64, sc.parallel_access}
          %parallel_loop3A_189 = arith.constant 256 : i32
          %parallel_loop3A_190 = arith.muli %parallel_loop3A_93, %parallel_loop3A_189 : i32
          %parallel_loop3A_191 = arith.constant 80 : i32
          %parallel_loop3A_192 = arith.addi %parallel_loop3A_190, %parallel_loop3A_191 : i32
          %parallel_loop3A_193 = arith.index_cast %parallel_loop3A_192 : i32 to index
          %parallel_loop3A_194 = tpu.vector_load %arg9[%parallel_loop3A_193] {strides = array<i32>} : memref<2048xf32, #tpu.memory_space<vmem>>, vector<16xf32>,
          %parallel_loop3A_195 = vector.shape_cast %parallel_loop3A_194 : vector<16xf32> to vector<16xf32>
          %parallel_loop3A_196 = arith.constant 256 : i32
          %parallel_loop3A_197 = arith.muli %parallel_loop3A_93, %parallel_loop3A_196 : i32
          %parallel_loop3A_198 = arith.constant 128 : i32
          %parallel_loop3A_199 = arith.addi %parallel_loop3A_197, %parallel_loop3A_198 : i32
          %parallel_loop3A_200 = arith.constant 80 : i32
          %parallel_loop3A_201 = arith.addi %parallel_loop3A_199, %parallel_loop3A_200 : i32
          %parallel_loop3A_202 = arith.index_cast %parallel_loop3A_201 : i32 to index
          %parallel_loop3A_203 = tpu.vector_load %arg9[%parallel_loop3A_202] {strides = array<i32>} : memref<2048xf32, #tpu.memory_space<vmem>>, vector<16xf32>,
          %parallel_loop3A_204 = vector.shape_cast %parallel_loop3A_203 : vector<16xf32> to vector<16xf32>
          %parallel_loop3A_205 = arith.constant 0 : i32
          %parallel_loop3A_206 = arith.constant 32 : i32
          %parallel_loop3A_207 = arith.constant 1 : i32
          scf.for %parallel_loop3A_246 = %parallel_loop3A_205 to %parallel_loop3A_206 step %parallel_loop3A_207  : i32 {
            %parallel_loop3A_247 = arith.constant 4096 : i32
            %parallel_loop3A_248 = arith.muli %parallel_loop3A_93, %parallel_loop3A_247 : i32
            %parallel_loop3A_249 = arith.constant 128 : i32
            %parallel_loop3A_250 = arith.muli %parallel_loop3A_246, %parallel_loop3A_249 : i32
            %parallel_loop3A_251 = arith.addi %parallel_loop3A_248, %parallel_loop3A_250 : i32
            %parallel_loop3A_252 = arith.constant 80 : i32
            %parallel_loop3A_253 = arith.addi %parallel_loop3A_251, %parallel_loop3A_252 : i32
            %parallel_loop3A_254 = arith.index_cast %parallel_loop3A_253 : i32 to index
            %parallel_loop3A_255 = tpu.vector_load %arg6[%parallel_loop3A_254] {strides = array<i32>} : memref<32768xf32, #tpu.memory_space<vmem>>, vector<16xf32>,
            %parallel_loop3A_256 = vector.shape_cast %parallel_loop3A_255 : vector<16xf32> to vector<16xf32>
            %parallel_loop3A_257 = vector.shape_cast %reshape3A : vector<16x1xi32> to vector<16xi32>
            %parallel_loop3A_258 = tpu.dynamic_gather %parallel_loop3A_256[%parallel_loop3A_257] in [0] : vector<16xf32>, vector<16xi32> -> vector<16xf32>
            %parallel_loop3A_259 = arith.mulf %parallel_loop3A_256, %parallel_loop3A_195 : vector<16xf32>
            %parallel_loop3A_260 = arith.mulf %parallel_loop3A_258, %parallel_loop3A_204 : vector<16xf32>
            %parallel_loop3A_261 = arith.addf %parallel_loop3A_259, %parallel_loop3A_260 : vector<16xf32>
            %parallel_loop3A_262 = arith.index_cast %parallel_loop3A_253 : i32 to index
            %parallel_loop3A_263 = tpu.vector_load %arg6[%parallel_loop3A_262] {strides = array<i32>} : memref<32768xf32, #tpu.memory_space<vmem>>, vector<16xf32>,
            %parallel_loop3A_264 = vector.shape_cast %parallel_loop3A_263 : vector<16xf32> to vector<16xf32>
            %parallel_loop3A_265 = vector.shape_cast %parallel_loop3A_261 : vector<16xf32> to vector<16xf32>
            tpu.vector_store %arg6[%parallel_loop3A_262], %parallel_loop3A_265 {strides = array<i32>} : memref<32768xf32, #tpu.memory_space<vmem>>, vector<16xf32>,
          } {sc.loop_unroll_factor = 4 : i64, sc.parallel_access}
          %parallel_loop3A_208 = arith.constant 256 : i32
          %parallel_loop3A_209 = arith.muli %parallel_loop3A_93, %parallel_loop3A_208 : i32
          %parallel_loop3A_210 = arith.constant 96 : i32
          %parallel_loop3A_211 = arith.addi %parallel_loop3A_209, %parallel_loop3A_210 : i32
          %parallel_loop3A_212 = arith.index_cast %parallel_loop3A_211 : i32 to index
          %parallel_loop3A_213 = tpu.vector_load %arg9[%parallel_loop3A_212] {strides = array<i32>} : memref<2048xf32, #tpu.memory_space<vmem>>, vector<16xf32>,
          %parallel_loop3A_214 = vector.shape_cast %parallel_loop3A_213 : vector<16xf32> to vector<16xf32>
          %parallel_loop3A_215 = arith.constant 256 : i32
          %parallel_loop3A_216 = arith.muli %parallel_loop3A_93, %parallel_loop3A_215 : i32
          %parallel_loop3A_217 = arith.constant 128 : i32
          %parallel_loop3A_218 = arith.addi %parallel_loop3A_216, %parallel_loop3A_217 : i32
          %parallel_loop3A_219 = arith.constant 96 : i32
          %parallel_loop3A_220 = arith.addi %parallel_loop3A_218, %parallel_loop3A_219 : i32
          %parallel_loop3A_221 = arith.index_cast %parallel_loop3A_220 : i32 to index
          %parallel_loop3A_222 = tpu.vector_load %arg9[%parallel_loop3A_221] {strides = array<i32>} : memref<2048xf32, #tpu.memory_space<vmem>>, vector<16xf32>,
          %parallel_loop3A_223 = vector.shape_cast %parallel_loop3A_222 : vector<16xf32> to vector<16xf32>
          %parallel_loop3A_224 = arith.constant 0 : i32
          %parallel_loop3A_225 = arith.constant 32 : i32
          %parallel_loop3A_226 = arith.constant 1 : i32
          scf.for %parallel_loop3A_246 = %parallel_loop3A_224 to %parallel_loop3A_225 step %parallel_loop3A_226  : i32 {
            %parallel_loop3A_247 = arith.constant 4096 : i32
            %parallel_loop3A_248 = arith.muli %parallel_loop3A_93, %parallel_loop3A_247 : i32
            %parallel_loop3A_249 = arith.constant 128 : i32
            %parallel_loop3A_250 = arith.muli %parallel_loop3A_246, %parallel_loop3A_249 : i32
            %parallel_loop3A_251 = arith.addi %parallel_loop3A_248, %parallel_loop3A_250 : i32
            %parallel_loop3A_252 = arith.constant 96 : i32
            %parallel_loop3A_253 = arith.addi %parallel_loop3A_251, %parallel_loop3A_252 : i32
            %parallel_loop3A_254 = arith.index_cast %parallel_loop3A_253 : i32 to index
            %parallel_loop3A_255 = tpu.vector_load %arg6[%parallel_loop3A_254] {strides = array<i32>} : memref<32768xf32, #tpu.memory_space<vmem>>, vector<16xf32>,
            %parallel_loop3A_256 = vector.shape_cast %parallel_loop3A_255 : vector<16xf32> to vector<16xf32>
            %parallel_loop3A_257 = vector.shape_cast %reshape3A : vector<16x1xi32> to vector<16xi32>
            %parallel_loop3A_258 = tpu.dynamic_gather %parallel_loop3A_256[%parallel_loop3A_257] in [0] : vector<16xf32>, vector<16xi32> -> vector<16xf32>
            %parallel_loop3A_259 = arith.mulf %parallel_loop3A_256, %parallel_loop3A_214 : vector<16xf32>
            %parallel_loop3A_260 = arith.mulf %parallel_loop3A_258, %parallel_loop3A_223 : vector<16xf32>
            %parallel_loop3A_261 = arith.addf %parallel_loop3A_259, %parallel_loop3A_260 : vector<16xf32>
            %parallel_loop3A_262 = arith.index_cast %parallel_loop3A_253 : i32 to index
            %parallel_loop3A_263 = tpu.vector_load %arg6[%parallel_loop3A_262] {strides = array<i32>} : memref<32768xf32, #tpu.memory_space<vmem>>, vector<16xf32>,
            %parallel_loop3A_264 = vector.shape_cast %parallel_loop3A_263 : vector<16xf32> to vector<16xf32>
            %parallel_loop3A_265 = vector.shape_cast %parallel_loop3A_261 : vector<16xf32> to vector<16xf32>
            tpu.vector_store %arg6[%parallel_loop3A_262], %parallel_loop3A_265 {strides = array<i32>} : memref<32768xf32, #tpu.memory_space<vmem>>, vector<16xf32>,
          } {sc.loop_unroll_factor = 4 : i64, sc.parallel_access}
          %parallel_loop3A_227 = arith.constant 256 : i32
          %parallel_loop3A_228 = arith.muli %parallel_loop3A_93, %parallel_loop3A_227 : i32
          %parallel_loop3A_229 = arith.constant 112 : i32
          %parallel_loop3A_230 = arith.addi %parallel_loop3A_228, %parallel_loop3A_229 : i32
          %parallel_loop3A_231 = arith.index_cast %parallel_loop3A_230 : i32 to index
          %parallel_loop3A_232 = tpu.vector_load %arg9[%parallel_loop3A_231] {strides = array<i32>} : memref<2048xf32, #tpu.memory_space<vmem>>, vector<16xf32>,
          %parallel_loop3A_233 = vector.shape_cast %parallel_loop3A_232 : vector<16xf32> to vector<16xf32>
          %parallel_loop3A_234 = arith.constant 256 : i32
          %parallel_loop3A_235 = arith.muli %parallel_loop3A_93, %parallel_loop3A_234 : i32
          %parallel_loop3A_236 = arith.constant 128 : i32
          %parallel_loop3A_237 = arith.addi %parallel_loop3A_235, %parallel_loop3A_236 : i32
          %parallel_loop3A_238 = arith.constant 112 : i32
          %parallel_loop3A_239 = arith.addi %parallel_loop3A_237, %parallel_loop3A_238 : i32
          %parallel_loop3A_240 = arith.index_cast %parallel_loop3A_239 : i32 to index
          %parallel_loop3A_241 = tpu.vector_load %arg9[%parallel_loop3A_240] {strides = array<i32>} : memref<2048xf32, #tpu.memory_space<vmem>>, vector<16xf32>,
          %parallel_loop3A_242 = vector.shape_cast %parallel_loop3A_241 : vector<16xf32> to vector<16xf32>
          %parallel_loop3A_243 = arith.constant 0 : i32
          %parallel_loop3A_244 = arith.constant 32 : i32
          %parallel_loop3A_245 = arith.constant 1 : i32
          scf.for %parallel_loop3A_246 = %parallel_loop3A_243 to %parallel_loop3A_244 step %parallel_loop3A_245  : i32 {
            %parallel_loop3A_247 = arith.constant 4096 : i32
            %parallel_loop3A_248 = arith.muli %parallel_loop3A_93, %parallel_loop3A_247 : i32
            %parallel_loop3A_249 = arith.constant 128 : i32
            %parallel_loop3A_250 = arith.muli %parallel_loop3A_246, %parallel_loop3A_249 : i32
            %parallel_loop3A_251 = arith.addi %parallel_loop3A_248, %parallel_loop3A_250 : i32
            %parallel_loop3A_252 = arith.constant 112 : i32
            %parallel_loop3A_253 = arith.addi %parallel_loop3A_251, %parallel_loop3A_252 : i32
            %parallel_loop3A_254 = arith.index_cast %parallel_loop3A_253 : i32 to index
            %parallel_loop3A_255 = tpu.vector_load %arg6[%parallel_loop3A_254] {strides = array<i32>} : memref<32768xf32, #tpu.memory_space<vmem>>, vector<16xf32>,
            %parallel_loop3A_256 = vector.shape_cast %parallel_loop3A_255 : vector<16xf32> to vector<16xf32>
            %parallel_loop3A_257 = vector.shape_cast %reshape3A : vector<16x1xi32> to vector<16xi32>
            %parallel_loop3A_258 = tpu.dynamic_gather %parallel_loop3A_256[%parallel_loop3A_257] in [0] : vector<16xf32>, vector<16xi32> -> vector<16xf32>
            %parallel_loop3A_259 = arith.mulf %parallel_loop3A_256, %parallel_loop3A_233 : vector<16xf32>
            %parallel_loop3A_260 = arith.mulf %parallel_loop3A_258, %parallel_loop3A_242 : vector<16xf32>
            %parallel_loop3A_261 = arith.addf %parallel_loop3A_259, %parallel_loop3A_260 : vector<16xf32>
            %parallel_loop3A_262 = arith.index_cast %parallel_loop3A_253 : i32 to index
            %parallel_loop3A_263 = tpu.vector_load %arg6[%parallel_loop3A_262] {strides = array<i32>} : memref<32768xf32, #tpu.memory_space<vmem>>, vector<16xf32>,
            %parallel_loop3A_264 = vector.shape_cast %parallel_loop3A_263 : vector<16xf32> to vector<16xf32>
            %parallel_loop3A_265 = vector.shape_cast %parallel_loop3A_261 : vector<16xf32> to vector<16xf32>
            tpu.vector_store %arg6[%parallel_loop3A_262], %parallel_loop3A_265 {strides = array<i32>} : memref<32768xf32, #tpu.memory_space<vmem>>, vector<16xf32>,
          } {sc.loop_unroll_factor = 4 : i64, sc.parallel_access}
        } {sc.loop_unroll_factor = 1 : i64, sc.parallel_access}
        %mul3A_75 = arith.constant 8 : i32
        %mul3A_76 = arith.muli %add3A_46, %mul3A_75 : i32
        %add3A_77 = arith.addi %mul3A_2, %mul3A_76 : i32
        %mul3A_78 = arith.constant 4096 : i32
        %mul3A_79 = arith.muli %add3A_77, %mul3A_78 : i32
        %dma_start3A_80 = tpu.memref_slice %arg4[%mul3A_79] : memref<16777216xf32, #tpu.memory_space<hbm>> -> memref<32768xf32, #tpu.memory_space<hbm>>
        %dma_start3A_81 = tpu.memref_slice %arg4[%mul3A_79] : memref<16777216xf32, #tpu.memory_space<hbm>> -> memref<32768xf32, #tpu.memory_space<hbm>>
        tpu.enqueue_dma source(%arg6 : memref<32768xf32, #tpu.memory_space<vmem>>) target(%dma_start3A_81 : memref<32768xf32, #tpu.memory_space<hbm>>) target_semaphore(%arg15 : memref<!tpu.dma_semaphore, #tpu.memory_space<semaphore_mem>>)
        %ge3A = arith.constant 1 : i32
        %ge3A_82 = arith.cmpi sge, %add3A_46, %ge3A : i32
        %convert_element_type3A_83 = arith.extui %ge3A_82 : i1 to i32
        %cond3A_84 = arith.constant 0 : i32
        %cond3A_85 = arith.cmpi ne, %convert_element_type3A_83, %cond3A_84 : i32
        scf.if %cond3A_85 {
          %sub3A = arith.constant 1 : i32
          %sub3A_93 = arith.subi %add3A_46, %sub3A : i32
          %mul3A_94 = arith.constant 8 : i32
          %mul3A_95 = arith.muli %sub3A_93, %mul3A_94 : i32
          %add3A_96 = arith.addi %mul3A_2, %mul3A_95 : i32
          %mul3A_97 = arith.constant 4096 : i32
          %mul3A_98 = arith.muli %add3A_96, %mul3A_97 : i32
          %dma_wait3A_99 = tpu.memref_slice %arg4[%mul3A_98] : memref<16777216xf32, #tpu.memory_space<hbm>> -> memref<32768xf32, #tpu.memory_space<hbm>>
          %dma_wait3A_100 = tpu.memref_slice %arg4[%mul3A_98] : memref<16777216xf32, #tpu.memory_space<hbm>> -> memref<32768xf32, #tpu.memory_space<hbm>>
          tpu.wait_dma2 semaphore(%arg14 : memref<!tpu.dma_semaphore, #tpu.memory_space<semaphore_mem>>) src(%arg5 : memref<32768xf32, #tpu.memory_space<vmem>>) dst(%dma_wait3A_100 : memref<32768xf32, #tpu.memory_space<hbm>>)
        } else {
        }
        %add3A_86 = arith.constant 2 : i32
        %add3A_87 = arith.addi %add3A_46, %add3A_86 : i32
        %lt3A_88 = arith.constant 16 : i32
        %lt3A_89 = arith.cmpi slt, %add3A_87, %lt3A_88 : i32
        %convert_element_type3A_90 = arith.extui %lt3A_89 : i1 to i32
        %cond3A_91 = arith.constant 0 : i32
        %cond3A_92 = arith.cmpi ne, %convert_element_type3A_90, %cond3A_91 : i32
        scf.if %cond3A_92 {
          %add3A_93 = arith.constant 2 : i32
          %add3A_94 = arith.addi %add3A_46, %add3A_93 : i32
          %mul3A_95 = arith.constant 8 : i32
          %mul3A_96 = arith.muli %add3A_94, %mul3A_95 : i32
          %add3A_97 = arith.addi %mul3A_2, %mul3A_96 : i32
          %mul3A_98 = arith.constant 4096 : i32
          %mul3A_99 = arith.muli %add3A_97, %mul3A_98 : i32
          %mul3A_100 = arith.constant 8 : i32
          %mul3A_101 = arith.muli %add3A_94, %mul3A_100 : i32
          %add3A_102 = arith.addi %mul3A_2, %mul3A_101 : i32
          %mul3A_103 = arith.constant 256 : i32
          %mul3A_104 = arith.muli %add3A_102, %mul3A_103 : i32
          %dma_start3A_105 = tpu.memref_slice %arg2[%mul3A_99] : memref<16777216xf32, #tpu.memory_space<hbm>> -> memref<32768xf32, #tpu.memory_space<hbm>>
          %dma_start3A_106 = tpu.memref_slice %arg2[%mul3A_99] : memref<16777216xf32, #tpu.memory_space<hbm>> -> memref<32768xf32, #tpu.memory_space<hbm>>
          tpu.enqueue_dma source(%dma_start3A_106 : memref<32768xf32, #tpu.memory_space<hbm>>) target(%arg5 : memref<32768xf32, #tpu.memory_space<vmem>>) target_semaphore(%arg11 : memref<!tpu.dma_semaphore, #tpu.memory_space<semaphore_mem>>)
          %dma_start3A_107 = tpu.memref_slice %arg3[%mul3A_104] : memref<1048576xf32, #tpu.memory_space<hbm>> -> memref<2048xf32, #tpu.memory_space<hbm>>
          %dma_start3A_108 = tpu.memref_slice %arg3[%mul3A_104] : memref<1048576xf32, #tpu.memory_space<hbm>> -> memref<2048xf32, #tpu.memory_space<hbm>>
          tpu.enqueue_dma source(%dma_start3A_108 : memref<2048xf32, #tpu.memory_space<hbm>>) target(%arg8 : memref<2048xf32, #tpu.memory_space<vmem>>) target_semaphore(%arg11 : memref<!tpu.dma_semaphore, #tpu.memory_space<semaphore_mem>>)
        } else {
        }
      } else {
      }
      %add3A_52 = arith.constant 2 : i32
      %add3A_53 = arith.addi %mul3A_40, %add3A_52 : i32
      %lt3A_54 = arith.constant 16 : i32
      %lt3A_55 = arith.cmpi slt, %add3A_53, %lt3A_54 : i32
      %convert_element_type3A_56 = arith.extui %lt3A_55 : i1 to i32
      %cond3A_57 = arith.constant 0 : i32
      %cond3A_58 = arith.cmpi ne, %convert_element_type3A_56, %cond3A_57 : i32
      scf.if %cond3A_58 {
        %mul3A_59 = arith.constant 8 : i32
        %mul3A_60 = arith.muli %add3A_53, %mul3A_59 : i32
        %add3A_61 = arith.addi %mul3A_2, %mul3A_60 : i32
        %mul3A_62 = arith.constant 4096 : i32
        %mul3A_63 = arith.muli %add3A_61, %mul3A_62 : i32
        %mul3A_64 = arith.constant 8 : i32
        %mul3A_65 = arith.muli %add3A_53, %mul3A_64 : i32
        %add3A_66 = arith.addi %mul3A_2, %mul3A_65 : i32
        %mul3A_67 = arith.constant 256 : i32
        %mul3A_68 = arith.muli %add3A_66, %mul3A_67 : i32
        %dma_wait3A_69 = tpu.memref_slice %arg2[%mul3A_63] : memref<16777216xf32, #tpu.memory_space<hbm>> -> memref<32768xf32, #tpu.memory_space<hbm>>
        %dma_wait3A_70 = tpu.memref_slice %arg2[%mul3A_63] : memref<16777216xf32, #tpu.memory_space<hbm>> -> memref<32768xf32, #tpu.memory_space<hbm>>
        tpu.wait_dma2 semaphore(%arg13 : memref<!tpu.dma_semaphore, #tpu.memory_space<semaphore_mem>>) src(%dma_wait3A_70 : memref<32768xf32, #tpu.memory_space<hbm>>) dst(%arg7 : memref<32768xf32, #tpu.memory_space<vmem>>)
        %dma_wait3A_71 = tpu.memref_slice %arg3[%mul3A_68] : memref<1048576xf32, #tpu.memory_space<hbm>> -> memref<2048xf32, #tpu.memory_space<hbm>>
        %dma_wait3A_72 = tpu.memref_slice %arg3[%mul3A_68] : memref<1048576xf32, #tpu.memory_space<hbm>> -> memref<2048xf32, #tpu.memory_space<hbm>>
        tpu.wait_dma2 semaphore(%arg13 : memref<!tpu.dma_semaphore, #tpu.memory_space<semaphore_mem>>) src(%dma_wait3A_72 : memref<2048xf32, #tpu.memory_space<hbm>>) dst(%arg10 : memref<2048xf32, #tpu.memory_space<vmem>>)
        %parallel_loop3A = arith.constant 0 : i32
        %parallel_loop3A_73 = arith.constant 8 : i32
        %parallel_loop3A_74 = arith.constant 1 : i32
        scf.for %parallel_loop3A_93 = %parallel_loop3A to %parallel_loop3A_73 step %parallel_loop3A_74  : i32 {
          %parallel_loop3A_94 = arith.constant 256 : i32
          %parallel_loop3A_95 = arith.muli %parallel_loop3A_93, %parallel_loop3A_94 : i32
          %parallel_loop3A_96 = arith.constant 0 : i32
          %parallel_loop3A_97 = arith.addi %parallel_loop3A_95, %parallel_loop3A_96 : i32
          %parallel_loop3A_98 = arith.index_cast %parallel_loop3A_97 : i32 to index
          %parallel_loop3A_99 = tpu.vector_load %arg10[%parallel_loop3A_98] {strides = array<i32>} : memref<2048xf32, #tpu.memory_space<vmem>>, vector<16xf32>,
          %parallel_loop3A_100 = vector.shape_cast %parallel_loop3A_99 : vector<16xf32> to vector<16xf32>
          %parallel_loop3A_101 = arith.constant 256 : i32
          %parallel_loop3A_102 = arith.muli %parallel_loop3A_93, %parallel_loop3A_101 : i32
          %parallel_loop3A_103 = arith.constant 128 : i32
          %parallel_loop3A_104 = arith.addi %parallel_loop3A_102, %parallel_loop3A_103 : i32
          %parallel_loop3A_105 = arith.constant 0 : i32
          %parallel_loop3A_106 = arith.addi %parallel_loop3A_104, %parallel_loop3A_105 : i32
          %parallel_loop3A_107 = arith.index_cast %parallel_loop3A_106 : i32 to index
          %parallel_loop3A_108 = tpu.vector_load %arg10[%parallel_loop3A_107] {strides = array<i32>} : memref<2048xf32, #tpu.memory_space<vmem>>, vector<16xf32>,
          %parallel_loop3A_109 = vector.shape_cast %parallel_loop3A_108 : vector<16xf32> to vector<16xf32>
          %parallel_loop3A_110 = arith.constant 0 : i32
          %parallel_loop3A_111 = arith.constant 32 : i32
          %parallel_loop3A_112 = arith.constant 1 : i32
          scf.for %parallel_loop3A_246 = %parallel_loop3A_110 to %parallel_loop3A_111 step %parallel_loop3A_112  : i32 {
            %parallel_loop3A_247 = arith.constant 4096 : i32
            %parallel_loop3A_248 = arith.muli %parallel_loop3A_93, %parallel_loop3A_247 : i32
            %parallel_loop3A_249 = arith.constant 128 : i32
            %parallel_loop3A_250 = arith.muli %parallel_loop3A_246, %parallel_loop3A_249 : i32
            %parallel_loop3A_251 = arith.addi %parallel_loop3A_248, %parallel_loop3A_250 : i32
            %parallel_loop3A_252 = arith.constant 0 : i32
            %parallel_loop3A_253 = arith.addi %parallel_loop3A_251, %parallel_loop3A_252 : i32
            %parallel_loop3A_254 = arith.index_cast %parallel_loop3A_253 : i32 to index
            %parallel_loop3A_255 = tpu.vector_load %arg7[%parallel_loop3A_254] {strides = array<i32>} : memref<32768xf32, #tpu.memory_space<vmem>>, vector<16xf32>,
            %parallel_loop3A_256 = vector.shape_cast %parallel_loop3A_255 : vector<16xf32> to vector<16xf32>
            %parallel_loop3A_257 = vector.shape_cast %reshape3A : vector<16x1xi32> to vector<16xi32>
            %parallel_loop3A_258 = tpu.dynamic_gather %parallel_loop3A_256[%parallel_loop3A_257] in [0] : vector<16xf32>, vector<16xi32> -> vector<16xf32>
            %parallel_loop3A_259 = arith.mulf %parallel_loop3A_256, %parallel_loop3A_100 : vector<16xf32>
            %parallel_loop3A_260 = arith.mulf %parallel_loop3A_258, %parallel_loop3A_109 : vector<16xf32>
            %parallel_loop3A_261 = arith.addf %parallel_loop3A_259, %parallel_loop3A_260 : vector<16xf32>
            %parallel_loop3A_262 = arith.index_cast %parallel_loop3A_253 : i32 to index
            %parallel_loop3A_263 = tpu.vector_load %arg7[%parallel_loop3A_262] {strides = array<i32>} : memref<32768xf32, #tpu.memory_space<vmem>>, vector<16xf32>,
            %parallel_loop3A_264 = vector.shape_cast %parallel_loop3A_263 : vector<16xf32> to vector<16xf32>
            %parallel_loop3A_265 = vector.shape_cast %parallel_loop3A_261 : vector<16xf32> to vector<16xf32>
            tpu.vector_store %arg7[%parallel_loop3A_262], %parallel_loop3A_265 {strides = array<i32>} : memref<32768xf32, #tpu.memory_space<vmem>>, vector<16xf32>,
          } {sc.loop_unroll_factor = 4 : i64, sc.parallel_access}
          %parallel_loop3A_113 = arith.constant 256 : i32
          %parallel_loop3A_114 = arith.muli %parallel_loop3A_93, %parallel_loop3A_113 : i32
          %parallel_loop3A_115 = arith.constant 16 : i32
          %parallel_loop3A_116 = arith.addi %parallel_loop3A_114, %parallel_loop3A_115 : i32
          %parallel_loop3A_117 = arith.index_cast %parallel_loop3A_116 : i32 to index
          %parallel_loop3A_118 = tpu.vector_load %arg10[%parallel_loop3A_117] {strides = array<i32>} : memref<2048xf32, #tpu.memory_space<vmem>>, vector<16xf32>,
          %parallel_loop3A_119 = vector.shape_cast %parallel_loop3A_118 : vector<16xf32> to vector<16xf32>
          %parallel_loop3A_120 = arith.constant 256 : i32
          %parallel_loop3A_121 = arith.muli %parallel_loop3A_93, %parallel_loop3A_120 : i32
          %parallel_loop3A_122 = arith.constant 128 : i32
          %parallel_loop3A_123 = arith.addi %parallel_loop3A_121, %parallel_loop3A_122 : i32
          %parallel_loop3A_124 = arith.constant 16 : i32
          %parallel_loop3A_125 = arith.addi %parallel_loop3A_123, %parallel_loop3A_124 : i32
          %parallel_loop3A_126 = arith.index_cast %parallel_loop3A_125 : i32 to index
          %parallel_loop3A_127 = tpu.vector_load %arg10[%parallel_loop3A_126] {strides = array<i32>} : memref<2048xf32, #tpu.memory_space<vmem>>, vector<16xf32>,
          %parallel_loop3A_128 = vector.shape_cast %parallel_loop3A_127 : vector<16xf32> to vector<16xf32>
          %parallel_loop3A_129 = arith.constant 0 : i32
          %parallel_loop3A_130 = arith.constant 32 : i32
          %parallel_loop3A_131 = arith.constant 1 : i32
          scf.for %parallel_loop3A_246 = %parallel_loop3A_129 to %parallel_loop3A_130 step %parallel_loop3A_131  : i32 {
            %parallel_loop3A_247 = arith.constant 4096 : i32
            %parallel_loop3A_248 = arith.muli %parallel_loop3A_93, %parallel_loop3A_247 : i32
            %parallel_loop3A_249 = arith.constant 128 : i32
            %parallel_loop3A_250 = arith.muli %parallel_loop3A_246, %parallel_loop3A_249 : i32
            %parallel_loop3A_251 = arith.addi %parallel_loop3A_248, %parallel_loop3A_250 : i32
            %parallel_loop3A_252 = arith.constant 16 : i32
            %parallel_loop3A_253 = arith.addi %parallel_loop3A_251, %parallel_loop3A_252 : i32
            %parallel_loop3A_254 = arith.index_cast %parallel_loop3A_253 : i32 to index
            %parallel_loop3A_255 = tpu.vector_load %arg7[%parallel_loop3A_254] {strides = array<i32>} : memref<32768xf32, #tpu.memory_space<vmem>>, vector<16xf32>,
            %parallel_loop3A_256 = vector.shape_cast %parallel_loop3A_255 : vector<16xf32> to vector<16xf32>
            %parallel_loop3A_257 = vector.shape_cast %reshape3A : vector<16x1xi32> to vector<16xi32>
            %parallel_loop3A_258 = tpu.dynamic_gather %parallel_loop3A_256[%parallel_loop3A_257] in [0] : vector<16xf32>, vector<16xi32> -> vector<16xf32>
            %parallel_loop3A_259 = arith.mulf %parallel_loop3A_256, %parallel_loop3A_119 : vector<16xf32>
            %parallel_loop3A_260 = arith.mulf %parallel_loop3A_258, %parallel_loop3A_128 : vector<16xf32>
            %parallel_loop3A_261 = arith.addf %parallel_loop3A_259, %parallel_loop3A_260 : vector<16xf32>
            %parallel_loop3A_262 = arith.index_cast %parallel_loop3A_253 : i32 to index
            %parallel_loop3A_263 = tpu.vector_load %arg7[%parallel_loop3A_262] {strides = array<i32>} : memref<32768xf32, #tpu.memory_space<vmem>>, vector<16xf32>,
            %parallel_loop3A_264 = vector.shape_cast %parallel_loop3A_263 : vector<16xf32> to vector<16xf32>
            %parallel_loop3A_265 = vector.shape_cast %parallel_loop3A_261 : vector<16xf32> to vector<16xf32>
            tpu.vector_store %arg7[%parallel_loop3A_262], %parallel_loop3A_265 {strides = array<i32>} : memref<32768xf32, #tpu.memory_space<vmem>>, vector<16xf32>,
          } {sc.loop_unroll_factor = 4 : i64, sc.parallel_access}
          %parallel_loop3A_132 = arith.constant 256 : i32
          %parallel_loop3A_133 = arith.muli %parallel_loop3A_93, %parallel_loop3A_132 : i32
          %parallel_loop3A_134 = arith.constant 32 : i32
          %parallel_loop3A_135 = arith.addi %parallel_loop3A_133, %parallel_loop3A_134 : i32
          %parallel_loop3A_136 = arith.index_cast %parallel_loop3A_135 : i32 to index
          %parallel_loop3A_137 = tpu.vector_load %arg10[%parallel_loop3A_136] {strides = array<i32>} : memref<2048xf32, #tpu.memory_space<vmem>>, vector<16xf32>,
          %parallel_loop3A_138 = vector.shape_cast %parallel_loop3A_137 : vector<16xf32> to vector<16xf32>
          %parallel_loop3A_139 = arith.constant 256 : i32
          %parallel_loop3A_140 = arith.muli %parallel_loop3A_93, %parallel_loop3A_139 : i32
          %parallel_loop3A_141 = arith.constant 128 : i32
          %parallel_loop3A_142 = arith.addi %parallel_loop3A_140, %parallel_loop3A_141 : i32
          %parallel_loop3A_143 = arith.constant 32 : i32
          %parallel_loop3A_144 = arith.addi %parallel_loop3A_142, %parallel_loop3A_143 : i32
          %parallel_loop3A_145 = arith.index_cast %parallel_loop3A_144 : i32 to index
          %parallel_loop3A_146 = tpu.vector_load %arg10[%parallel_loop3A_145] {strides = array<i32>} : memref<2048xf32, #tpu.memory_space<vmem>>, vector<16xf32>,
          %parallel_loop3A_147 = vector.shape_cast %parallel_loop3A_146 : vector<16xf32> to vector<16xf32>
          %parallel_loop3A_148 = arith.constant 0 : i32
          %parallel_loop3A_149 = arith.constant 32 : i32
          %parallel_loop3A_150 = arith.constant 1 : i32
          scf.for %parallel_loop3A_246 = %parallel_loop3A_148 to %parallel_loop3A_149 step %parallel_loop3A_150  : i32 {
            %parallel_loop3A_247 = arith.constant 4096 : i32
            %parallel_loop3A_248 = arith.muli %parallel_loop3A_93, %parallel_loop3A_247 : i32
            %parallel_loop3A_249 = arith.constant 128 : i32
            %parallel_loop3A_250 = arith.muli %parallel_loop3A_246, %parallel_loop3A_249 : i32
            %parallel_loop3A_251 = arith.addi %parallel_loop3A_248, %parallel_loop3A_250 : i32
            %parallel_loop3A_252 = arith.constant 32 : i32
            %parallel_loop3A_253 = arith.addi %parallel_loop3A_251, %parallel_loop3A_252 : i32
            %parallel_loop3A_254 = arith.index_cast %parallel_loop3A_253 : i32 to index
            %parallel_loop3A_255 = tpu.vector_load %arg7[%parallel_loop3A_254] {strides = array<i32>} : memref<32768xf32, #tpu.memory_space<vmem>>, vector<16xf32>,
            %parallel_loop3A_256 = vector.shape_cast %parallel_loop3A_255 : vector<16xf32> to vector<16xf32>
            %parallel_loop3A_257 = vector.shape_cast %reshape3A : vector<16x1xi32> to vector<16xi32>
            %parallel_loop3A_258 = tpu.dynamic_gather %parallel_loop3A_256[%parallel_loop3A_257] in [0] : vector<16xf32>, vector<16xi32> -> vector<16xf32>
            %parallel_loop3A_259 = arith.mulf %parallel_loop3A_256, %parallel_loop3A_138 : vector<16xf32>
            %parallel_loop3A_260 = arith.mulf %parallel_loop3A_258, %parallel_loop3A_147 : vector<16xf32>
            %parallel_loop3A_261 = arith.addf %parallel_loop3A_259, %parallel_loop3A_260 : vector<16xf32>
            %parallel_loop3A_262 = arith.index_cast %parallel_loop3A_253 : i32 to index
            %parallel_loop3A_263 = tpu.vector_load %arg7[%parallel_loop3A_262] {strides = array<i32>} : memref<32768xf32, #tpu.memory_space<vmem>>, vector<16xf32>,
            %parallel_loop3A_264 = vector.shape_cast %parallel_loop3A_263 : vector<16xf32> to vector<16xf32>
            %parallel_loop3A_265 = vector.shape_cast %parallel_loop3A_261 : vector<16xf32> to vector<16xf32>
            tpu.vector_store %arg7[%parallel_loop3A_262], %parallel_loop3A_265 {strides = array<i32>} : memref<32768xf32, #tpu.memory_space<vmem>>, vector<16xf32>,
          } {sc.loop_unroll_factor = 4 : i64, sc.parallel_access}
          %parallel_loop3A_151 = arith.constant 256 : i32
          %parallel_loop3A_152 = arith.muli %parallel_loop3A_93, %parallel_loop3A_151 : i32
          %parallel_loop3A_153 = arith.constant 48 : i32
          %parallel_loop3A_154 = arith.addi %parallel_loop3A_152, %parallel_loop3A_153 : i32
          %parallel_loop3A_155 = arith.index_cast %parallel_loop3A_154 : i32 to index
          %parallel_loop3A_156 = tpu.vector_load %arg10[%parallel_loop3A_155] {strides = array<i32>} : memref<2048xf32, #tpu.memory_space<vmem>>, vector<16xf32>,
          %parallel_loop3A_157 = vector.shape_cast %parallel_loop3A_156 : vector<16xf32> to vector<16xf32>
          %parallel_loop3A_158 = arith.constant 256 : i32
          %parallel_loop3A_159 = arith.muli %parallel_loop3A_93, %parallel_loop3A_158 : i32
          %parallel_loop3A_160 = arith.constant 128 : i32
          %parallel_loop3A_161 = arith.addi %parallel_loop3A_159, %parallel_loop3A_160 : i32
          %parallel_loop3A_162 = arith.constant 48 : i32
          %parallel_loop3A_163 = arith.addi %parallel_loop3A_161, %parallel_loop3A_162 : i32
          %parallel_loop3A_164 = arith.index_cast %parallel_loop3A_163 : i32 to index
          %parallel_loop3A_165 = tpu.vector_load %arg10[%parallel_loop3A_164] {strides = array<i32>} : memref<2048xf32, #tpu.memory_space<vmem>>, vector<16xf32>,
          %parallel_loop3A_166 = vector.shape_cast %parallel_loop3A_165 : vector<16xf32> to vector<16xf32>
          %parallel_loop3A_167 = arith.constant 0 : i32
          %parallel_loop3A_168 = arith.constant 32 : i32
          %parallel_loop3A_169 = arith.constant 1 : i32
          scf.for %parallel_loop3A_246 = %parallel_loop3A_167 to %parallel_loop3A_168 step %parallel_loop3A_169  : i32 {
            %parallel_loop3A_247 = arith.constant 4096 : i32
            %parallel_loop3A_248 = arith.muli %parallel_loop3A_93, %parallel_loop3A_247 : i32
            %parallel_loop3A_249 = arith.constant 128 : i32
            %parallel_loop3A_250 = arith.muli %parallel_loop3A_246, %parallel_loop3A_249 : i32
            %parallel_loop3A_251 = arith.addi %parallel_loop3A_248, %parallel_loop3A_250 : i32
            %parallel_loop3A_252 = arith.constant 48 : i32
            %parallel_loop3A_253 = arith.addi %parallel_loop3A_251, %parallel_loop3A_252 : i32
            %parallel_loop3A_254 = arith.index_cast %parallel_loop3A_253 : i32 to index
            %parallel_loop3A_255 = tpu.vector_load %arg7[%parallel_loop3A_254] {strides = array<i32>} : memref<32768xf32, #tpu.memory_space<vmem>>, vector<16xf32>,
            %parallel_loop3A_256 = vector.shape_cast %parallel_loop3A_255 : vector<16xf32> to vector<16xf32>
            %parallel_loop3A_257 = vector.shape_cast %reshape3A : vector<16x1xi32> to vector<16xi32>
            %parallel_loop3A_258 = tpu.dynamic_gather %parallel_loop3A_256[%parallel_loop3A_257] in [0] : vector<16xf32>, vector<16xi32> -> vector<16xf32>
            %parallel_loop3A_259 = arith.mulf %parallel_loop3A_256, %parallel_loop3A_157 : vector<16xf32>
            %parallel_loop3A_260 = arith.mulf %parallel_loop3A_258, %parallel_loop3A_166 : vector<16xf32>
            %parallel_loop3A_261 = arith.addf %parallel_loop3A_259, %parallel_loop3A_260 : vector<16xf32>
            %parallel_loop3A_262 = arith.index_cast %parallel_loop3A_253 : i32 to index
            %parallel_loop3A_263 = tpu.vector_load %arg7[%parallel_loop3A_262] {strides = array<i32>} : memref<32768xf32, #tpu.memory_space<vmem>>, vector<16xf32>,
            %parallel_loop3A_264 = vector.shape_cast %parallel_loop3A_263 : vector<16xf32> to vector<16xf32>
            %parallel_loop3A_265 = vector.shape_cast %parallel_loop3A_261 : vector<16xf32> to vector<16xf32>
            tpu.vector_store %arg7[%parallel_loop3A_262], %parallel_loop3A_265 {strides = array<i32>} : memref<32768xf32, #tpu.memory_space<vmem>>, vector<16xf32>,
          } {sc.loop_unroll_factor = 4 : i64, sc.parallel_access}
          %parallel_loop3A_170 = arith.constant 256 : i32
          %parallel_loop3A_171 = arith.muli %parallel_loop3A_93, %parallel_loop3A_170 : i32
          %parallel_loop3A_172 = arith.constant 64 : i32
          %parallel_loop3A_173 = arith.addi %parallel_loop3A_171, %parallel_loop3A_172 : i32
          %parallel_loop3A_174 = arith.index_cast %parallel_loop3A_173 : i32 to index
          %parallel_loop3A_175 = tpu.vector_load %arg10[%parallel_loop3A_174] {strides = array<i32>} : memref<2048xf32, #tpu.memory_space<vmem>>, vector<16xf32>,
          %parallel_loop3A_176 = vector.shape_cast %parallel_loop3A_175 : vector<16xf32> to vector<16xf32>
          %parallel_loop3A_177 = arith.constant 256 : i32
          %parallel_loop3A_178 = arith.muli %parallel_loop3A_93, %parallel_loop3A_177 : i32
          %parallel_loop3A_179 = arith.constant 128 : i32
          %parallel_loop3A_180 = arith.addi %parallel_loop3A_178, %parallel_loop3A_179 : i32
          %parallel_loop3A_181 = arith.constant 64 : i32
          %parallel_loop3A_182 = arith.addi %parallel_loop3A_180, %parallel_loop3A_181 : i32
          %parallel_loop3A_183 = arith.index_cast %parallel_loop3A_182 : i32 to index
          %parallel_loop3A_184 = tpu.vector_load %arg10[%parallel_loop3A_183] {strides = array<i32>} : memref<2048xf32, #tpu.memory_space<vmem>>, vector<16xf32>,
          %parallel_loop3A_185 = vector.shape_cast %parallel_loop3A_184 : vector<16xf32> to vector<16xf32>
          %parallel_loop3A_186 = arith.constant 0 : i32
          %parallel_loop3A_187 = arith.constant 32 : i32
          %parallel_loop3A_188 = arith.constant 1 : i32
          scf.for %parallel_loop3A_246 = %parallel_loop3A_186 to %parallel_loop3A_187 step %parallel_loop3A_188  : i32 {
            %parallel_loop3A_247 = arith.constant 4096 : i32
            %parallel_loop3A_248 = arith.muli %parallel_loop3A_93, %parallel_loop3A_247 : i32
            %parallel_loop3A_249 = arith.constant 128 : i32
            %parallel_loop3A_250 = arith.muli %parallel_loop3A_246, %parallel_loop3A_249 : i32
            %parallel_loop3A_251 = arith.addi %parallel_loop3A_248, %parallel_loop3A_250 : i32
            %parallel_loop3A_252 = arith.constant 64 : i32
            %parallel_loop3A_253 = arith.addi %parallel_loop3A_251, %parallel_loop3A_252 : i32
            %parallel_loop3A_254 = arith.index_cast %parallel_loop3A_253 : i32 to index
            %parallel_loop3A_255 = tpu.vector_load %arg7[%parallel_loop3A_254] {strides = array<i32>} : memref<32768xf32, #tpu.memory_space<vmem>>, vector<16xf32>,
            %parallel_loop3A_256 = vector.shape_cast %parallel_loop3A_255 : vector<16xf32> to vector<16xf32>
            %parallel_loop3A_257 = vector.shape_cast %reshape3A : vector<16x1xi32> to vector<16xi32>
            %parallel_loop3A_258 = tpu.dynamic_gather %parallel_loop3A_256[%parallel_loop3A_257] in [0] : vector<16xf32>, vector<16xi32> -> vector<16xf32>
            %parallel_loop3A_259 = arith.mulf %parallel_loop3A_256, %parallel_loop3A_176 : vector<16xf32>
            %parallel_loop3A_260 = arith.mulf %parallel_loop3A_258, %parallel_loop3A_185 : vector<16xf32>
            %parallel_loop3A_261 = arith.addf %parallel_loop3A_259, %parallel_loop3A_260 : vector<16xf32>
            %parallel_loop3A_262 = arith.index_cast %parallel_loop3A_253 : i32 to index
            %parallel_loop3A_263 = tpu.vector_load %arg7[%parallel_loop3A_262] {strides = array<i32>} : memref<32768xf32, #tpu.memory_space<vmem>>, vector<16xf32>,
            %parallel_loop3A_264 = vector.shape_cast %parallel_loop3A_263 : vector<16xf32> to vector<16xf32>
            %parallel_loop3A_265 = vector.shape_cast %parallel_loop3A_261 : vector<16xf32> to vector<16xf32>
            tpu.vector_store %arg7[%parallel_loop3A_262], %parallel_loop3A_265 {strides = array<i32>} : memref<32768xf32, #tpu.memory_space<vmem>>, vector<16xf32>,
          } {sc.loop_unroll_factor = 4 : i64, sc.parallel_access}
          %parallel_loop3A_189 = arith.constant 256 : i32
          %parallel_loop3A_190 = arith.muli %parallel_loop3A_93, %parallel_loop3A_189 : i32
          %parallel_loop3A_191 = arith.constant 80 : i32
          %parallel_loop3A_192 = arith.addi %parallel_loop3A_190, %parallel_loop3A_191 : i32
          %parallel_loop3A_193 = arith.index_cast %parallel_loop3A_192 : i32 to index
          %parallel_loop3A_194 = tpu.vector_load %arg10[%parallel_loop3A_193] {strides = array<i32>} : memref<2048xf32, #tpu.memory_space<vmem>>, vector<16xf32>,
          %parallel_loop3A_195 = vector.shape_cast %parallel_loop3A_194 : vector<16xf32> to vector<16xf32>
          %parallel_loop3A_196 = arith.constant 256 : i32
          %parallel_loop3A_197 = arith.muli %parallel_loop3A_93, %parallel_loop3A_196 : i32
          %parallel_loop3A_198 = arith.constant 128 : i32
          %parallel_loop3A_199 = arith.addi %parallel_loop3A_197, %parallel_loop3A_198 : i32
          %parallel_loop3A_200 = arith.constant 80 : i32
          %parallel_loop3A_201 = arith.addi %parallel_loop3A_199, %parallel_loop3A_200 : i32
          %parallel_loop3A_202 = arith.index_cast %parallel_loop3A_201 : i32 to index
          %parallel_loop3A_203 = tpu.vector_load %arg10[%parallel_loop3A_202] {strides = array<i32>} : memref<2048xf32, #tpu.memory_space<vmem>>, vector<16xf32>,
          %parallel_loop3A_204 = vector.shape_cast %parallel_loop3A_203 : vector<16xf32> to vector<16xf32>
          %parallel_loop3A_205 = arith.constant 0 : i32
          %parallel_loop3A_206 = arith.constant 32 : i32
          %parallel_loop3A_207 = arith.constant 1 : i32
          scf.for %parallel_loop3A_246 = %parallel_loop3A_205 to %parallel_loop3A_206 step %parallel_loop3A_207  : i32 {
            %parallel_loop3A_247 = arith.constant 4096 : i32
            %parallel_loop3A_248 = arith.muli %parallel_loop3A_93, %parallel_loop3A_247 : i32
            %parallel_loop3A_249 = arith.constant 128 : i32
            %parallel_loop3A_250 = arith.muli %parallel_loop3A_246, %parallel_loop3A_249 : i32
            %parallel_loop3A_251 = arith.addi %parallel_loop3A_248, %parallel_loop3A_250 : i32
            %parallel_loop3A_252 = arith.constant 80 : i32
            %parallel_loop3A_253 = arith.addi %parallel_loop3A_251, %parallel_loop3A_252 : i32
            %parallel_loop3A_254 = arith.index_cast %parallel_loop3A_253 : i32 to index
            %parallel_loop3A_255 = tpu.vector_load %arg7[%parallel_loop3A_254] {strides = array<i32>} : memref<32768xf32, #tpu.memory_space<vmem>>, vector<16xf32>,
            %parallel_loop3A_256 = vector.shape_cast %parallel_loop3A_255 : vector<16xf32> to vector<16xf32>
            %parallel_loop3A_257 = vector.shape_cast %reshape3A : vector<16x1xi32> to vector<16xi32>
            %parallel_loop3A_258 = tpu.dynamic_gather %parallel_loop3A_256[%parallel_loop3A_257] in [0] : vector<16xf32>, vector<16xi32> -> vector<16xf32>
            %parallel_loop3A_259 = arith.mulf %parallel_loop3A_256, %parallel_loop3A_195 : vector<16xf32>
            %parallel_loop3A_260 = arith.mulf %parallel_loop3A_258, %parallel_loop3A_204 : vector<16xf32>
            %parallel_loop3A_261 = arith.addf %parallel_loop3A_259, %parallel_loop3A_260 : vector<16xf32>
            %parallel_loop3A_262 = arith.index_cast %parallel_loop3A_253 : i32 to index
            %parallel_loop3A_263 = tpu.vector_load %arg7[%parallel_loop3A_262] {strides = array<i32>} : memref<32768xf32, #tpu.memory_space<vmem>>, vector<16xf32>,
            %parallel_loop3A_264 = vector.shape_cast %parallel_loop3A_263 : vector<16xf32> to vector<16xf32>
            %parallel_loop3A_265 = vector.shape_cast %parallel_loop3A_261 : vector<16xf32> to vector<16xf32>
            tpu.vector_store %arg7[%parallel_loop3A_262], %parallel_loop3A_265 {strides = array<i32>} : memref<32768xf32, #tpu.memory_space<vmem>>, vector<16xf32>,
          } {sc.loop_unroll_factor = 4 : i64, sc.parallel_access}
          %parallel_loop3A_208 = arith.constant 256 : i32
          %parallel_loop3A_209 = arith.muli %parallel_loop3A_93, %parallel_loop3A_208 : i32
          %parallel_loop3A_210 = arith.constant 96 : i32
          %parallel_loop3A_211 = arith.addi %parallel_loop3A_209, %parallel_loop3A_210 : i32
          %parallel_loop3A_212 = arith.index_cast %parallel_loop3A_211 : i32 to index
          %parallel_loop3A_213 = tpu.vector_load %arg10[%parallel_loop3A_212] {strides = array<i32>} : memref<2048xf32, #tpu.memory_space<vmem>>, vector<16xf32>,
          %parallel_loop3A_214 = vector.shape_cast %parallel_loop3A_213 : vector<16xf32> to vector<16xf32>
          %parallel_loop3A_215 = arith.constant 256 : i32
          %parallel_loop3A_216 = arith.muli %parallel_loop3A_93, %parallel_loop3A_215 : i32
          %parallel_loop3A_217 = arith.constant 128 : i32
          %parallel_loop3A_218 = arith.addi %parallel_loop3A_216, %parallel_loop3A_217 : i32
          %parallel_loop3A_219 = arith.constant 96 : i32
          %parallel_loop3A_220 = arith.addi %parallel_loop3A_218, %parallel_loop3A_219 : i32
          %parallel_loop3A_221 = arith.index_cast %parallel_loop3A_220 : i32 to index
          %parallel_loop3A_222 = tpu.vector_load %arg10[%parallel_loop3A_221] {strides = array<i32>} : memref<2048xf32, #tpu.memory_space<vmem>>, vector<16xf32>,
          %parallel_loop3A_223 = vector.shape_cast %parallel_loop3A_222 : vector<16xf32> to vector<16xf32>
          %parallel_loop3A_224 = arith.constant 0 : i32
          %parallel_loop3A_225 = arith.constant 32 : i32
          %parallel_loop3A_226 = arith.constant 1 : i32
          scf.for %parallel_loop3A_246 = %parallel_loop3A_224 to %parallel_loop3A_225 step %parallel_loop3A_226  : i32 {
            %parallel_loop3A_247 = arith.constant 4096 : i32
            %parallel_loop3A_248 = arith.muli %parallel_loop3A_93, %parallel_loop3A_247 : i32
            %parallel_loop3A_249 = arith.constant 128 : i32
            %parallel_loop3A_250 = arith.muli %parallel_loop3A_246, %parallel_loop3A_249 : i32
            %parallel_loop3A_251 = arith.addi %parallel_loop3A_248, %parallel_loop3A_250 : i32
            %parallel_loop3A_252 = arith.constant 96 : i32
            %parallel_loop3A_253 = arith.addi %parallel_loop3A_251, %parallel_loop3A_252 : i32
            %parallel_loop3A_254 = arith.index_cast %parallel_loop3A_253 : i32 to index
            %parallel_loop3A_255 = tpu.vector_load %arg7[%parallel_loop3A_254] {strides = array<i32>} : memref<32768xf32, #tpu.memory_space<vmem>>, vector<16xf32>,
            %parallel_loop3A_256 = vector.shape_cast %parallel_loop3A_255 : vector<16xf32> to vector<16xf32>
            %parallel_loop3A_257 = vector.shape_cast %reshape3A : vector<16x1xi32> to vector<16xi32>
            %parallel_loop3A_258 = tpu.dynamic_gather %parallel_loop3A_256[%parallel_loop3A_257] in [0] : vector<16xf32>, vector<16xi32> -> vector<16xf32>
            %parallel_loop3A_259 = arith.mulf %parallel_loop3A_256, %parallel_loop3A_214 : vector<16xf32>
            %parallel_loop3A_260 = arith.mulf %parallel_loop3A_258, %parallel_loop3A_223 : vector<16xf32>
            %parallel_loop3A_261 = arith.addf %parallel_loop3A_259, %parallel_loop3A_260 : vector<16xf32>
            %parallel_loop3A_262 = arith.index_cast %parallel_loop3A_253 : i32 to index
            %parallel_loop3A_263 = tpu.vector_load %arg7[%parallel_loop3A_262] {strides = array<i32>} : memref<32768xf32, #tpu.memory_space<vmem>>, vector<16xf32>,
            %parallel_loop3A_264 = vector.shape_cast %parallel_loop3A_263 : vector<16xf32> to vector<16xf32>
            %parallel_loop3A_265 = vector.shape_cast %parallel_loop3A_261 : vector<16xf32> to vector<16xf32>
            tpu.vector_store %arg7[%parallel_loop3A_262], %parallel_loop3A_265 {strides = array<i32>} : memref<32768xf32, #tpu.memory_space<vmem>>, vector<16xf32>,
          } {sc.loop_unroll_factor = 4 : i64, sc.parallel_access}
          %parallel_loop3A_227 = arith.constant 256 : i32
          %parallel_loop3A_228 = arith.muli %parallel_loop3A_93, %parallel_loop3A_227 : i32
          %parallel_loop3A_229 = arith.constant 112 : i32
          %parallel_loop3A_230 = arith.addi %parallel_loop3A_228, %parallel_loop3A_229 : i32
          %parallel_loop3A_231 = arith.index_cast %parallel_loop3A_230 : i32 to index
          %parallel_loop3A_232 = tpu.vector_load %arg10[%parallel_loop3A_231] {strides = array<i32>} : memref<2048xf32, #tpu.memory_space<vmem>>, vector<16xf32>,
          %parallel_loop3A_233 = vector.shape_cast %parallel_loop3A_232 : vector<16xf32> to vector<16xf32>
          %parallel_loop3A_234 = arith.constant 256 : i32
          %parallel_loop3A_235 = arith.muli %parallel_loop3A_93, %parallel_loop3A_234 : i32
          %parallel_loop3A_236 = arith.constant 128 : i32
          %parallel_loop3A_237 = arith.addi %parallel_loop3A_235, %parallel_loop3A_236 : i32
          %parallel_loop3A_238 = arith.constant 112 : i32
          %parallel_loop3A_239 = arith.addi %parallel_loop3A_237, %parallel_loop3A_238 : i32
          %parallel_loop3A_240 = arith.index_cast %parallel_loop3A_239 : i32 to index
          %parallel_loop3A_241 = tpu.vector_load %arg10[%parallel_loop3A_240] {strides = array<i32>} : memref<2048xf32, #tpu.memory_space<vmem>>, vector<16xf32>,
          %parallel_loop3A_242 = vector.shape_cast %parallel_loop3A_241 : vector<16xf32> to vector<16xf32>
          %parallel_loop3A_243 = arith.constant 0 : i32
          %parallel_loop3A_244 = arith.constant 32 : i32
          %parallel_loop3A_245 = arith.constant 1 : i32
          scf.for %parallel_loop3A_246 = %parallel_loop3A_243 to %parallel_loop3A_244 step %parallel_loop3A_245  : i32 {
            %parallel_loop3A_247 = arith.constant 4096 : i32
            %parallel_loop3A_248 = arith.muli %parallel_loop3A_93, %parallel_loop3A_247 : i32
            %parallel_loop3A_249 = arith.constant 128 : i32
            %parallel_loop3A_250 = arith.muli %parallel_loop3A_246, %parallel_loop3A_249 : i32
            %parallel_loop3A_251 = arith.addi %parallel_loop3A_248, %parallel_loop3A_250 : i32
            %parallel_loop3A_252 = arith.constant 112 : i32
            %parallel_loop3A_253 = arith.addi %parallel_loop3A_251, %parallel_loop3A_252 : i32
            %parallel_loop3A_254 = arith.index_cast %parallel_loop3A_253 : i32 to index
            %parallel_loop3A_255 = tpu.vector_load %arg7[%parallel_loop3A_254] {strides = array<i32>} : memref<32768xf32, #tpu.memory_space<vmem>>, vector<16xf32>,
            %parallel_loop3A_256 = vector.shape_cast %parallel_loop3A_255 : vector<16xf32> to vector<16xf32>
            %parallel_loop3A_257 = vector.shape_cast %reshape3A : vector<16x1xi32> to vector<16xi32>
            %parallel_loop3A_258 = tpu.dynamic_gather %parallel_loop3A_256[%parallel_loop3A_257] in [0] : vector<16xf32>, vector<16xi32> -> vector<16xf32>
            %parallel_loop3A_259 = arith.mulf %parallel_loop3A_256, %parallel_loop3A_233 : vector<16xf32>
            %parallel_loop3A_260 = arith.mulf %parallel_loop3A_258, %parallel_loop3A_242 : vector<16xf32>
            %parallel_loop3A_261 = arith.addf %parallel_loop3A_259, %parallel_loop3A_260 : vector<16xf32>
            %parallel_loop3A_262 = arith.index_cast %parallel_loop3A_253 : i32 to index
            %parallel_loop3A_263 = tpu.vector_load %arg7[%parallel_loop3A_262] {strides = array<i32>} : memref<32768xf32, #tpu.memory_space<vmem>>, vector<16xf32>,
            %parallel_loop3A_264 = vector.shape_cast %parallel_loop3A_263 : vector<16xf32> to vector<16xf32>
            %parallel_loop3A_265 = vector.shape_cast %parallel_loop3A_261 : vector<16xf32> to vector<16xf32>
            tpu.vector_store %arg7[%parallel_loop3A_262], %parallel_loop3A_265 {strides = array<i32>} : memref<32768xf32, #tpu.memory_space<vmem>>, vector<16xf32>,
          } {sc.loop_unroll_factor = 4 : i64, sc.parallel_access}
        } {sc.loop_unroll_factor = 1 : i64, sc.parallel_access}
        %mul3A_75 = arith.constant 8 : i32
        %mul3A_76 = arith.muli %add3A_53, %mul3A_75 : i32
        %add3A_77 = arith.addi %mul3A_2, %mul3A_76 : i32
        %mul3A_78 = arith.constant 4096 : i32
        %mul3A_79 = arith.muli %add3A_77, %mul3A_78 : i32
        %dma_start3A_80 = tpu.memref_slice %arg4[%mul3A_79] : memref<16777216xf32, #tpu.memory_space<hbm>> -> memref<32768xf32, #tpu.memory_space<hbm>>
        %dma_start3A_81 = tpu.memref_slice %arg4[%mul3A_79] : memref<16777216xf32, #tpu.memory_space<hbm>> -> memref<32768xf32, #tpu.memory_space<hbm>>
        tpu.enqueue_dma source(%arg7 : memref<32768xf32, #tpu.memory_space<vmem>>) target(%dma_start3A_81 : memref<32768xf32, #tpu.memory_space<hbm>>) target_semaphore(%arg16 : memref<!tpu.dma_semaphore, #tpu.memory_space<semaphore_mem>>)
        %ge3A = arith.constant 1 : i32
        %ge3A_82 = arith.cmpi sge, %add3A_53, %ge3A : i32
        %convert_element_type3A_83 = arith.extui %ge3A_82 : i1 to i32
        %cond3A_84 = arith.constant 0 : i32
        %cond3A_85 = arith.cmpi ne, %convert_element_type3A_83, %cond3A_84 : i32
        scf.if %cond3A_85 {
          %sub3A = arith.constant 1 : i32
          %sub3A_93 = arith.subi %add3A_53, %sub3A : i32
          %mul3A_94 = arith.constant 8 : i32
          %mul3A_95 = arith.muli %sub3A_93, %mul3A_94 : i32
          %add3A_96 = arith.addi %mul3A_2, %mul3A_95 : i32
          %mul3A_97 = arith.constant 4096 : i32
          %mul3A_98 = arith.muli %add3A_96, %mul3A_97 : i32
          %dma_wait3A_99 = tpu.memref_slice %arg4[%mul3A_98] : memref<16777216xf32, #tpu.memory_space<hbm>> -> memref<32768xf32, #tpu.memory_space<hbm>>
          %dma_wait3A_100 = tpu.memref_slice %arg4[%mul3A_98] : memref<16777216xf32, #tpu.memory_space<hbm>> -> memref<32768xf32, #tpu.memory_space<hbm>>
          tpu.wait_dma2 semaphore(%arg15 : memref<!tpu.dma_semaphore, #tpu.memory_space<semaphore_mem>>) src(%arg6 : memref<32768xf32, #tpu.memory_space<vmem>>) dst(%dma_wait3A_100 : memref<32768xf32, #tpu.memory_space<hbm>>)
        } else {
        }
        %add3A_86 = arith.constant 2 : i32
        %add3A_87 = arith.addi %add3A_53, %add3A_86 : i32
        %lt3A_88 = arith.constant 16 : i32
        %lt3A_89 = arith.cmpi slt, %add3A_87, %lt3A_88 : i32
        %convert_element_type3A_90 = arith.extui %lt3A_89 : i1 to i32
        %cond3A_91 = arith.constant 0 : i32
        %cond3A_92 = arith.cmpi ne, %convert_element_type3A_90, %cond3A_91 : i32
        scf.if %cond3A_92 {
          %add3A_93 = arith.constant 2 : i32
          %add3A_94 = arith.addi %add3A_53, %add3A_93 : i32
          %mul3A_95 = arith.constant 8 : i32
          %mul3A_96 = arith.muli %add3A_94, %mul3A_95 : i32
          %add3A_97 = arith.addi %mul3A_2, %mul3A_96 : i32
          %mul3A_98 = arith.constant 4096 : i32
          %mul3A_99 = arith.muli %add3A_97, %mul3A_98 : i32
          %mul3A_100 = arith.constant 8 : i32
          %mul3A_101 = arith.muli %add3A_94, %mul3A_100 : i32
          %add3A_102 = arith.addi %mul3A_2, %mul3A_101 : i32
          %mul3A_103 = arith.constant 256 : i32
          %mul3A_104 = arith.muli %add3A_102, %mul3A_103 : i32
          %dma_start3A_105 = tpu.memref_slice %arg2[%mul3A_99] : memref<16777216xf32, #tpu.memory_space<hbm>> -> memref<32768xf32, #tpu.memory_space<hbm>>
          %dma_start3A_106 = tpu.memref_slice %arg2[%mul3A_99] : memref<16777216xf32, #tpu.memory_space<hbm>> -> memref<32768xf32, #tpu.memory_space<hbm>>
          tpu.enqueue_dma source(%dma_start3A_106 : memref<32768xf32, #tpu.memory_space<hbm>>) target(%arg6 : memref<32768xf32, #tpu.memory_space<vmem>>) target_semaphore(%arg12 : memref<!tpu.dma_semaphore, #tpu.memory_space<semaphore_mem>>)
          %dma_start3A_107 = tpu.memref_slice %arg3[%mul3A_104] : memref<1048576xf32, #tpu.memory_space<hbm>> -> memref<2048xf32, #tpu.memory_space<hbm>>
          %dma_start3A_108 = tpu.memref_slice %arg3[%mul3A_104] : memref<1048576xf32, #tpu.memory_space<hbm>> -> memref<2048xf32, #tpu.memory_space<hbm>>
          tpu.enqueue_dma source(%dma_start3A_108 : memref<2048xf32, #tpu.memory_space<hbm>>) target(%arg9 : memref<2048xf32, #tpu.memory_space<vmem>>) target_semaphore(%arg12 : memref<!tpu.dma_semaphore, #tpu.memory_space<semaphore_mem>>)
        } else {
        }
      } else {
      }
    }
    %scan3A_32 = arith.constant 6 : i32
    %add3A_33 = arith.constant 120 : i32
    %add3A_34 = arith.addi %mul3A_2, %add3A_33 : i32
    %mul3A_35 = arith.constant 4096 : i32
    %mul3A_36 = arith.muli %add3A_34, %mul3A_35 : i32
    %dma_wait3A = tpu.memref_slice %arg4[%mul3A_36] : memref<16777216xf32, #tpu.memory_space<hbm>> -> memref<32768xf32, #tpu.memory_space<hbm>>
    %dma_wait3A_37 = tpu.memref_slice %arg4[%mul3A_36] : memref<16777216xf32, #tpu.memory_space<hbm>> -> memref<32768xf32, #tpu.memory_space<hbm>>
    tpu.wait_dma2 semaphore(%arg14 : memref<!tpu.dma_semaphore, #tpu.memory_space<semaphore_mem>>) src(%arg5 : memref<32768xf32, #tpu.memory_space<vmem>>) dst(%dma_wait3A_37 : memref<32768xf32, #tpu.memory_space<hbm>>)
    return
  }
}

module attributes {stable_mosaic.version = 14 : i64} {
  func.func @_tc_body(%arg0: i32, %arg1: memref<256x1x128xf32, #tpu.memory_space<vmem>>, %arg2: memref<256x1x128xf32, #tpu.memory_space<vmem>>, %arg3: memref<256x1x128xf32, #tpu.memory_space<vmem>>, %arg4: memref<256x32x128xf32, #tpu.memory_space<vmem>>, %arg5: memref<256x32x128xf32, #tpu.memory_space<vmem>>) attributes {dimension_semantics = [#tpu.dimension_semantics<arbitrary>], iteration_bounds = array<i64: 16>, scalar_prefetch = 0 : i64, scratch_operands = 0 : i64, tpu.core_type = #tpu.core_type<tc>, window_params = [{transform_indices = @transform_0, window_bounds = array<i64: 256, 1, 128>}, {transform_indices = @transform_1, window_bounds = array<i64: 256, 1, 128>}, {transform_indices = @transform_2, window_bounds = array<i64: 256, 1, 128>}, {transform_indices = @transform_3, window_bounds = array<i64: 256, 32, 128>}, {transform_indices = @transform_4, window_bounds = array<i64: 256, 32, 128>}]} {
    %get3A = arith.constant 0 : index
    %get3A_0 = arith.constant 0 : index
    %get3A_1 = arith.constant 0 : index
    %get3A_2 = vector.load %arg1[%get3A, %get3A_0, %get3A_1] : memref<256x1x128xf32, #tpu.memory_space<vmem>>, vector<256x1x128xf32>
    %get3A_3 = arith.constant 0 : index
    %get3A_4 = arith.constant 0 : index
    %get3A_5 = arith.constant 0 : index
    %get3A_6 = vector.load %arg2[%get3A_3, %get3A_4, %get3A_5] : memref<256x1x128xf32, #tpu.memory_space<vmem>>, vector<256x1x128xf32>
    %get3A_7 = arith.constant 0 : index
    %get3A_8 = arith.constant 0 : index
    %get3A_9 = arith.constant 0 : index
    %get3A_10 = vector.load %arg3[%get3A_7, %get3A_8, %get3A_9] : memref<256x1x128xf32, #tpu.memory_space<vmem>>, vector<256x1x128xf32>
    %get3A_11 = arith.constant 0 : index
    %get3A_12 = arith.constant 0 : index
    %get3A_13 = arith.constant 0 : index
    %get3A_14 = vector.load %arg4[%get3A_11, %get3A_12, %get3A_13] : memref<256x32x128xf32, #tpu.memory_space<vmem>>, vector<256x32x128xf32>
    %roll3A = arith.constant 127 : i32
    %roll3A_15 = tpu.dynamic_rotate %get3A_14 by %roll3A dim 2 : vector<256x32x128xf32>, i32 -> vector<256x32x128xf32>
    %roll3A_16 = arith.constant 1 : i32
    %roll3A_17 = tpu.dynamic_rotate %get3A_14 by %roll3A_16 dim 2 : vector<256x32x128xf32>, i32 -> vector<256x32x128xf32>
    %mul3A = vector.broadcast %get3A_2 : vector<256x1x128xf32> to vector<256x32x128xf32>
    %mul3A_18 = arith.mulf %get3A_14, %mul3A : vector<256x32x128xf32>
    %mul3A_19 = vector.broadcast %get3A_6 : vector<256x1x128xf32> to vector<256x32x128xf32>
    %mul3A_20 = arith.mulf %roll3A_15, %mul3A_19 : vector<256x32x128xf32>
    %add3A = arith.addf %mul3A_18, %mul3A_20 : vector<256x32x128xf32>
    %mul3A_21 = vector.broadcast %get3A_10 : vector<256x1x128xf32> to vector<256x32x128xf32>
    %mul3A_22 = arith.mulf %roll3A_17, %mul3A_21 : vector<256x32x128xf32>
    %add3A_23 = arith.addf %add3A, %mul3A_22 : vector<256x32x128xf32>
    %swap3A = arith.constant 0 : index
    %swap3A_24 = arith.constant 0 : index
    %swap3A_25 = arith.constant 0 : index
    %swap3A_26 = vector.load %arg5[%swap3A, %swap3A_24, %swap3A_25] : memref<256x32x128xf32, #tpu.memory_space<vmem>>, vector<256x32x128xf32>
    tpu.vector_store %arg5[%swap3A, %swap3A_24, %swap3A_25], %add3A_23 {strides = array<i32>} : memref<256x32x128xf32, #tpu.memory_space<vmem>>, vector<256x32x128xf32>,
    return
  }
  func.func @transform_0(%arg0: i32) -> (i32, i32, i32) {
    %c0_i32 = arith.constant 0 : i32
    %c0_i32_0 = arith.constant 0 : i32
    %c0_i32_1 = arith.constant 0 : i32
    return %arg0, %c0_i32, %c0_i32_0 : i32, i32, i32
  }
  func.func @transform_1(%arg0: i32) -> (i32, i32, i32) {
    %c0_i32 = arith.constant 0 : i32
    %c0_i32_0 = arith.constant 0 : i32
    %c0_i32_1 = arith.constant 0 : i32
    return %arg0, %c0_i32, %c0_i32_0 : i32, i32, i32
  }
  func.func @transform_2(%arg0: i32) -> (i32, i32, i32) {
    %c0_i32 = arith.constant 0 : i32
    %c0_i32_0 = arith.constant 0 : i32
    %c0_i32_1 = arith.constant 0 : i32
    return %arg0, %c0_i32, %c0_i32_0 : i32, i32, i32
  }
  func.func @transform_3(%arg0: i32) -> (i32, i32, i32) {
    %c0_i32 = arith.constant 0 : i32
    %c0_i32_0 = arith.constant 0 : i32
    %c0_i32_1 = arith.constant 0 : i32
    return %arg0, %c0_i32, %c0_i32_0 : i32, i32, i32
  }
  func.func @transform_4(%arg0: i32) -> (i32, i32, i32) {
    %c0_i32 = arith.constant 0 : i32
    %c0_i32_0 = arith.constant 0 : i32
    %c0_i32_1 = arith.constant 0 : i32
    return %arg0, %c0_i32, %c0_i32_0 : i32, i32, i32
  }
}

</mosaic_0001>

<sc_bundles>
// kernel: kernel.4.cloned.1.call-start
scs
__scs_entry_jumppad:
0x0: {  	(pc) =	sbr.rel $0x88, $3  }
0x1: {  	(tag) =	ssettag $0x0;
	lr =	simm.s32 $0x1  }
0x2: {  	[smem:$0x3F9F] =	sst lr;
	_ =	strace $0xD0000000  }
0x3: {  	_ = 	snop  }
0x4: {  	_ = 	snop  }
0x5: {  	_ = 	snop  }
0x6: {  	_ = 	snop  }
0x7: {  	_ = 	snop  }
__scs_overlays_trampoline_lowered:
0x8: {  	[smem:$0x3FAE] =	sst s0  }
0x9: {  	[smem:$0x3FAF] =	sst s1  }
0xa: {  	[smem:$0x3FB0] =	sst s2  }
0xb: {  	[smem:$0x3FB1] =	sst s3  }
0xc: {  	[smem:$0x3FB2] =	sst s4  }
0xd: {  	[smem:$0x3FB3] =	sst s5  }
0xe: {  	[smem:$0x3FB4] =	sst s6  }
0xf: {  	[smem:$0x3FB5] =	sst s7  }
0x10: {  	[smem:$0x3FB6] =	sst s8  }
0x11: {  	[smem:$0x3FB7] =	sst s9;
	s0 =	simm.s32 @!p0 $0x0  }
0x12: {  	s1 =	sld [smem:$0x3F9D];
	s0 =	simm.s32 @p0 $0x1  }
0x13: {  	[smem:$0x3FB8] =	sst s0;
	s0 =	simm.s32 @!p1 $0x0  }
0x14: {  	s2 =	sld [smem:$0x3F9C];
	s0 =	simm.s32 @p1 $0x1  }
0x15: {  	[smem:$0x3FB9] =	sst s0;
	s0 =	simm.s32 @!p2 $0x0  }
0x16: {  	s3 =	sld [smem:$0x3FDB];
	s0 =	simm.s32 @p2 $0x1  }
0x17: {  	s4 =	simm.s32 $0x1BF5;
	[smem:$0x3FBB] =	sst s0  }
0x18: {  	s0 =	sld [smem:$0x3F9E];
	_ =	swait.ge [sflag:s4], $0x0  }
0x19: {  	s7 =	sld [smem:$0x3F9F]  }
0x1a: {  	s8 =	sadd.s32 $0xFFFFE003, lr  }
0x1b: {  	s9 =	sadd.s32 $0xFFFFFEF7, lr;
	s5 =	simm.s32 $0xFFFFFFFF;
	p2 =	slt.u32 s8, $0xFFFFF086  }
0x1c: {  	p1 =	slt.u32 s9, $0xF7A;
	s5 =	simm.s32 @!p2 $0x0  }
0x1d: {  	s5 =	simm.s32 @p1 $0x1;
	p0 =	seq.s32 s7, s2  }
0x1e: {  	s7 =	smul.u32 @!p0 $0xF7A, s2;
	p2 =	seq.s32 @!p0 s5, $0x0  }
0x1f: {  	s9 =	smul.u32 $0xF7A, s1;
	s8 =	simm.s32 @!p0 $0x1BF5;
	p2 =	por !p2, p0  }
0x20: {  	[sflag:s8] =	ssyncset.s32 @!p0 $0xFFFFF086;
	s6 =	sadd.s32 @!p0 s3, s7;
	s7 =	simm.s32 @!p0 $0x108  }
0x21: {  	s3 =	sadd.s32 s3, s9;
	s6 =	sadd.s32 @!p0 $0x88, s6;
	s7 =	simm.s32 @p2 $0x1082  }
0x22: {  	[simem:s7], [sflag:s8] =	dma.local @!p0 [hbm:s6], $0xF7A  }
0x23: {  	s9 =	sor.u32 $0xD0000000, s2;
	s6 =	simm.s32 $0x108;
	_ =	swait.ge @!p0 [sflag:s8], $0x0  }
0x24: {  	s3 =	sadd.s32 $0x88, s3;
	s6 =	simm.s32 @!p1 $0x1082;
	[sflag:s4] =	ssyncset.s32 $0xFFFFF086  }
0x25: {  	[simem:s6], [sflag:s4] =	dma.local [hbm:s3], $0xF7A  }
0x26: {  	[smem:$0x3F9F] =	sst s1;
	(tag) =	ssettag s2;
	_ =	strace s9  }
0x27: {  	s1 =	sld [smem:$0x3FAF]  }
0x28: {  	s2 =	sld [smem:$0x3FB0]  }
0x29: {  	s4 =	sld [smem:$0x3FB2]  }
0x2a: {  	p0 =	seq.s32 s5, $0x0;
	s5 =	sld [smem:$0x3FB3]  }
0x2b: {  	s6 =	sld [smem:$0x3FB4]  }
0x2c: {  	s7 =	sld [smem:$0x3FB5]  }
0x2d: {  	s3 =	simm.s32 $0x108;
	s8 =	sld [smem:$0x3FB6]  }
0x2e: {  	s3 =	simm.s32 @!p0 $0x1082;
	s9 =	sld [smem:$0x3FB7]  }
0x2f: {  	lr =	sadd.s32 s0, s3;
	s0 =	sld [smem:$0x3FAE]  }
0x30: {  	s3 =	sld [smem:$0x3FB1]  }
0x31: {  	[smem:$0x3FBA] =	sst s10  }
0x32: {  	s10 =	sld [smem:$0x3FB8];
	_ =	sdelay $0x3  }
0x33: {  	p0 =	seq.s32 s10, $0x1;
	s10 =	sld [smem:$0x3FBA];
	_ =	sdelay $0x3  }
0x34: {  	[smem:$0x3FBA] =	sst s10  }
0x35: {  	s10 =	sld [smem:$0x3FB9];
	_ =	sdelay $0x3  }
0x36: {  	p1 =	seq.s32 s10, $0x1;
	s10 =	sld [smem:$0x3FBA];
	_ =	sdelay $0x3  }
0x37: {  	[smem:$0x3FBA] =	sst s10  }
0x38: {  	s10 =	sld [smem:$0x3FBB]  }
0x39: {  	_ = 	snop;
	(pc) =	sbr.ind lr, $3  }
0x3a: {  	_ = 	snop  }
0x3b: {  	_ = 	snop  }
0x3c: {  	p2 =	seq.s32 s10, $0x1;
	s10 =	sld [smem:$0x3FBA]  }
0x3d: {  	_ =	shalt  }
0x3e: {  	_ =	shalt  }
0x3f: {  	_ =	shalt  }
0x40: {  	_ =	shalt  }
0x41: {  	_ =	shalt  }
0x42: {  	_ =	shalt  }
0x43: {  	_ =	shalt  }
0x44: {  	_ =	shalt  }
0x45: {  	_ =	shalt  }
0x46: {  	_ =	shalt  }
0x47: {  	_ =	shalt  }
0x48: {  	_ =	shalt  }
0x49: {  	_ =	shalt  }
0x4a: {  	_ =	shalt  }
0x4b: {  	_ =	shalt  }
0x4c: {  	_ =	shalt  }
0x4d: {  	_ =	shalt  }
0x4e: {  	_ =	shalt  }
0x4f: {  	_ =	shalt  }
0x50: {  	_ =	shalt  }
0x51: {  	_ =	shalt  }
0x52: {  	_ =	shalt  }
0x53: {  	_ =	shalt  }
0x54: {  	_ =	shalt  }
0x55: {  	_ =	shalt  }
0x56: {  	_ =	shalt  }
0x57: {  	_ =	shalt  }
0x58: {  	_ =	shalt  }
0x59: {  	_ =	shalt  }
0x5a: {  	_ =	shalt  }
0x5b: {  	_ =	shalt  }
0x5c: {  	_ =	shalt  }
0x5d: {  	_ =	shalt  }
0x5e: {  	_ =	shalt  }
0x5f: {  	_ =	shalt  }
0x60: {  	_ =	shalt  }
0x61: {  	_ =	shalt  }
0x62: {  	_ =	shalt  }
0x63: {  	_ =	shalt  }
0x64: {  	_ =	shalt  }
0x65: {  	_ =	shalt  }
0x66: {  	_ =	shalt  }
0x67: {  	_ =	shalt  }
0x68: {  	_ =	shalt  }
0x69: {  	_ =	shalt  }
0x6a: {  	_ =	shalt  }
0x6b: {  	_ =	shalt  }
0x6c: {  	_ =	shalt  }
0x6d: {  	_ =	shalt  }
0x6e: {  	_ =	shalt  }
0x6f: {  	_ =	shalt  }
0x70: {  	_ =	shalt  }
0x71: {  	_ =	shalt  }
0x72: {  	_ =	shalt  }
0x73: {  	_ =	shalt  }
0x74: {  	_ =	shalt  }
0x75: {  	_ =	shalt  }
0x76: {  	_ =	shalt  }
0x77: {  	_ =	shalt  }
0x78: {  	_ =	shalt  }
0x79: {  	_ =	shalt  }
0x7a: {  	_ =	shalt  }
0x7b: {  	_ =	shalt  }
0x7c: {  	_ =	shalt  }
0x7d: {  	_ =	shalt  }
0x7e: {  	_ =	shalt  }
0x7f: {  	_ =	shalt  }
0x80: {  	_ =	shalt  }
0x81: {  	_ =	shalt  }
0x82: {  	_ =	shalt  }
0x83: {  	_ =	shalt  }
0x84: {  	_ =	shalt  }
0x85: {  	_ =	shalt  }
0x86: {  	_ =	shalt  }
0x87: {  	_ =	shalt  }
.Lfunc_end0:
.L_simem_size_0:
called_computation_lowered:
.L_overlay_start_0:
0x88: {  	s2 =	sld [smem:$0x3FD9]  }
0x89: {  	s3 =	sld [smem:$0x3FFE];
	_ =	sdelay $0x1  }
0x8a: {  	s1 =	srdreg.scid  }
0x8b: {  	s0 =	sand.u32 $0x1, s1  }
0x8c: {  	s14 =	sshll.u32 s0, $0xA;
	s2 =	sadd.s32 s3, s2  }
0x8d: {  	s2 =	sadd.s32 s2, s14  }
0x8e: {  	[smem:$0x3FC6] =	sst s2  }
0x8f: {  	_ = 	snop  }
0x90: {  	s2 =	sld [smem:$0x3FD0];
	_ =	sdelay $0x2  }
0x91: {  	s4 =	simm.s32 $0xA;
	s5 =	simm.s32 $0x10;
	s15 =	sld [smem:$0x3FC8]  }
0x92: {  	[smem:s5], [sflag:s4] =	dma.local [hbm:s2], $0x1  }
0x93: {  	_ =	swait.eq [sflag:s4], $0x1  }
0x94: {  	[sflag:s4] =	ssyncset.done $0x0  }
0x95: {  	[sflag:s4] =	ssyncadd.s32 $0xFFFFFFFF  }
0x96: {  	s16 =	sld [smem:$0x11];
	(tm) =	ssettm $0x1  }
0x97: {  	s17 =	sld [smem:$0x3FFB];
	_ =	sdelay $0x3  }
0x98: {  	_ =	strace s17  }
0x99: {  	s4 =	sld [smem:$0x3FFC];
	_ =	sdelay $0x3  }
0x9a: {  	_ =	strace s4  }
0x9b: {  	s4 =	sld [smem:$0x3FFD];
	_ =	sdelay $0x3  }
0x9c: {  	_ =	strace s4  }
0x9d: {  	_ =	strace $0x8FFFFFFF  }
0x9e: {  	s18 =	sld [smem:$0x3FDB];
	_ =	sdelay $0x1  }
0x9f: {  	s19 =	simm.s32 $_scs_section_size  }
0xa0: {  	s6 =	simm.s32 $_size__tile_overlayer_lowered;
	s7 =	simm.s32 $_tile_overlayer_lowered  }
0xa1: {  	s22 =	simm.s32 $0x1BFF;
	s21 =	sshll.u32 s7, $0x1;
	s4 =	sadd.s32 s19, s18  }
0xa2: {  	s8 =	simm.s32 $0x0;
	s20 =	sshll.u32 s6, $0x1;
	s6 =	sadd.s32 s21, s4  }
0xa3: {  	[timem:s8], [sflag:s22] =	dma.local [hbm:s6], s20  }
0xa4: {  	_ =	swait.ge [sflag:s22], s20  }
0xa5: {  	s5 =	ssub.s32 $0x0, s20;
	[sflag:s22] =	ssyncset.done $0x0  }
0xa6: {  	[sflag:s22] =	ssyncadd.s32 s5;
	_ =	sdelay $0x1  }
0xa7: {  	s23 =	simm.s32 $0x1B8B  }
0xa8: {  	_ =	swait.ge [sflag:s23], $0x1  }
0xa9: {  	[sflag:s23] =	ssyncset.done $0x0  }
0xaa: {  	s25 =	simm.s32 $0x1B8E;
	s24 =	sld [smem:$0x3FFE];
	[sflag:s23] =	ssyncadd.s32 $0xFFFFFFFF  }
0xab: {  	s26 =	simm.s32 $execute0_lowered;
	[smem:$0x3FD2] =	sst s25  }
0xac: {  	s6 =	sshll.u32 s26, $0x1;
	_ =	strace $0x80000046;
	[dreg:$0x1] =	wrdreg $0xFFFFFFFF  }
0xad: {  	s28 =	simm.s32 $_size_execute0_lowered;
	s4 =	sadd.s32 s4, s6;
	[dreg:$0x0] =	wrdreg $0x0  }
0xae: {  	s6 =	sshll.u32 s28, $0x1;
	[dreg:$0x2] =	wrdreg s4  }
0xaf: {  	[dreg:$0x3] =	wrdreg s6  }
0xb0: {  	[dreg:$0x4] =	wrdreg $0xC0  }
0xb1: {  	_ =	task [dreg:s8], $0x5FFFF  }
0xb2: {  	[dreg:$0x1] =	wrdreg $0xFFFFFFFF  }
0xb3: {  	[dreg:$0x0] =	wrdreg $0x60  }
0xb4: {  	[dreg:$0x2] =	wrdreg s15  }
0xb5: {  	[dreg:$0x3] =	wrdreg s24  }
0xb6: {  	[dreg:$0x4] =	wrdreg s16  }
0xb7: {  	[dreg:$0x5] =	wrdreg $0x9  }
0xb8: {  	_ =	task.clear_ibuf [dreg:s8], $0x6FFFF;
	_ =	strace $0x90000046  }
0xb9: {  	s29 =	simm.s32 $0x9;
	_ =	strace $0x80000048  }
0xba: {  	_ =	swait.ge [sflag:s29], $0x1  }
0xbb: {  	[sflag:s29] =	ssyncadd.s32 $0xFFFFFFFF  }
0xbc: {  	_ =	strace $0x90000048  }
0xbd: {  	_ =	sfence  }
0xbe: {  	s30 =	sld [smem:$0x0];
	_ =	sdelay $0x2  }
0xbf: {  	s31 =	sshll.u32 s1, $0xD;
	s1 =	sshrl.u32 s1, $0x2  }
0xc0: {  	s3 =	sand.u32 $0x4000, s31;
	s1 =	sadd.s32 s1, s30  }
0xc1: {  	s0 =	sor.u32 s3, s0;
	s1 =	sshll.u32 s1, $0x11  }
0xc2: {  	s0 =	sor.u32 s1, s0  }
0xc3: {  	s0 =	sadd.s32 $0x8F2B, s0  }
0xc4: {  	[sflag:s0] =	ssyncadd.remote.s32 $0x1  }
0xc5: {  	_ =	sfence.sel $0xFFFF  }
0xc6: {  	[dreg:$0x0] =	wrdreg $0xFFFFFFFF;
	(pc) =	sbr.abs _section_cstart, $3  }
0xc7: {  	[dreg:$0x1] =	wrdreg $0xFFFFFFFF  }
0xc8: {  	_ =	task.clear_ibuf [dreg:s8], $0x2FFFF;
	_ =	strace $0x9FFFFFFF  }
0xc9: {  	(tm) =	ssettm $0x7FFFFFFF  }
tec
execute0_lowered:
.L_overlay_start_1:
0x0: {  	(tag) =	ssettag $0x1  }
0x1: {  	s1 =	rddreg [dreg:$0x0]  }
0x2: {  	s0 =	rddreg [dreg:$0x1]  }
0x3: {  	s2 =	rddreg [dreg:$0x2]  }
0x4: {  	s4 =	simm.s32 $0x0;
	s3 =	srdreg.scid;
	s5 =	stileid.u32  }
0x5: {  	s20 =	simm.s32 $0x1;
	s21 =	simm.s32 $0x4;
	s22 =	simm.s32 $0x2  }
0x6: {  	s23 =	simm.s32 $0x3;
	s25 =	simm.s32 $0x5;
	[smem:$0x7FF] =	sst s4  }
0x7: {  	s3 =	sand.u32 $0x1, s3;
	s6 =	sshll.u32 s5, $0x1;
	s5 =	sadd.s32 $0xA00, s0  }
0x8: {  	_ =	strace $0x80000047;
	s26 =	ssub.s32 $0x2, s3;
	s3 =	sor.u32 s3, s6  }
0x9: {  	s7 =	sshrl.u32 s26, $0x1;
	s6 =	sshll.u32 s3, $0x7;
	s8 =	sshll.u32 s3, $0x10  }
0xa: {  	v0 =	vimm.s32 $0xEFCDAB89;
	v1 =	vimm.s32 $0x67452301;
	s9 =	sshll.u32 s3, $0xC;
	s3 =	sshll.u32 s3, $0x13;
	s0 =	ssub.s32 s26, s7  }
0xb: {  	v0 =	vunpack.c.l.s4.s8 v0;
	v1 =	vunpack.c.l.s4.s8 v1;
	s28 =	sadd.s32 s1, s8;
	s29 =	sor.u32 $0x8, s6;
	s9 =	sadd.s32 s5, s9  }
0xc: {  	s11 =	sor.u32 $0x10, s6;
	s31 =	sadd.s32 s8, s2;
	s12 =	sor.u32 $0x8000, s3  }
.Ltmp0:
0xd: {  	v0 =	vunpack.c.0.s8.s32 v0;
	v1 =	vunpack.c.0.s8.s32 v1;
	s13 =	sor.u32 $0x18, s6;
	[dreg:$0x4] =	wrdreg s28;
	(pc) =	sbr.rel .LBB2_1-.Ltmp0, $4  }
0xe: {  	s10 =	sshll.u32 s29, $0x9;
	[dreg:$0x5] =	wrdreg s9;
	s0 =	smax.u32 s0, $0x1  }
0xf: {  	s7 =	sshll.u32 s29, $0x5;
	v0 =	vcombine.low v1, v0;
	s30 =	sadd.s32 s1, s10;
	[dreg:$0x8] =	wrdreg s0  }
0x10: {  	s15 =	sor.u32 $0x20, s6;
	s7 =	sadd.s32 s5, s7;
	[dreg:$0x6] =	wrdreg s30  }
0x11: {  	s3 =	simm.s32 $0x0;
	s14 =	sadd.s32 $0x2000, s31;
	[dreg:$0x7] =	wrdreg s7;
	v0 =	vand.u32 $0xF, v0  }
.LBB2_58:
0x12: {  	_ =	swait.ge [sflag:s21], $0x8000  }
0x13: {  	s3 =	rddreg [dreg:$0x9]  }
0x14: {  	s0 =	rddreg [dreg:$0x8];
	s3 =	sadd.s32 $0x1, s3  }
0x15: {  	p0 =	sne.s32 s3, s0  }
.Ltmp1:
0x16: {  	_ = 	snop;
	(pc) =	sbr.rel @!p0 .LBB2_59-.Ltmp1, $3  }
0x17: {  	_ =	sdelay $0x1  }
0x18: {  	[sflag:s21] =	ssyncset.done $0x0  }
0x19: {  	[sflag:s21] =	ssyncadd.s32 $0xFFFF8000  }
.LBB2_1:
0x1a: {  	[dreg:$0x9] =	wrdreg s3  }
0x1b: {  	s0 =	rddreg [dreg:$0x4]  }
0x1c: {  	[tilespmem:s4], [sflag:$0x1] =	stream.linear.gather [hbm4b:s0+s4], $0x8000, $0x38;
	[tilespmem:$0x19800] =	vst v63  }
0x1d: {  	s19 =	rddreg [dreg:$0x5];
	s24 =	simm.s32 $0x18000  }
0x1e: {  	[tilespmem:s24], [sflag:$0x1] =	stream.linear.gather [hbm4b:s19+s4], $0x800, $0x38;
	[tilespmem:$0x19800] =	vst v63  }
0x1f: {  	s26 =	rddreg [dreg:$0x6];
	s29 =	simm.s32 $0x8000  }
0x20: {  	[tilespmem:s29], [sflag:$0x2] =	stream.linear.gather [hbm4b:s26+s4], $0x8000, $0x38;
	[tilespmem:$0x19800] =	vst v63  }
0x21: {  	s30 =	rddreg [dreg:$0x7];
	s31 =	simm.s32 $0x18800;
	s28 =	simm.s32 $0x0  }
0x22: {  	[tilespmem:s31], [sflag:$0x2] =	stream.linear.gather [hbm4b:s30+s4], $0x800, $0x38;
	[tilespmem:$0x19800] =	vst v63  }
.LBB2_2:
0x23: {  	_ =	swait.ge [sflag:s20], $0x8000  }
0x24: {  	s29 =	simm.s32 $0x0;
	[sflag:s20] =	ssyncset.done $0x0  }
0x25: {  	s30 =	simm.s32 $0x100;
	s31 =	simm.s32 $0x110;
	[sflag:s20] =	ssyncadd.s32 $0xFFFF8000  }
0x26: {  	s0 =	simm.s32 $0x120;
	s3 =	simm.s32 $0x130;
	_ =	swait.ge [sflag:s20], $0x800  }
0x27: {  	s19 =	simm.s32 $0x140;
	s7 =	simm.s32 $0x150;
	[sflag:s20] =	ssyncset.done $0x0  }
0x28: {  	s8 =	simm.s32 $0x160;
	s9 =	simm.s32 $0x170;
	[sflag:s20] =	ssyncadd.s32 $0xFFFFF800  }
.LBB2_3:
0x29: {  	v3 =	vld [tilespmem:s30+$0xFFFFFF80]  }
0x2a: {  	s10 =	sshll.u32 s29, $0x8;
	v4 =	vld [tilespmem:s30+$0x0]  }
0x2b: {  	v6 =	vld [tilespmem:s30+$0x80];
	s10 =	sand.u32 $0x3FFFFF00, s10  }
0x2c: {  	v1 =	vld [tilespmem:s10+$0x18000]  }
0x2d: {  	v2 =	vld [tilespmem:s10+$0x18080]  }
0x2e: {  	v8 =	vld [tilespmem:s30+$0xFFFFFF00];
	_ =	sdelay $0x1  }
0x2f: {  	s16 =	sadd.s32 $0x200, s30;
	v5 =	vperm.xlane v3, v0;
	v7 =	vperm.xlane v4, v0  }
0x30: {  	v13 =	vld [tilespmem:s16+$0xFFFFFF80];
	v10 =	vperm.xlane v6, v0;
	v3 =	vmul.f32 v3, v1  }
0x31: {  	v9 =	vmul.f32 v4, v1;
	v4 =	vmul.f32 v5, v2  }
0x32: {  	v11 =	vperm.xlane v8, v0;
	v12 =	vmul.f32 v7, v2;
	v5 =	vld [tilespmem:s16+$0x0]  }
0x33: {  	v6 =	vmul.f32 v6, v1;
	v7 =	vmul.f32 v10, v2;
	v14 =	vadd.f32 v4, v3;
	v3 =	vld [tilespmem:s16+$0x80]  }
0x34: {  	v10 =	vmul.f32 v8, v1;
	v11 =	vmul.f32 v11, v2;
	v4 =	vld [tilespmem:s16+$0xFFFFFF00]  }
0x35: {  	s24 =	simm.s32 $0x4;
	s26 =	smov.u32 s30;
	s17 =	sadd.s32 $0x200, s16;
	v8 =	vmul.f32 v13, v1;
	v9 =	vadd.f32 v12, v9;
	v12 =	vperm.xlane v13, v0;
	[tilespmem:s30+$0xFFFFFF80] =	vst v14  }
.LBB2_4:
0x36: {  	s24 =	sadd.s32 $0x4, s24  }
0x37: {  	v13 =	vld [tilespmem:s17+$0xFFFFFF80];
	v14 =	vperm.xlane v5, v0;
	v15 =	vmul.f32 v5, v1;
	v17 =	vadd.f32 v11, v10;
	p0 =	slt.u32 s24, $0x1C  }
.Ltmp2:
0x38: {  	v5 =	vld [tilespmem:s17+$0x0];
	v11 =	vmul.f32 v12, v2;
	v12 =	vperm.xlane v3, v0;
	[tilespmem:s26+$0x0] =	vst v9;
	v9 =	vadd.f32 v7, v6;
	(pc) =	sbr.rel @p0 .LBB2_4-.Ltmp2, $4  }
0x39: {  	v6 =	vmovc v3;
	v16 =	vperm.xlane v4, v0;
	v14 =	vmul.f32 v14, v2;
	[tilespmem:s26+$0xFFFFFF00] =	vst v17;
	v3 =	vld [tilespmem:s17+$0x80];
	v10 =	vmov v4  }
0x3a: {  	v6 =	vmul.f32 v6, v1;
	v4 =	vld [tilespmem:s17+$0xFFFFFF00];
	v17 =	vadd.f32 v11, v8;
	v7 =	vmul.f32 v12, v2;
	[tilespmem:s26+$0x80] =	vst v9;
	s26 =	smov.u32 s16;
	s16 =	smov.u32 s17  }
0x3b: {  	v10 =	vmul.f32 v10, v1;
	v11 =	vmul.f32 v16, v2;
	v9 =	vadd.f32 v14, v15  }
0x3c: {  	s17 =	sadd.s32 $0x200, s17;
	v12 =	vperm.xlane v13, v0;
	v8 =	vmul.f32 v13, v1;
	[tilespmem:s26+$0xFFFFFF80] =	vst v17  }
0x3d: {  	_ = 	snop  }
0x3e: {  	v13 =	vperm.xlane v5, v0;
	v5 =	vmul.f32 v5, v1  }
0x3f: {  	v10 =	vadd.f32 v11, v10;
	v11 =	vmul.f32 v12, v2;
	v12 =	vperm.xlane v4, v0  }
0x40: {  	[tilespmem:s26+$0x0] =	vst v9;
	v6 =	vadd.f32 v7, v6;
	v14 =	vperm.xlane v3, v0;
	v7 =	vmul.f32 v13, v2  }
0x41: {  	[tilespmem:s26+$0xFFFFFF00] =	vst v10;
	v4 =	vmul.f32 v4, v1;
	v8 =	vadd.f32 v11, v8;
	v9 =	vmul.f32 v12, v2  }
0x42: {  	v1 =	vmul.f32 v3, v1;
	[tilespmem:s26+$0x80] =	vst v6;
	v2 =	vmul.f32 v14, v2;
	v3 =	vadd.f32 v7, v5  }
0x43: {  	[tilespmem:s16+$0xFFFFFF80] =	vst v8;
	v4 =	vadd.f32 v9, v4  }
0x44: {  	[tilespmem:s16+$0x0] =	vst v3;
	v1 =	vadd.f32 v2, v1  }
0x45: {  	[tilespmem:s16+$0xFFFFFF00] =	vst v4  }
0x46: {  	[tilespmem:s16+$0x80] =	vst v1  }
0x47: {  	v1 =	vld [tilespmem:s10+$0x18010]  }
0x48: {  	v2 =	vld [tilespmem:s10+$0x18090]  }
0x49: {  	v3 =	vld [tilespmem:s31+$0xFFFFFF80]  }
0x4a: {  	v4 =	vld [tilespmem:s31+$0x0]  }
0x4b: {  	v6 =	vld [tilespmem:s31+$0x80]  }
0x4c: {  	v8 =	vld [tilespmem:s31+$0xFFFFFF00];
	_ =	sdelay $0x1  }
0x4d: {  	s16 =	sadd.s32 $0x200, s31;
	v5 =	vperm.xlane v3, v0;
	v3 =	vmul.f32 v3, v1  }
0x4e: {  	v13 =	vld [tilespmem:s16+$0xFFFFFF80];
	v7 =	vperm.xlane v4, v0;
	v9 =	vmul.f32 v4, v1  }
0x4f: {  	v10 =	vperm.xlane v6, v0;
	v4 =	vmul.f32 v5, v2  }
0x50: {  	v11 =	vperm.xlane v8, v0;
	v6 =	vmul.f32 v6, v1;
	v5 =	vld [tilespmem:s16+$0x0]  }
0x51: {  	v12 =	vmul.f32 v7, v2;
	v7 =	vmul.f32 v10, v2;
	v14 =	vadd.f32 v4, v3;
	v3 =	vld [tilespmem:s16+$0x80]  }
0x52: {  	v10 =	vmul.f32 v8, v1;
	v11 =	vmul.f32 v11, v2;
	v4 =	vld [tilespmem:s16+$0xFFFFFF00]  }
0x53: {  	s24 =	simm.s32 $0x4;
	s26 =	smov.u32 s31;
	s17 =	sadd.s32 $0x200, s16;
	v8 =	vmul.f32 v13, v1;
	v9 =	vadd.f32 v12, v9;
	v12 =	vperm.xlane v13, v0;
	[tilespmem:s31+$0xFFFFFF80] =	vst v14  }
.LBB2_6:
0x54: {  	s24 =	sadd.s32 $0x4, s24  }
0x55: {  	v13 =	vld [tilespmem:s17+$0xFFFFFF80];
	v14 =	vperm.xlane v5, v0;
	v15 =	vmul.f32 v5, v1;
	v17 =	vadd.f32 v11, v10;
	p0 =	slt.u32 s24, $0x1C  }
.Ltmp3:
0x56: {  	v5 =	vld [tilespmem:s17+$0x0];
	v11 =	vmul.f32 v12, v2;
	v12 =	vperm.xlane v3, v0;
	[tilespmem:s26+$0x0] =	vst v9;
	v9 =	vadd.f32 v7, v6;
	(pc) =	sbr.rel @p0 .LBB2_6-.Ltmp3, $4  }
0x57: {  	v6 =	vmovc v3;
	v16 =	vperm.xlane v4, v0;
	v14 =	vmul.f32 v14, v2;
	[tilespmem:s26+$0xFFFFFF00] =	vst v17;
	v3 =	vld [tilespmem:s17+$0x80];
	v10 =	vmov v4  }
0x58: {  	v6 =	vmul.f32 v6, v1;
	v4 =	vld [tilespmem:s17+$0xFFFFFF00];
	v17 =	vadd.f32 v11, v8;
	v7 =	vmul.f32 v12, v2;
	[tilespmem:s26+$0x80] =	vst v9;
	s26 =	smov.u32 s16;
	s16 =	smov.u32 s17  }
0x59: {  	v10 =	vmul.f32 v10, v1;
	v11 =	vmul.f32 v16, v2;
	v9 =	vadd.f32 v14, v15  }
0x5a: {  	s17 =	sadd.s32 $0x200, s17;
	v12 =	vperm.xlane v13, v0;
	v8 =	vmul.f32 v13, v1;
	[tilespmem:s26+$0xFFFFFF80] =	vst v17  }
0x5b: {  	_ = 	snop  }
0x5c: {  	v13 =	vperm.xlane v5, v0;
	v5 =	vmul.f32 v5, v1  }
0x5d: {  	v10 =	vadd.f32 v11, v10;
	v11 =	vmul.f32 v12, v2;
	v12 =	vperm.xlane v4, v0  }
0x5e: {  	[tilespmem:s26+$0x0] =	vst v9;
	v6 =	vadd.f32 v7, v6;
	v14 =	vperm.xlane v3, v0;
	v7 =	vmul.f32 v13, v2  }
0x5f: {  	[tilespmem:s26+$0xFFFFFF00] =	vst v10;
	v4 =	vmul.f32 v4, v1;
	v8 =	vadd.f32 v11, v8;
	v9 =	vmul.f32 v12, v2  }
0x60: {  	v1 =	vmul.f32 v3, v1;
	[tilespmem:s26+$0x80] =	vst v6;
	v2 =	vmul.f32 v14, v2;
	v3 =	vadd.f32 v7, v5  }
0x61: {  	[tilespmem:s16+$0xFFFFFF80] =	vst v8;
	v4 =	vadd.f32 v9, v4  }
0x62: {  	[tilespmem:s16+$0x0] =	vst v3;
	v1 =	vadd.f32 v2, v1  }
0x63: {  	[tilespmem:s16+$0xFFFFFF00] =	vst v4  }
0x64: {  	[tilespmem:s16+$0x80] =	vst v1  }
0x65: {  	v1 =	vld [tilespmem:s10+$0x18020]  }
0x66: {  	v2 =	vld [tilespmem:s10+$0x180A0]  }
0x67: {  	v3 =	vld [tilespmem:s0+$0xFFFFFF80]  }
0x68: {  	v4 =	vld [tilespmem:s0+$0x0]  }
0x69: {  	v6 =	vld [tilespmem:s0+$0x80]  }
0x6a: {  	v8 =	vld [tilespmem:s0+$0xFFFFFF00];
	_ =	sdelay $0x1  }
0x6b: {  	s16 =	sadd.s32 $0x200, s0;
	v5 =	vperm.xlane v3, v0;
	v3 =	vmul.f32 v3, v1  }
0x6c: {  	v13 =	vld [tilespmem:s16+$0xFFFFFF80];
	v7 =	vperm.xlane v4, v0;
	v9 =	vmul.f32 v4, v1  }
0x6d: {  	v10 =	vperm.xlane v6, v0;
	v4 =	vmul.f32 v5, v2  }
0x6e: {  	v11 =	vperm.xlane v8, v0;
	v6 =	vmul.f32 v6, v1;
	v5 =	vld [tilespmem:s16+$0x0]  }
0x6f: {  	v12 =	vmul.f32 v7, v2;
	v7 =	vmul.f32 v10, v2;
	v14 =	vadd.f32 v4, v3;
	v3 =	vld [tilespmem:s16+$0x80]  }
0x70: {  	v10 =	vmul.f32 v8, v1;
	v11 =	vmul.f32 v11, v2;
	v4 =	vld [tilespmem:s16+$0xFFFFFF00]  }
0x71: {  	s24 =	simm.s32 $0x4;
	s26 =	smov.u32 s0;
	s17 =	sadd.s32 $0x200, s16;
	v8 =	vmul.f32 v13, v1;
	v9 =	vadd.f32 v12, v9;
	v12 =	vperm.xlane v13, v0;
	[tilespmem:s0+$0xFFFFFF80] =	vst v14  }
.LBB2_8:
0x72: {  	s24 =	sadd.s32 $0x4, s24  }
0x73: {  	v13 =	vld [tilespmem:s17+$0xFFFFFF80];
	v14 =	vperm.xlane v5, v0;
	v15 =	vmul.f32 v5, v1;
	v17 =	vadd.f32 v11, v10;
	p0 =	slt.u32 s24, $0x1C  }
.Ltmp4:
0x74: {  	v5 =	vld [tilespmem:s17+$0x0];
	v11 =	vmul.f32 v12, v2;
	v12 =	vperm.xlane v3, v0;
	[tilespmem:s26+$0x0] =	vst v9;
	v9 =	vadd.f32 v7, v6;
	(pc) =	sbr.rel @p0 .LBB2_8-.Ltmp4, $4  }
0x75: {  	v6 =	vmovc v3;
	v16 =	vperm.xlane v4, v0;
	v14 =	vmul.f32 v14, v2;
	[tilespmem:s26+$0xFFFFFF00] =	vst v17;
	v3 =	vld [tilespmem:s17+$0x80];
	v10 =	vmov v4  }
0x76: {  	v6 =	vmul.f32 v6, v1;
	v4 =	vld [tilespmem:s17+$0xFFFFFF00];
	v17 =	vadd.f32 v11, v8;
	v7 =	vmul.f32 v12, v2;
	[tilespmem:s26+$0x80] =	vst v9;
	s26 =	smov.u32 s16;
	s16 =	smov.u32 s17  }
0x77: {  	v10 =	vmul.f32 v10, v1;
	v11 =	vmul.f32 v16, v2;
	v9 =	vadd.f32 v14, v15  }
0x78: {  	s17 =	sadd.s32 $0x200, s17;
	v12 =	vperm.xlane v13, v0;
	v8 =	vmul.f32 v13, v1;
	[tilespmem:s26+$0xFFFFFF80] =	vst v17  }
0x79: {  	_ = 	snop  }
0x7a: {  	v13 =	vperm.xlane v5, v0;
	v5 =	vmul.f32 v5, v1  }
0x7b: {  	v10 =	vadd.f32 v11, v10;
	v11 =	vmul.f32 v12, v2;
	v12 =	vperm.xlane v4, v0  }
0x7c: {  	[tilespmem:s26+$0x0] =	vst v9;
	v6 =	vadd.f32 v7, v6;
	v14 =	vperm.xlane v3, v0;
	v7 =	vmul.f32 v13, v2  }
0x7d: {  	[tilespmem:s26+$0xFFFFFF00] =	vst v10;
	v4 =	vmul.f32 v4, v1;
	v8 =	vadd.f32 v11, v8;
	v9 =	vmul.f32 v12, v2  }
0x7e: {  	v1 =	vmul.f32 v3, v1;
	[tilespmem:s26+$0x80] =	vst v6;
	v2 =	vmul.f32 v14, v2;
	v3 =	vadd.f32 v7, v5  }
0x7f: {  	[tilespmem:s16+$0xFFFFFF80] =	vst v8;
	v4 =	vadd.f32 v9, v4  }
0x80: {  	[tilespmem:s16+$0x0] =	vst v3;
	v1 =	vadd.f32 v2, v1  }
0x81: {  	[tilespmem:s16+$0xFFFFFF00] =	vst v4  }
0x82: {  	[tilespmem:s16+$0x80] =	vst v1  }
0x83: {  	v1 =	vld [tilespmem:s10+$0x18030]  }
0x84: {  	v2 =	vld [tilespmem:s10+$0x180B0]  }
0x85: {  	v3 =	vld [tilespmem:s3+$0xFFFFFF80]  }
0x86: {  	v4 =	vld [tilespmem:s3+$0x0]  }
0x87: {  	v6 =	vld [tilespmem:s3+$0x80]  }
0x88: {  	v8 =	vld [tilespmem:s3+$0xFFFFFF00];
	_ =	sdelay $0x1  }
0x89: {  	s16 =	sadd.s32 $0x200, s3;
	v5 =	vperm.xlane v3, v0;
	v3 =	vmul.f32 v3, v1  }
0x8a: {  	v13 =	vld [tilespmem:s16+$0xFFFFFF80];
	v7 =	vperm.xlane v4, v0;
	v9 =	vmul.f32 v4, v1  }
0x8b: {  	v10 =	vperm.xlane v6, v0;
	v4 =	vmul.f32 v5, v2  }
0x8c: {  	v11 =	vperm.xlane v8, v0;
	v6 =	vmul.f32 v6, v1;
	v5 =	vld [tilespmem:s16+$0x0]  }
0x8d: {  	v12 =	vmul.f32 v7, v2;
	v7 =	vmul.f32 v10, v2;
	v14 =	vadd.f32 v4, v3;
	v3 =	vld [tilespmem:s16+$0x80]  }
0x8e: {  	v10 =	vmul.f32 v8, v1;
	v11 =	vmul.f32 v11, v2;
	v4 =	vld [tilespmem:s16+$0xFFFFFF00]  }
0x8f: {  	s24 =	simm.s32 $0x4;
	s26 =	smov.u32 s3;
	s17 =	sadd.s32 $0x200, s16;
	v8 =	vmul.f32 v13, v1;
	v9 =	vadd.f32 v12, v9;
	v12 =	vperm.xlane v13, v0;
	[tilespmem:s3+$0xFFFFFF80] =	vst v14  }
.LBB2_10:
0x90: {  	s24 =	sadd.s32 $0x4, s24  }
0x91: {  	v13 =	vld [tilespmem:s17+$0xFFFFFF80];
	v14 =	vperm.xlane v5, v0;
	v15 =	vmul.f32 v5, v1;
	v17 =	vadd.f32 v11, v10;
	p0 =	slt.u32 s24, $0x1C  }
.Ltmp5:
0x92: {  	v5 =	vld [tilespmem:s17+$0x0];
	v11 =	vmul.f32 v12, v2;
	v12 =	vperm.xlane v3, v0;
	[tilespmem:s26+$0x0] =	vst v9;
	v9 =	vadd.f32 v7, v6;
	(pc) =	sbr.rel @p0 .LBB2_10-.Ltmp5, $4  }
0x93: {  	v6 =	vmovc v3;
	v16 =	vperm.xlane v4, v0;
	v14 =	vmul.f32 v14, v2;
	[tilespmem:s26+$0xFFFFFF00] =	vst v17;
	v3 =	vld [tilespmem:s17+$0x80];
	v10 =	vmov v4  }
0x94: {  	v6 =	vmul.f32 v6, v1;
	v4 =	vld [tilespmem:s17+$0xFFFFFF00];
	v17 =	vadd.f32 v11, v8;
	v7 =	vmul.f32 v12, v2;
	[tilespmem:s26+$0x80] =	vst v9;
	s26 =	smov.u32 s16;
	s16 =	smov.u32 s17  }
0x95: {  	v10 =	vmul.f32 v10, v1;
	v11 =	vmul.f32 v16, v2;
	v9 =	vadd.f32 v14, v15  }
0x96: {  	s17 =	sadd.s32 $0x200, s17;
	v12 =	vperm.xlane v13, v0;
	v8 =	vmul.f32 v13, v1;
	[tilespmem:s26+$0xFFFFFF80] =	vst v17  }
0x97: {  	_ = 	snop  }
0x98: {  	v13 =	vperm.xlane v5, v0;
	v5 =	vmul.f32 v5, v1  }
0x99: {  	v10 =	vadd.f32 v11, v10;
	v11 =	vmul.f32 v12, v2;
	v12 =	vperm.xlane v4, v0  }
0x9a: {  	[tilespmem:s26+$0x0] =	vst v9;
	v6 =	vadd.f32 v7, v6;
	v14 =	vperm.xlane v3, v0;
	v7 =	vmul.f32 v13, v2  }
0x9b: {  	[tilespmem:s26+$0xFFFFFF00] =	vst v10;
	v4 =	vmul.f32 v4, v1;
	v8 =	vadd.f32 v11, v8;
	v9 =	vmul.f32 v12, v2  }
0x9c: {  	v1 =	vmul.f32 v3, v1;
	[tilespmem:s26+$0x80] =	vst v6;
	v2 =	vmul.f32 v14, v2;
	v3 =	vadd.f32 v7, v5  }
0x9d: {  	[tilespmem:s16+$0xFFFFFF80] =	vst v8;
	v4 =	vadd.f32 v9, v4  }
0x9e: {  	[tilespmem:s16+$0x0] =	vst v3;
	v1 =	vadd.f32 v2, v1  }
0x9f: {  	[tilespmem:s16+$0xFFFFFF00] =	vst v4  }
0xa0: {  	[tilespmem:s16+$0x80] =	vst v1  }
0xa1: {  	v1 =	vld [tilespmem:s10+$0x18040]  }
0xa2: {  	v2 =	vld [tilespmem:s10+$0x180C0]  }
0xa3: {  	v3 =	vld [tilespmem:s19+$0xFFFFFF80]  }
0xa4: {  	v4 =	vld [tilespmem:s19+$0x0]  }
0xa5: {  	v6 =	vld [tilespmem:s19+$0x80]  }
0xa6: {  	v8 =	vld [tilespmem:s19+$0xFFFFFF00];
	_ =	sdelay $0x1  }
0xa7: {  	s16 =	sadd.s32 $0x200, s19;
	v5 =	vperm.xlane v3, v0;
	v3 =	vmul.f32 v3, v1  }
0xa8: {  	v13 =	vld [tilespmem:s16+$0xFFFFFF80];
	v7 =	vperm.xlane v4, v0;
	v9 =	vmul.f32 v4, v1  }
0xa9: {  	v10 =	vperm.xlane v6, v0;
	v4 =	vmul.f32 v5, v2  }
0xaa: {  	v11 =	vperm.xlane v8, v0;
	v6 =	vmul.f32 v6, v1;
	v5 =	vld [tilespmem:s16+$0x0]  }
0xab: {  	v12 =	vmul.f32 v7, v2;
	v7 =	vmul.f32 v10, v2;
	v14 =	vadd.f32 v4, v3;
	v3 =	vld [tilespmem:s16+$0x80]  }
0xac: {  	v10 =	vmul.f32 v8, v1;
	v11 =	vmul.f32 v11, v2;
	v4 =	vld [tilespmem:s16+$0xFFFFFF00]  }
0xad: {  	s24 =	simm.s32 $0x4;
	s26 =	smov.u32 s19;
	s17 =	sadd.s32 $0x200, s16;
	v8 =	vmul.f32 v13, v1;
	v9 =	vadd.f32 v12, v9;
	v12 =	vperm.xlane v13, v0;
	[tilespmem:s19+$0xFFFFFF80] =	vst v14  }
.LBB2_12:
0xae: {  	s24 =	sadd.s32 $0x4, s24  }
0xaf: {  	v13 =	vld [tilespmem:s17+$0xFFFFFF80];
	v14 =	vperm.xlane v5, v0;
	v15 =	vmul.f32 v5, v1;
	v17 =	vadd.f32 v11, v10;
	p0 =	slt.u32 s24, $0x1C  }
.Ltmp6:
0xb0: {  	v5 =	vld [tilespmem:s17+$0x0];
	v11 =	vmul.f32 v12, v2;
	v12 =	vperm.xlane v3, v0;
	[tilespmem:s26+$0x0] =	vst v9;
	v9 =	vadd.f32 v7, v6;
	(pc) =	sbr.rel @p0 .LBB2_12-.Ltmp6, $4  }
0xb1: {  	v6 =	vmovc v3;
	v16 =	vperm.xlane v4, v0;
	v14 =	vmul.f32 v14, v2;
	[tilespmem:s26+$0xFFFFFF00] =	vst v17;
	v3 =	vld [tilespmem:s17+$0x80];
	v10 =	vmov v4  }
0xb2: {  	v6 =	vmul.f32 v6, v1;
	v4 =	vld [tilespmem:s17+$0xFFFFFF00];
	v17 =	vadd.f32 v11, v8;
	v7 =	vmul.f32 v12, v2;
	[tilespmem:s26+$0x80] =	vst v9;
	s26 =	smov.u32 s16;
	s16 =	smov.u32 s17  }
0xb3: {  	v10 =	vmul.f32 v10, v1;
	v11 =	vmul.f32 v16, v2;
	v9 =	vadd.f32 v14, v15  }
0xb4: {  	s17 =	sadd.s32 $0x200, s17;
	v12 =	vperm.xlane v13, v0;
	v8 =	vmul.f32 v13, v1;
	[tilespmem:s26+$0xFFFFFF80] =	vst v17  }
0xb5: {  	_ = 	snop  }
0xb6: {  	v13 =	vperm.xlane v5, v0;
	v5 =	vmul.f32 v5, v1  }
0xb7: {  	v10 =	vadd.f32 v11, v10;
	v11 =	vmul.f32 v12, v2;
	v12 =	vperm.xlane v4, v0  }
0xb8: {  	[tilespmem:s26+$0x0] =	vst v9;
	v6 =	vadd.f32 v7, v6;
	v14 =	vperm.xlane v3, v0;
	v7 =	vmul.f32 v13, v2  }
0xb9: {  	[tilespmem:s26+$0xFFFFFF00] =	vst v10;
	v4 =	vmul.f32 v4, v1;
	v8 =	vadd.f32 v11, v8;
	v9 =	vmul.f32 v12, v2  }
0xba: {  	v1 =	vmul.f32 v3, v1;
	[tilespmem:s26+$0x80] =	vst v6;
	v2 =	vmul.f32 v14, v2;
	v3 =	vadd.f32 v7, v5  }
0xbb: {  	[tilespmem:s16+$0xFFFFFF80] =	vst v8;
	v4 =	vadd.f32 v9, v4  }
0xbc: {  	[tilespmem:s16+$0x0] =	vst v3;
	v1 =	vadd.f32 v2, v1  }
0xbd: {  	[tilespmem:s16+$0xFFFFFF00] =	vst v4  }
0xbe: {  	[tilespmem:s16+$0x80] =	vst v1  }
0xbf: {  	v1 =	vld [tilespmem:s10+$0x18050]  }
0xc0: {  	v2 =	vld [tilespmem:s10+$0x180D0]  }
0xc1: {  	v3 =	vld [tilespmem:s7+$0xFFFFFF80]  }
0xc2: {  	v4 =	vld [tilespmem:s7+$0x0]  }
0xc3: {  	v6 =	vld [tilespmem:s7+$0x80]  }
0xc4: {  	v8 =	vld [tilespmem:s7+$0xFFFFFF00];
	_ =	sdelay $0x1  }
0xc5: {  	s16 =	sadd.s32 $0x200, s7;
	v5 =	vperm.xlane v3, v0;
	v3 =	vmul.f32 v3, v1  }
0xc6: {  	v13 =	vld [tilespmem:s16+$0xFFFFFF80];
	v7 =	vperm.xlane v4, v0;
	v9 =	vmul.f32 v4, v1  }
0xc7: {  	v10 =	vperm.xlane v6, v0;
	v4 =	vmul.f32 v5, v2  }
0xc8: {  	v11 =	vperm.xlane v8, v0;
	v6 =	vmul.f32 v6, v1;
	v5 =	vld [tilespmem:s16+$0x0]  }
0xc9: {  	v12 =	vmul.f32 v7, v2;
	v7 =	vmul.f32 v10, v2;
	v14 =	vadd.f32 v4, v3;
	v3 =	vld [tilespmem:s16+$0x80]  }
0xca: {  	v10 =	vmul.f32 v8, v1;
	v11 =	vmul.f32 v11, v2;
	v4 =	vld [tilespmem:s16+$0xFFFFFF00]  }
0xcb: {  	s24 =	simm.s32 $0x4;
	s26 =	smov.u32 s7;
	s17 =	sadd.s32 $0x200, s16;
	v8 =	vmul.f32 v13, v1;
	v9 =	vadd.f32 v12, v9;
	v12 =	vperm.xlane v13, v0;
	[tilespmem:s7+$0xFFFFFF80] =	vst v14  }
.LBB2_14:
0xcc: {  	s24 =	sadd.s32 $0x4, s24  }
0xcd: {  	v13 =	vld [tilespmem:s17+$0xFFFFFF80];
	v14 =	vperm.xlane v5, v0;
	v15 =	vmul.f32 v5, v1;
	v17 =	vadd.f32 v11, v10;
	p0 =	slt.u32 s24, $0x1C  }
.Ltmp7:
0xce: {  	v5 =	vld [tilespmem:s17+$0x0];
	v11 =	vmul.f32 v12, v2;
	v12 =	vperm.xlane v3, v0;
	[tilespmem:s26+$0x0] =	vst v9;
	v9 =	vadd.f32 v7, v6;
	(pc) =	sbr.rel @p0 .LBB2_14-.Ltmp7, $4  }
0xcf: {  	v6 =	vmovc v3;
	v16 =	vperm.xlane v4, v0;
	v14 =	vmul.f32 v14, v2;
	[tilespmem:s26+$0xFFFFFF00] =	vst v17;
	v3 =	vld [tilespmem:s17+$0x80];
	v10 =	vmov v4  }
0xd0: {  	v6 =	vmul.f32 v6, v1;
	v4 =	vld [tilespmem:s17+$0xFFFFFF00];
	v17 =	vadd.f32 v11, v8;
	v7 =	vmul.f32 v12, v2;
	[tilespmem:s26+$0x80] =	vst v9;
	s26 =	smov.u32 s16;
	s16 =	smov.u32 s17  }
0xd1: {  	v10 =	vmul.f32 v10, v1;
	v11 =	vmul.f32 v16, v2;
	v9 =	vadd.f32 v14, v15  }
0xd2: {  	s17 =	sadd.s32 $0x200, s17;
	v12 =	vperm.xlane v13, v0;
	v8 =	vmul.f32 v13, v1;
	[tilespmem:s26+$0xFFFFFF80] =	vst v17  }
0xd3: {  	_ = 	snop  }
0xd4: {  	v13 =	vperm.xlane v5, v0;
	v5 =	vmul.f32 v5, v1  }
0xd5: {  	v10 =	vadd.f32 v11, v10;
	v11 =	vmul.f32 v12, v2;
	v12 =	vperm.xlane v4, v0  }
0xd6: {  	[tilespmem:s26+$0x0] =	vst v9;
	v6 =	vadd.f32 v7, v6;
	v14 =	vperm.xlane v3, v0;
	v7 =	vmul.f32 v13, v2  }
0xd7: {  	[tilespmem:s26+$0xFFFFFF00] =	vst v10;
	v4 =	vmul.f32 v4, v1;
	v8 =	vadd.f32 v11, v8;
	v9 =	vmul.f32 v12, v2  }
0xd8: {  	v1 =	vmul.f32 v3, v1;
	[tilespmem:s26+$0x80] =	vst v6;
	v2 =	vmul.f32 v14, v2;
	v3 =	vadd.f32 v7, v5  }
0xd9: {  	[tilespmem:s16+$0xFFFFFF80] =	vst v8;
	v4 =	vadd.f32 v9, v4  }
0xda: {  	[tilespmem:s16+$0x0] =	vst v3;
	v1 =	vadd.f32 v2, v1  }
0xdb: {  	[tilespmem:s16+$0xFFFFFF00] =	vst v4  }
0xdc: {  	[tilespmem:s16+$0x80] =	vst v1  }
0xdd: {  	v1 =	vld [tilespmem:s10+$0x18060]  }
0xde: {  	v2 =	vld [tilespmem:s10+$0x180E0]  }
0xdf: {  	v3 =	vld [tilespmem:s8+$0xFFFFFF80]  }
0xe0: {  	v4 =	vld [tilespmem:s8+$0x0]  }
0xe1: {  	v6 =	vld [tilespmem:s8+$0x80]  }
0xe2: {  	v8 =	vld [tilespmem:s8+$0xFFFFFF00];
	_ =	sdelay $0x1  }
0xe3: {  	s16 =	sadd.s32 $0x200, s8;
	v5 =	vperm.xlane v3, v0;
	v3 =	vmul.f32 v3, v1  }
0xe4: {  	v13 =	vld [tilespmem:s16+$0xFFFFFF80];
	v7 =	vperm.xlane v4, v0;
	v9 =	vmul.f32 v4, v1  }
0xe5: {  	v10 =	vperm.xlane v6, v0;
	v4 =	vmul.f32 v5, v2  }
0xe6: {  	v11 =	vperm.xlane v8, v0;
	v6 =	vmul.f32 v6, v1;
	v5 =	vld [tilespmem:s16+$0x0]  }
0xe7: {  	v12 =	vmul.f32 v7, v2;
	v7 =	vmul.f32 v10, v2;
	v14 =	vadd.f32 v4, v3;
	v3 =	vld [tilespmem:s16+$0x80]  }
0xe8: {  	v10 =	vmul.f32 v8, v1;
	v11 =	vmul.f32 v11, v2;
	v4 =	vld [tilespmem:s16+$0xFFFFFF00]  }
0xe9: {  	s24 =	simm.s32 $0x4;
	s26 =	smov.u32 s8;
	s17 =	sadd.s32 $0x200, s16;
	v8 =	vmul.f32 v13, v1;
	v9 =	vadd.f32 v12, v9;
	v12 =	vperm.xlane v13, v0;
	[tilespmem:s8+$0xFFFFFF80] =	vst v14  }
.LBB2_16:
0xea: {  	s24 =	sadd.s32 $0x4, s24  }
0xeb: {  	v13 =	vld [tilespmem:s17+$0xFFFFFF80];
	v14 =	vperm.xlane v5, v0;
	v15 =	vmul.f32 v5, v1;
	v17 =	vadd.f32 v11, v10;
	p0 =	slt.u32 s24, $0x1C  }
.Ltmp8:
0xec: {  	v5 =	vld [tilespmem:s17+$0x0];
	v11 =	vmul.f32 v12, v2;
	v12 =	vperm.xlane v3, v0;
	[tilespmem:s26+$0x0] =	vst v9;
	v9 =	vadd.f32 v7, v6;
	(pc) =	sbr.rel @p0 .LBB2_16-.Ltmp8, $4  }
0xed: {  	v6 =	vmovc v3;
	v16 =	vperm.xlane v4, v0;
	v14 =	vmul.f32 v14, v2;
	[tilespmem:s26+$0xFFFFFF00] =	vst v17;
	v3 =	vld [tilespmem:s17+$0x80];
	v10 =	vmov v4  }
0xee: {  	v6 =	vmul.f32 v6, v1;
	v4 =	vld [tilespmem:s17+$0xFFFFFF00];
	v17 =	vadd.f32 v11, v8;
	v7 =	vmul.f32 v12, v2;
	[tilespmem:s26+$0x80] =	vst v9;
	s26 =	smov.u32 s16;
	s16 =	smov.u32 s17  }
0xef: {  	v10 =	vmul.f32 v10, v1;
	v11 =	vmul.f32 v16, v2;
	v9 =	vadd.f32 v14, v15  }
0xf0: {  	s17 =	sadd.s32 $0x200, s17;
	v12 =	vperm.xlane v13, v0;
	v8 =	vmul.f32 v13, v1;
	[tilespmem:s26+$0xFFFFFF80] =	vst v17  }
0xf1: {  	_ = 	snop  }
0xf2: {  	v13 =	vperm.xlane v5, v0;
	v5 =	vmul.f32 v5, v1  }
0xf3: {  	v10 =	vadd.f32 v11, v10;
	v11 =	vmul.f32 v12, v2;
	v12 =	vperm.xlane v4, v0  }
0xf4: {  	[tilespmem:s26+$0x0] =	vst v9;
	v6 =	vadd.f32 v7, v6;
	v14 =	vperm.xlane v3, v0;
	v7 =	vmul.f32 v13, v2  }
0xf5: {  	[tilespmem:s26+$0xFFFFFF00] =	vst v10;
	v4 =	vmul.f32 v4, v1;
	v8 =	vadd.f32 v11, v8;
	v9 =	vmul.f32 v12, v2  }
0xf6: {  	v1 =	vmul.f32 v3, v1;
	[tilespmem:s26+$0x80] =	vst v6;
	v2 =	vmul.f32 v14, v2;
	v3 =	vadd.f32 v7, v5  }
0xf7: {  	[tilespmem:s16+$0xFFFFFF80] =	vst v8;
	v4 =	vadd.f32 v9, v4  }
0xf8: {  	[tilespmem:s16+$0x0] =	vst v3;
	v1 =	vadd.f32 v2, v1  }
0xf9: {  	[tilespmem:s16+$0xFFFFFF00] =	vst v4  }
0xfa: {  	[tilespmem:s16+$0x80] =	vst v1  }
0xfb: {  	v1 =	vld [tilespmem:s10+$0x18070]  }
0xfc: {  	v2 =	vld [tilespmem:s10+$0x180F0]  }
0xfd: {  	v3 =	vld [tilespmem:s9+$0xFFFFFF80]  }
0xfe: {  	v4 =	vld [tilespmem:s9+$0x0]  }
0xff: {  	v6 =	vld [tilespmem:s9+$0x80]  }
0x100: {  	v8 =	vld [tilespmem:s9+$0xFFFFFF00];
	_ =	sdelay $0x1  }
0x101: {  	s10 =	sadd.s32 $0x200, s9;
	v5 =	vperm.xlane v3, v0;
	v3 =	vmul.f32 v3, v1  }
0x102: {  	v13 =	vld [tilespmem:s10+$0xFFFFFF80];
	v7 =	vperm.xlane v4, v0;
	v9 =	vmul.f32 v4, v1  }
0x103: {  	v10 =	vperm.xlane v6, v0;
	v4 =	vmul.f32 v5, v2  }
0x104: {  	v11 =	vperm.xlane v8, v0;
	v6 =	vmul.f32 v6, v1;
	v5 =	vld [tilespmem:s10+$0x0]  }
0x105: {  	v12 =	vmul.f32 v7, v2;
	v7 =	vmul.f32 v10, v2;
	v14 =	vadd.f32 v4, v3;
	v3 =	vld [tilespmem:s10+$0x80]  }
0x106: {  	v10 =	vmul.f32 v8, v1;
	v11 =	vmul.f32 v11, v2;
	v4 =	vld [tilespmem:s10+$0xFFFFFF00]  }
0x107: {  	s24 =	simm.s32 $0x4;
	s16 =	smov.u32 s9;
	s17 =	sadd.s32 $0x200, s10;
	v8 =	vmul.f32 v13, v1;
	v9 =	vadd.f32 v12, v9;
	v12 =	vperm.xlane v13, v0;
	[tilespmem:s9+$0xFFFFFF80] =	vst v14  }
.LBB2_18:
0x108: {  	s24 =	sadd.s32 $0x4, s24  }
0x109: {  	v13 =	vld [tilespmem:s17+$0xFFFFFF80];
	v14 =	vperm.xlane v5, v0;
	v15 =	vmul.f32 v5, v1;
	v17 =	vadd.f32 v11, v10;
	p0 =	slt.u32 s24, $0x1C  }
.Ltmp9:
0x10a: {  	v5 =	vld [tilespmem:s17+$0x0];
	v11 =	vmul.f32 v12, v2;
	v12 =	vperm.xlane v3, v0;
	[tilespmem:s16+$0x0] =	vst v9;
	v9 =	vadd.f32 v7, v6;
	(pc) =	sbr.rel @p0 .LBB2_18-.Ltmp9, $4  }
0x10b: {  	v6 =	vmovc v3;
	v16 =	vperm.xlane v4, v0;
	v14 =	vmul.f32 v14, v2;
	[tilespmem:s16+$0xFFFFFF00] =	vst v17;
	v3 =	vld [tilespmem:s17+$0x80];
	v10 =	vmov v4  }
0x10c: {  	v6 =	vmul.f32 v6, v1;
	v4 =	vld [tilespmem:s17+$0xFFFFFF00];
	v17 =	vadd.f32 v11, v8;
	v7 =	vmul.f32 v12, v2;
	[tilespmem:s16+$0x80] =	vst v9;
	s16 =	smov.u32 s10;
	s10 =	smov.u32 s17  }
0x10d: {  	v10 =	vmul.f32 v10, v1;
	v11 =	vmul.f32 v16, v2;
	v9 =	vadd.f32 v14, v15  }
0x10e: {  	s17 =	sadd.s32 $0x200, s17;
	v12 =	vperm.xlane v13, v0;
	v8 =	vmul.f32 v13, v1;
	[tilespmem:s16+$0xFFFFFF80] =	vst v17  }
0x10f: {  	_ = 	snop  }
0x110: {  	v13 =	vperm.xlane v5, v0;
	v57 =	vmul.f32 v5, v1  }
0x111: {  	v10 =	vadd.f32 v11, v10;
	v58 =	vmul.f32 v12, v2;
	v59 =	vperm.xlane v4, v0  }
0x112: {  	[tilespmem:s16+$0x0] =	vst v9;
	v6 =	vadd.f32 v7, v6;
	s29 =	sadd.s32 $0x1, s29;
	v60 =	vperm.xlane v3, v0;
	v61 =	vmul.f32 v13, v2  }
0x113: {  	p0 =	sne.s32 s29, $0x8;
	[tilespmem:s16+$0xFFFFFF00] =	vst v10;
	v62 =	vmul.f32 v4, v1;
	v8 =	vadd.f32 v58, v8;
	v63 =	vmul.f32 v59, v2  }
.Ltmp10:
0x114: {  	v1 =	vmul.f32 v3, v1;
	[tilespmem:s16+$0x80] =	vst v6;
	v2 =	vmul.f32 v60, v2;
	v3 =	vadd.f32 v61, v57;
	(pc) =	sbr.rel @p0 .LBB2_3-.Ltmp10, $4  }
0x115: {  	[tilespmem:s10+$0xFFFFFF80] =	vst v8;
	v4 =	vadd.f32 v63, v62  }
0x116: {  	s30 =	sadd.s32 $0x1000, s30;
	s31 =	sadd.s32 $0x1000, s31;
	[tilespmem:s10+$0x0] =	vst v3;
	v1 =	vadd.f32 v2, v1  }
0x117: {  	s0 =	sadd.s32 $0x1000, s0;
	s3 =	sadd.s32 $0x1000, s3;
	s19 =	sadd.s32 $0x1000, s19;
	[tilespmem:s10+$0xFFFFFF00] =	vst v4  }
0x118: {  	s7 =	sadd.s32 $0x1000, s7;
	s8 =	sadd.s32 $0x1000, s8;
	s9 =	sadd.s32 $0x1000, s9;
	[tilespmem:s10+$0x80] =	vst v1  }
0x119: {  	s29 =	smul.u32 $0x18, s28;
	_ =	sdelay $0x1  }
0x11a: {  	s0 =	sadd.s32 s6, s29  }
0x11b: {  	p1 =	seq.s32 s28, $0x0;
	s0 =	sshll.u32 s0, $0x9  }
0x11c: {  	p0 =	seq.s32 @!p1 s28, $0x5;
	s0 =	sadd.s32 s2, s0  }
0x11d: {  	[hbm4b:s0+s4] =	stream.linear.scatter [tilespmem:s4], [sflag:$0x4], $0x8000, $0x38;
	[tilespmem:$0x19800] =	vst v63  }
0x11e: {  	p0 =	por p1, !p0;
	s0 =	simm.s32 @!p1 $0x6  }
0x11f: {  	s3 =	sadd.s32 @p0 s29, s11;
	_ =	swait.ge @!p1 [sflag:s0], $0x8000  }
0x120: {  	s7 =	sshll.u32 @p0 s3, $0x9;
	[sflag:s0] =	ssyncset.done @!p1 $0x0  }
0x121: {  	[sflag:s0] =	ssyncadd.s32 @!p1 $0xFFFF8000;
	s0 =	sand.u32 @p0 $0x1FFFF000, s7  }
0x122: {  	s8 =	simm.s32 @p0 $0x10000;
	s7 =	simm.s32 @p0 $0x0;
	s0 =	sadd.s32 @p0 s1, s0  }
0x123: {  	[tilespmem:s8], [sflag:$0x3] =	stream.linear.gather @p0 [hbm4b:s0+s7], $0x8000, $0x38;
	[tilespmem:$0x19800] =	vst v63  }
0x124: {  	s0 =	sshll.u32 @p0 s3, $0x5  }
0x125: {  	s0 =	sand.u32 @p0 $0x1FFFFF00, s0  }
0x126: {  	p1 =	seq.s32 @p0 s28, $0x5;
	s3 =	simm.s32 @p0 $0x19000;
	s0 =	sadd.s32 @p0 s5, s0  }
0x127: {  	[tilespmem:s3], [sflag:$0x3] =	stream.linear.gather @p0 [hbm4b:s0+s7], $0x800, $0x38;
	[tilespmem:$0x19800] =	vst v63  }
0x128: {  	p0 =	por !p0, p1  }
.Ltmp11:
0x129: {  	_ = 	snop;
	(pc) =	sbr.rel @p0 .LBB2_58-.Ltmp11, $1  }
0x12a: {  	_ =	sdelay $0x3  }
0x12b: {  	_ =	swait.ge [sflag:s22], $0x8000  }
0x12c: {  	s30 =	simm.s32 $0x0;
	[sflag:s22] =	ssyncset.done $0x0  }
0x12d: {  	s24 =	simm.s32 $0x8100;
	s0 =	simm.s32 $0x8110;
	[sflag:s22] =	ssyncadd.s32 $0xFFFF8000  }
0x12e: {  	s3 =	simm.s32 $0x8120;
	s19 =	simm.s32 $0x8130;
	_ =	swait.ge [sflag:s22], $0x800  }
0x12f: {  	s7 =	simm.s32 $0x8140;
	s8 =	simm.s32 $0x8150;
	[sflag:s22] =	ssyncset.done $0x0  }
0x130: {  	s9 =	simm.s32 $0x8160;
	s10 =	simm.s32 $0x8170;
	[sflag:s22] =	ssyncadd.s32 $0xFFFFF800  }
.LBB2_22:
0x131: {  	v3 =	vld [tilespmem:s24+$0xFFFFFF80]  }
0x132: {  	s16 =	sshll.u32 s30, $0x8;
	v4 =	vld [tilespmem:s24+$0x0]  }
0x133: {  	v6 =	vld [tilespmem:s24+$0x80];
	s16 =	sand.u32 $0x3FFFFF00, s16  }
0x134: {  	v1 =	vld [tilespmem:s16+$0x18800]  }
0x135: {  	v2 =	vld [tilespmem:s16+$0x18880]  }
0x136: {  	v8 =	vld [tilespmem:s24+$0xFFFFFF00];
	_ =	sdelay $0x1  }
0x137: {  	s26 =	sadd.s32 $0x200, s24;
	v5 =	vperm.xlane v3, v0;
	v7 =	vperm.xlane v4, v0  }
0x138: {  	v13 =	vld [tilespmem:s26+$0xFFFFFF80];
	v10 =	vperm.xlane v6, v0;
	v3 =	vmul.f32 v3, v1  }
0x139: {  	v9 =	vmul.f32 v4, v1;
	v4 =	vmul.f32 v5, v2  }
0x13a: {  	v11 =	vperm.xlane v8, v0;
	v12 =	vmul.f32 v7, v2;
	v5 =	vld [tilespmem:s26+$0x0]  }
0x13b: {  	v6 =	vmul.f32 v6, v1;
	v7 =	vmul.f32 v10, v2;
	v14 =	vadd.f32 v4, v3;
	v3 =	vld [tilespmem:s26+$0x80]  }
0x13c: {  	v10 =	vmul.f32 v8, v1;
	v11 =	vmul.f32 v11, v2;
	v4 =	vld [tilespmem:s26+$0xFFFFFF00]  }
0x13d: {  	s17 =	simm.s32 $0x4;
	s31 =	smov.u32 s24;
	s18 =	sadd.s32 $0x200, s26;
	v8 =	vmul.f32 v13, v1;
	v9 =	vadd.f32 v12, v9;
	v12 =	vperm.xlane v13, v0;
	[tilespmem:s24+$0xFFFFFF80] =	vst v14  }
.LBB2_23:
0x13e: {  	s17 =	sadd.s32 $0x4, s17  }
0x13f: {  	v13 =	vld [tilespmem:s18+$0xFFFFFF80];
	v14 =	vperm.xlane v5, v0;
	v15 =	vmul.f32 v5, v1;
	v17 =	vadd.f32 v11, v10;
	p0 =	slt.u32 s17, $0x1C  }
.Ltmp12:
0x140: {  	v5 =	vld [tilespmem:s18+$0x0];
	v11 =	vmul.f32 v12, v2;
	v12 =	vperm.xlane v3, v0;
	[tilespmem:s31+$0x0] =	vst v9;
	v9 =	vadd.f32 v7, v6;
	(pc) =	sbr.rel @p0 .LBB2_23-.Ltmp12, $4  }
0x141: {  	v6 =	vmovc v3;
	v16 =	vperm.xlane v4, v0;
	v14 =	vmul.f32 v14, v2;
	[tilespmem:s31+$0xFFFFFF00] =	vst v17;
	v3 =	vld [tilespmem:s18+$0x80];
	v10 =	vmov v4  }
0x142: {  	v6 =	vmul.f32 v6, v1;
	v4 =	vld [tilespmem:s18+$0xFFFFFF00];
	v17 =	vadd.f32 v11, v8;
	v7 =	vmul.f32 v12, v2;
	[tilespmem:s31+$0x80] =	vst v9;
	s31 =	smov.u32 s26;
	s26 =	smov.u32 s18  }
0x143: {  	v10 =	vmul.f32 v10, v1;
	v11 =	vmul.f32 v16, v2;
	v9 =	vadd.f32 v14, v15  }
0x144: {  	s18 =	sadd.s32 $0x200, s18;
	v12 =	vperm.xlane v13, v0;
	v8 =	vmul.f32 v13, v1;
	[tilespmem:s31+$0xFFFFFF80] =	vst v17  }
0x145: {  	_ = 	snop  }
0x146: {  	v13 =	vperm.xlane v5, v0;
	v5 =	vmul.f32 v5, v1  }
0x147: {  	v10 =	vadd.f32 v11, v10;
	v11 =	vmul.f32 v12, v2;
	v12 =	vperm.xlane v4, v0  }
0x148: {  	[tilespmem:s31+$0x0] =	vst v9;
	v6 =	vadd.f32 v7, v6;
	v14 =	vperm.xlane v3, v0;
	v7 =	vmul.f32 v13, v2  }
0x149: {  	[tilespmem:s31+$0xFFFFFF00] =	vst v10;
	v4 =	vmul.f32 v4, v1;
	v8 =	vadd.f32 v11, v8;
	v9 =	vmul.f32 v12, v2  }
0x14a: {  	v1 =	vmul.f32 v3, v1;
	[tilespmem:s31+$0x80] =	vst v6;
	v2 =	vmul.f32 v14, v2;
	v3 =	vadd.f32 v7, v5  }
0x14b: {  	[tilespmem:s26+$0xFFFFFF80] =	vst v8;
	v4 =	vadd.f32 v9, v4  }
0x14c: {  	[tilespmem:s26+$0x0] =	vst v3;
	v1 =	vadd.f32 v2, v1  }
0x14d: {  	[tilespmem:s26+$0xFFFFFF00] =	vst v4  }
0x14e: {  	[tilespmem:s26+$0x80] =	vst v1  }
0x14f: {  	v1 =	vld [tilespmem:s16+$0x18810]  }
0x150: {  	v2 =	vld [tilespmem:s16+$0x18890]  }
0x151: {  	v3 =	vld [tilespmem:s0+$0xFFFFFF80]  }
0x152: {  	v4 =	vld [tilespmem:s0+$0x0]  }
0x153: {  	v6 =	vld [tilespmem:s0+$0x80]  }
0x154: {  	v8 =	vld [tilespmem:s0+$0xFFFFFF00];
	_ =	sdelay $0x1  }
0x155: {  	s26 =	sadd.s32 $0x200, s0;
	v5 =	vperm.xlane v3, v0;
	v3 =	vmul.f32 v3, v1  }
0x156: {  	v13 =	vld [tilespmem:s26+$0xFFFFFF80];
	v7 =	vperm.xlane v4, v0;
	v9 =	vmul.f32 v4, v1  }
0x157: {  	v10 =	vperm.xlane v6, v0;
	v4 =	vmul.f32 v5, v2  }
0x158: {  	v11 =	vperm.xlane v8, v0;
	v6 =	vmul.f32 v6, v1;
	v5 =	vld [tilespmem:s26+$0x0]  }
0x159: {  	v12 =	vmul.f32 v7, v2;
	v7 =	vmul.f32 v10, v2;
	v14 =	vadd.f32 v4, v3;
	v3 =	vld [tilespmem:s26+$0x80]  }
0x15a: {  	v10 =	vmul.f32 v8, v1;
	v11 =	vmul.f32 v11, v2;
	v4 =	vld [tilespmem:s26+$0xFFFFFF00]  }
0x15b: {  	s17 =	simm.s32 $0x4;
	s31 =	smov.u32 s0;
	s18 =	sadd.s32 $0x200, s26;
	v8 =	vmul.f32 v13, v1;
	v9 =	vadd.f32 v12, v9;
	v12 =	vperm.xlane v13, v0;
	[tilespmem:s0+$0xFFFFFF80] =	vst v14  }
.LBB2_25:
0x15c: {  	s17 =	sadd.s32 $0x4, s17  }
0x15d: {  	v13 =	vld [tilespmem:s18+$0xFFFFFF80];
	v14 =	vperm.xlane v5, v0;
	v15 =	vmul.f32 v5, v1;
	v17 =	vadd.f32 v11, v10;
	p0 =	slt.u32 s17, $0x1C  }
.Ltmp13:
0x15e: {  	v5 =	vld [tilespmem:s18+$0x0];
	v11 =	vmul.f32 v12, v2;
	v12 =	vperm.xlane v3, v0;
	[tilespmem:s31+$0x0] =	vst v9;
	v9 =	vadd.f32 v7, v6;
	(pc) =	sbr.rel @p0 .LBB2_25-.Ltmp13, $4  }
0x15f: {  	v6 =	vmovc v3;
	v16 =	vperm.xlane v4, v0;
	v14 =	vmul.f32 v14, v2;
	[tilespmem:s31+$0xFFFFFF00] =	vst v17;
	v3 =	vld [tilespmem:s18+$0x80];
	v10 =	vmov v4  }
0x160: {  	v6 =	vmul.f32 v6, v1;
	v4 =	vld [tilespmem:s18+$0xFFFFFF00];
	v17 =	vadd.f32 v11, v8;
	v7 =	vmul.f32 v12, v2;
	[tilespmem:s31+$0x80] =	vst v9;
	s31 =	smov.u32 s26;
	s26 =	smov.u32 s18  }
0x161: {  	v10 =	vmul.f32 v10, v1;
	v11 =	vmul.f32 v16, v2;
	v9 =	vadd.f32 v14, v15  }
0x162: {  	s18 =	sadd.s32 $0x200, s18;
	v12 =	vperm.xlane v13, v0;
	v8 =	vmul.f32 v13, v1;
	[tilespmem:s31+$0xFFFFFF80] =	vst v17  }
0x163: {  	_ = 	snop  }
0x164: {  	v13 =	vperm.xlane v5, v0;
	v5 =	vmul.f32 v5, v1  }
0x165: {  	v10 =	vadd.f32 v11, v10;
	v11 =	vmul.f32 v12, v2;
	v12 =	vperm.xlane v4, v0  }
0x166: {  	[tilespmem:s31+$0x0] =	vst v9;
	v6 =	vadd.f32 v7, v6;
	v14 =	vperm.xlane v3, v0;
	v7 =	vmul.f32 v13, v2  }
0x167: {  	[tilespmem:s31+$0xFFFFFF00] =	vst v10;
	v4 =	vmul.f32 v4, v1;
	v8 =	vadd.f32 v11, v8;
	v9 =	vmul.f32 v12, v2  }
0x168: {  	v1 =	vmul.f32 v3, v1;
	[tilespmem:s31+$0x80] =	vst v6;
	v2 =	vmul.f32 v14, v2;
	v3 =	vadd.f32 v7, v5  }
0x169: {  	[tilespmem:s26+$0xFFFFFF80] =	vst v8;
	v4 =	vadd.f32 v9, v4  }
0x16a: {  	[tilespmem:s26+$0x0] =	vst v3;
	v1 =	vadd.f32 v2, v1  }
0x16b: {  	[tilespmem:s26+$0xFFFFFF00] =	vst v4  }
0x16c: {  	[tilespmem:s26+$0x80] =	vst v1  }
0x16d: {  	v1 =	vld [tilespmem:s16+$0x18820]  }
0x16e: {  	v2 =	vld [tilespmem:s16+$0x188A0]  }
0x16f: {  	v3 =	vld [tilespmem:s3+$0xFFFFFF80]  }
0x170: {  	v4 =	vld [tilespmem:s3+$0x0]  }
0x171: {  	v6 =	vld [tilespmem:s3+$0x80]  }
0x172: {  	v8 =	vld [tilespmem:s3+$0xFFFFFF00];
	_ =	sdelay $0x1  }
0x173: {  	s26 =	sadd.s32 $0x200, s3;
	v5 =	vperm.xlane v3, v0;
	v3 =	vmul.f32 v3, v1  }
0x174: {  	v13 =	vld [tilespmem:s26+$0xFFFFFF80];
	v7 =	vperm.xlane v4, v0;
	v9 =	vmul.f32 v4, v1  }
0x175: {  	v10 =	vperm.xlane v6, v0;
	v4 =	vmul.f32 v5, v2  }
0x176: {  	v11 =	vperm.xlane v8, v0;
	v6 =	vmul.f32 v6, v1;
	v5 =	vld [tilespmem:s26+$0x0]  }
0x177: {  	v12 =	vmul.f32 v7, v2;
	v7 =	vmul.f32 v10, v2;
	v14 =	vadd.f32 v4, v3;
	v3 =	vld [tilespmem:s26+$0x80]  }
0x178: {  	v10 =	vmul.f32 v8, v1;
	v11 =	vmul.f32 v11, v2;
	v4 =	vld [tilespmem:s26+$0xFFFFFF00]  }
0x179: {  	s17 =	simm.s32 $0x4;
	s31 =	smov.u32 s3;
	s18 =	sadd.s32 $0x200, s26;
	v8 =	vmul.f32 v13, v1;
	v9 =	vadd.f32 v12, v9;
	v12 =	vperm.xlane v13, v0;
	[tilespmem:s3+$0xFFFFFF80] =	vst v14  }
.LBB2_27:
0x17a: {  	s17 =	sadd.s32 $0x4, s17  }
0x17b: {  	v13 =	vld [tilespmem:s18+$0xFFFFFF80];
	v14 =	vperm.xlane v5, v0;
	v15 =	vmul.f32 v5, v1;
	v17 =	vadd.f32 v11, v10;
	p0 =	slt.u32 s17, $0x1C  }
.Ltmp14:
0x17c: {  	v5 =	vld [tilespmem:s18+$0x0];
	v11 =	vmul.f32 v12, v2;
	v12 =	vperm.xlane v3, v0;
	[tilespmem:s31+$0x0] =	vst v9;
	v9 =	vadd.f32 v7, v6;
	(pc) =	sbr.rel @p0 .LBB2_27-.Ltmp14, $4  }
0x17d: {  	v6 =	vmovc v3;
	v16 =	vperm.xlane v4, v0;
	v14 =	vmul.f32 v14, v2;
	[tilespmem:s31+$0xFFFFFF00] =	vst v17;
	v3 =	vld [tilespmem:s18+$0x80];
	v10 =	vmov v4  }
0x17e: {  	v6 =	vmul.f32 v6, v1;
	v4 =	vld [tilespmem:s18+$0xFFFFFF00];
	v17 =	vadd.f32 v11, v8;
	v7 =	vmul.f32 v12, v2;
	[tilespmem:s31+$0x80] =	vst v9;
	s31 =	smov.u32 s26;
	s26 =	smov.u32 s18  }
0x17f: {  	v10 =	vmul.f32 v10, v1;
	v11 =	vmul.f32 v16, v2;
	v9 =	vadd.f32 v14, v15  }
0x180: {  	s18 =	sadd.s32 $0x200, s18;
	v12 =	vperm.xlane v13, v0;
	v8 =	vmul.f32 v13, v1;
	[tilespmem:s31+$0xFFFFFF80] =	vst v17  }
0x181: {  	_ = 	snop  }
0x182: {  	v13 =	vperm.xlane v5, v0;
	v5 =	vmul.f32 v5, v1  }
0x183: {  	v10 =	vadd.f32 v11, v10;
	v11 =	vmul.f32 v12, v2;
	v12 =	vperm.xlane v4, v0  }
0x184: {  	[tilespmem:s31+$0x0] =	vst v9;
	v6 =	vadd.f32 v7, v6;
	v14 =	vperm.xlane v3, v0;
	v7 =	vmul.f32 v13, v2  }
0x185: {  	[tilespmem:s31+$0xFFFFFF00] =	vst v10;
	v4 =	vmul.f32 v4, v1;
	v8 =	vadd.f32 v11, v8;
	v9 =	vmul.f32 v12, v2  }
0x186: {  	v1 =	vmul.f32 v3, v1;
	[tilespmem:s31+$0x80] =	vst v6;
	v2 =	vmul.f32 v14, v2;
	v3 =	vadd.f32 v7, v5  }
0x187: {  	[tilespmem:s26+$0xFFFFFF80] =	vst v8;
	v4 =	vadd.f32 v9, v4  }
0x188: {  	[tilespmem:s26+$0x0] =	vst v3;
	v1 =	vadd.f32 v2, v1  }
0x189: {  	[tilespmem:s26+$0xFFFFFF00] =	vst v4  }
0x18a: {  	[tilespmem:s26+$0x80] =	vst v1  }
0x18b: {  	v1 =	vld [tilespmem:s16+$0x18830]  }
0x18c: {  	v2 =	vld [tilespmem:s16+$0x188B0]  }
0x18d: {  	v3 =	vld [tilespmem:s19+$0xFFFFFF80]  }
0x18e: {  	v4 =	vld [tilespmem:s19+$0x0]  }
0x18f: {  	v6 =	vld [tilespmem:s19+$0x80]  }
0x190: {  	v8 =	vld [tilespmem:s19+$0xFFFFFF00];
	_ =	sdelay $0x1  }
0x191: {  	s26 =	sadd.s32 $0x200, s19;
	v5 =	vperm.xlane v3, v0;
	v3 =	vmul.f32 v3, v1  }
0x192: {  	v13 =	vld [tilespmem:s26+$0xFFFFFF80];
	v7 =	vperm.xlane v4, v0;
	v9 =	vmul.f32 v4, v1  }
0x193: {  	v10 =	vperm.xlane v6, v0;
	v4 =	vmul.f32 v5, v2  }
0x194: {  	v11 =	vperm.xlane v8, v0;
	v6 =	vmul.f32 v6, v1;
	v5 =	vld [tilespmem:s26+$0x0]  }
0x195: {  	v12 =	vmul.f32 v7, v2;
	v7 =	vmul.f32 v10, v2;
	v14 =	vadd.f32 v4, v3;
	v3 =	vld [tilespmem:s26+$0x80]  }
0x196: {  	v10 =	vmul.f32 v8, v1;
	v11 =	vmul.f32 v11, v2;
	v4 =	vld [tilespmem:s26+$0xFFFFFF00]  }
0x197: {  	s17 =	simm.s32 $0x4;
	s31 =	smov.u32 s19;
	s18 =	sadd.s32 $0x200, s26;
	v8 =	vmul.f32 v13, v1;
	v9 =	vadd.f32 v12, v9;
	v12 =	vperm.xlane v13, v0;
	[tilespmem:s19+$0xFFFFFF80] =	vst v14  }
.LBB2_29:
0x198: {  	s17 =	sadd.s32 $0x4, s17  }
0x199: {  	v13 =	vld [tilespmem:s18+$0xFFFFFF80];
	v14 =	vperm.xlane v5, v0;
	v15 =	vmul.f32 v5, v1;
	v17 =	vadd.f32 v11, v10;
	p0 =	slt.u32 s17, $0x1C  }
.Ltmp15:
0x19a: {  	v5 =	vld [tilespmem:s18+$0x0];
	v11 =	vmul.f32 v12, v2;
	v12 =	vperm.xlane v3, v0;
	[tilespmem:s31+$0x0] =	vst v9;
	v9 =	vadd.f32 v7, v6;
	(pc) =	sbr.rel @p0 .LBB2_29-.Ltmp15, $4  }
0x19b: {  	v6 =	vmovc v3;
	v16 =	vperm.xlane v4, v0;
	v14 =	vmul.f32 v14, v2;
	[tilespmem:s31+$0xFFFFFF00] =	vst v17;
	v3 =	vld [tilespmem:s18+$0x80];
	v10 =	vmov v4  }
0x19c: {  	v6 =	vmul.f32 v6, v1;
	v4 =	vld [tilespmem:s18+$0xFFFFFF00];
	v17 =	vadd.f32 v11, v8;
	v7 =	vmul.f32 v12, v2;
	[tilespmem:s31+$0x80] =	vst v9;
	s31 =	smov.u32 s26;
	s26 =	smov.u32 s18  }
0x19d: {  	v10 =	vmul.f32 v10, v1;
	v11 =	vmul.f32 v16, v2;
	v9 =	vadd.f32 v14, v15  }
0x19e: {  	s18 =	sadd.s32 $0x200, s18;
	v12 =	vperm.xlane v13, v0;
	v8 =	vmul.f32 v13, v1;
	[tilespmem:s31+$0xFFFFFF80] =	vst v17  }
0x19f: {  	_ = 	snop  }
0x1a0: {  	v13 =	vperm.xlane v5, v0;
	v5 =	vmul.f32 v5, v1  }
0x1a1: {  	v10 =	vadd.f32 v11, v10;
	v11 =	vmul.f32 v12, v2;
	v12 =	vperm.xlane v4, v0  }
0x1a2: {  	[tilespmem:s31+$0x0] =	vst v9;
	v6 =	vadd.f32 v7, v6;
	v14 =	vperm.xlane v3, v0;
	v7 =	vmul.f32 v13, v2  }
0x1a3: {  	[tilespmem:s31+$0xFFFFFF00] =	vst v10;
	v4 =	vmul.f32 v4, v1;
	v8 =	vadd.f32 v11, v8;
	v9 =	vmul.f32 v12, v2  }
0x1a4: {  	v1 =	vmul.f32 v3, v1;
	[tilespmem:s31+$0x80] =	vst v6;
	v2 =	vmul.f32 v14, v2;
	v3 =	vadd.f32 v7, v5  }
0x1a5: {  	[tilespmem:s26+$0xFFFFFF80] =	vst v8;
	v4 =	vadd.f32 v9, v4  }
0x1a6: {  	[tilespmem:s26+$0x0] =	vst v3;
	v1 =	vadd.f32 v2, v1  }
0x1a7: {  	[tilespmem:s26+$0xFFFFFF00] =	vst v4  }
0x1a8: {  	[tilespmem:s26+$0x80] =	vst v1  }
0x1a9: {  	v1 =	vld [tilespmem:s16+$0x18840]  }
0x1aa: {  	v2 =	vld [tilespmem:s16+$0x188C0]  }
0x1ab: {  	v3 =	vld [tilespmem:s7+$0xFFFFFF80]  }
0x1ac: {  	v4 =	vld [tilespmem:s7+$0x0]  }
0x1ad: {  	v6 =	vld [tilespmem:s7+$0x80]  }
0x1ae: {  	v8 =	vld [tilespmem:s7+$0xFFFFFF00];
	_ =	sdelay $0x1  }
0x1af: {  	s26 =	sadd.s32 $0x200, s7;
	v5 =	vperm.xlane v3, v0;
	v3 =	vmul.f32 v3, v1  }
0x1b0: {  	v13 =	vld [tilespmem:s26+$0xFFFFFF80];
	v7 =	vperm.xlane v4, v0;
	v9 =	vmul.f32 v4, v1  }
0x1b1: {  	v10 =	vperm.xlane v6, v0;
	v4 =	vmul.f32 v5, v2  }
0x1b2: {  	v11 =	vperm.xlane v8, v0;
	v6 =	vmul.f32 v6, v1;
	v5 =	vld [tilespmem:s26+$0x0]  }
0x1b3: {  	v12 =	vmul.f32 v7, v2;
	v7 =	vmul.f32 v10, v2;
	v14 =	vadd.f32 v4, v3;
	v3 =	vld [tilespmem:s26+$0x80]  }
0x1b4: {  	v10 =	vmul.f32 v8, v1;
	v11 =	vmul.f32 v11, v2;
	v4 =	vld [tilespmem:s26+$0xFFFFFF00]  }
0x1b5: {  	s17 =	simm.s32 $0x4;
	s31 =	smov.u32 s7;
	s18 =	sadd.s32 $0x200, s26;
	v8 =	vmul.f32 v13, v1;
	v9 =	vadd.f32 v12, v9;
	v12 =	vperm.xlane v13, v0;
	[tilespmem:s7+$0xFFFFFF80] =	vst v14  }
.LBB2_31:
0x1b6: {  	s17 =	sadd.s32 $0x4, s17  }
0x1b7: {  	v13 =	vld [tilespmem:s18+$0xFFFFFF80];
	v14 =	vperm.xlane v5, v0;
	v15 =	vmul.f32 v5, v1;
	v17 =	vadd.f32 v11, v10;
	p0 =	slt.u32 s17, $0x1C  }
.Ltmp16:
0x1b8: {  	v5 =	vld [tilespmem:s18+$0x0];
	v11 =	vmul.f32 v12, v2;
	v12 =	vperm.xlane v3, v0;
	[tilespmem:s31+$0x0] =	vst v9;
	v9 =	vadd.f32 v7, v6;
	(pc) =	sbr.rel @p0 .LBB2_31-.Ltmp16, $4  }
0x1b9: {  	v6 =	vmovc v3;
	v16 =	vperm.xlane v4, v0;
	v14 =	vmul.f32 v14, v2;
	[tilespmem:s31+$0xFFFFFF00] =	vst v17;
	v3 =	vld [tilespmem:s18+$0x80];
	v10 =	vmov v4  }
0x1ba: {  	v6 =	vmul.f32 v6, v1;
	v4 =	vld [tilespmem:s18+$0xFFFFFF00];
	v17 =	vadd.f32 v11, v8;
	v7 =	vmul.f32 v12, v2;
	[tilespmem:s31+$0x80] =	vst v9;
	s31 =	smov.u32 s26;
	s26 =	smov.u32 s18  }
0x1bb: {  	v10 =	vmul.f32 v10, v1;
	v11 =	vmul.f32 v16, v2;
	v9 =	vadd.f32 v14, v15  }
0x1bc: {  	s18 =	sadd.s32 $0x200, s18;
	v12 =	vperm.xlane v13, v0;
	v8 =	vmul.f32 v13, v1;
	[tilespmem:s31+$0xFFFFFF80] =	vst v17  }
0x1bd: {  	_ = 	snop  }
0x1be: {  	v13 =	vperm.xlane v5, v0;
	v5 =	vmul.f32 v5, v1  }
0x1bf: {  	v10 =	vadd.f32 v11, v10;
	v11 =	vmul.f32 v12, v2;
	v12 =	vperm.xlane v4, v0  }
0x1c0: {  	[tilespmem:s31+$0x0] =	vst v9;
	v6 =	vadd.f32 v7, v6;
	v14 =	vperm.xlane v3, v0;
	v7 =	vmul.f32 v13, v2  }
0x1c1: {  	[tilespmem:s31+$0xFFFFFF00] =	vst v10;
	v4 =	vmul.f32 v4, v1;
	v8 =	vadd.f32 v11, v8;
	v9 =	vmul.f32 v12, v2  }
0x1c2: {  	v1 =	vmul.f32 v3, v1;
	[tilespmem:s31+$0x80] =	vst v6;
	v2 =	vmul.f32 v14, v2;
	v3 =	vadd.f32 v7, v5  }
0x1c3: {  	[tilespmem:s26+$0xFFFFFF80] =	vst v8;
	v4 =	vadd.f32 v9, v4  }
0x1c4: {  	[tilespmem:s26+$0x0] =	vst v3;
	v1 =	vadd.f32 v2, v1  }
0x1c5: {  	[tilespmem:s26+$0xFFFFFF00] =	vst v4  }
0x1c6: {  	[tilespmem:s26+$0x80] =	vst v1  }
0x1c7: {  	v1 =	vld [tilespmem:s16+$0x18850]  }
0x1c8: {  	v2 =	vld [tilespmem:s16+$0x188D0]  }
0x1c9: {  	v3 =	vld [tilespmem:s8+$0xFFFFFF80]  }
0x1ca: {  	v4 =	vld [tilespmem:s8+$0x0]  }
0x1cb: {  	v6 =	vld [tilespmem:s8+$0x80]  }
0x1cc: {  	v8 =	vld [tilespmem:s8+$0xFFFFFF00];
	_ =	sdelay $0x1  }
0x1cd: {  	s26 =	sadd.s32 $0x200, s8;
	v5 =	vperm.xlane v3, v0;
	v3 =	vmul.f32 v3, v1  }
0x1ce: {  	v13 =	vld [tilespmem:s26+$0xFFFFFF80];
	v7 =	vperm.xlane v4, v0;
	v9 =	vmul.f32 v4, v1  }
0x1cf: {  	v10 =	vperm.xlane v6, v0;
	v4 =	vmul.f32 v5, v2  }
0x1d0: {  	v11 =	vperm.xlane v8, v0;
	v6 =	vmul.f32 v6, v1;
	v5 =	vld [tilespmem:s26+$0x0]  }
0x1d1: {  	v12 =	vmul.f32 v7, v2;
	v7 =	vmul.f32 v10, v2;
	v14 =	vadd.f32 v4, v3;
	v3 =	vld [tilespmem:s26+$0x80]  }
0x1d2: {  	v10 =	vmul.f32 v8, v1;
	v11 =	vmul.f32 v11, v2;
	v4 =	vld [tilespmem:s26+$0xFFFFFF00]  }
0x1d3: {  	s17 =	simm.s32 $0x4;
	s31 =	smov.u32 s8;
	s18 =	sadd.s32 $0x200, s26;
	v8 =	vmul.f32 v13, v1;
	v9 =	vadd.f32 v12, v9;
	v12 =	vperm.xlane v13, v0;
	[tilespmem:s8+$0xFFFFFF80] =	vst v14  }
.LBB2_33:
0x1d4: {  	s17 =	sadd.s32 $0x4, s17  }
0x1d5: {  	v13 =	vld [tilespmem:s18+$0xFFFFFF80];
	v14 =	vperm.xlane v5, v0;
	v15 =	vmul.f32 v5, v1;
	v17 =	vadd.f32 v11, v10;
	p0 =	slt.u32 s17, $0x1C  }
.Ltmp17:
0x1d6: {  	v5 =	vld [tilespmem:s18+$0x0];
	v11 =	vmul.f32 v12, v2;
	v12 =	vperm.xlane v3, v0;
	[tilespmem:s31+$0x0] =	vst v9;
	v9 =	vadd.f32 v7, v6;
	(pc) =	sbr.rel @p0 .LBB2_33-.Ltmp17, $4  }
0x1d7: {  	v6 =	vmovc v3;
	v16 =	vperm.xlane v4, v0;
	v14 =	vmul.f32 v14, v2;
	[tilespmem:s31+$0xFFFFFF00] =	vst v17;
	v3 =	vld [tilespmem:s18+$0x80];
	v10 =	vmov v4  }
0x1d8: {  	v6 =	vmul.f32 v6, v1;
	v4 =	vld [tilespmem:s18+$0xFFFFFF00];
	v17 =	vadd.f32 v11, v8;
	v7 =	vmul.f32 v12, v2;
	[tilespmem:s31+$0x80] =	vst v9;
	s31 =	smov.u32 s26;
	s26 =	smov.u32 s18  }
0x1d9: {  	v10 =	vmul.f32 v10, v1;
	v11 =	vmul.f32 v16, v2;
	v9 =	vadd.f32 v14, v15  }
0x1da: {  	s18 =	sadd.s32 $0x200, s18;
	v12 =	vperm.xlane v13, v0;
	v8 =	vmul.f32 v13, v1;
	[tilespmem:s31+$0xFFFFFF80] =	vst v17  }
0x1db: {  	_ = 	snop  }
0x1dc: {  	v13 =	vperm.xlane v5, v0;
	v5 =	vmul.f32 v5, v1  }
0x1dd: {  	v10 =	vadd.f32 v11, v10;
	v11 =	vmul.f32 v12, v2;
	v12 =	vperm.xlane v4, v0  }
0x1de: {  	[tilespmem:s31+$0x0] =	vst v9;
	v6 =	vadd.f32 v7, v6;
	v14 =	vperm.xlane v3, v0;
	v7 =	vmul.f32 v13, v2  }
0x1df: {  	[tilespmem:s31+$0xFFFFFF00] =	vst v10;
	v4 =	vmul.f32 v4, v1;
	v8 =	vadd.f32 v11, v8;
	v9 =	vmul.f32 v12, v2  }
0x1e0: {  	v1 =	vmul.f32 v3, v1;
	[tilespmem:s31+$0x80] =	vst v6;
	v2 =	vmul.f32 v14, v2;
	v3 =	vadd.f32 v7, v5  }
0x1e1: {  	[tilespmem:s26+$0xFFFFFF80] =	vst v8;
	v4 =	vadd.f32 v9, v4  }
0x1e2: {  	[tilespmem:s26+$0x0] =	vst v3;
	v1 =	vadd.f32 v2, v1  }
0x1e3: {  	[tilespmem:s26+$0xFFFFFF00] =	vst v4  }
0x1e4: {  	[tilespmem:s26+$0x80] =	vst v1  }
0x1e5: {  	v1 =	vld [tilespmem:s16+$0x18860]  }
0x1e6: {  	v2 =	vld [tilespmem:s16+$0x188E0]  }
0x1e7: {  	v3 =	vld [tilespmem:s9+$0xFFFFFF80]  }
0x1e8: {  	v4 =	vld [tilespmem:s9+$0x0]  }
0x1e9: {  	v6 =	vld [tilespmem:s9+$0x80]  }
0x1ea: {  	v8 =	vld [tilespmem:s9+$0xFFFFFF00];
	_ =	sdelay $0x1  }
0x1eb: {  	s26 =	sadd.s32 $0x200, s9;
	v5 =	vperm.xlane v3, v0;
	v3 =	vmul.f32 v3, v1  }
0x1ec: {  	v13 =	vld [tilespmem:s26+$0xFFFFFF80];
	v7 =	vperm.xlane v4, v0;
	v9 =	vmul.f32 v4, v1  }
0x1ed: {  	v10 =	vperm.xlane v6, v0;
	v4 =	vmul.f32 v5, v2  }
0x1ee: {  	v11 =	vperm.xlane v8, v0;
	v6 =	vmul.f32 v6, v1;
	v5 =	vld [tilespmem:s26+$0x0]  }
0x1ef: {  	v12 =	vmul.f32 v7, v2;
	v7 =	vmul.f32 v10, v2;
	v14 =	vadd.f32 v4, v3;
	v3 =	vld [tilespmem:s26+$0x80]  }
0x1f0: {  	v10 =	vmul.f32 v8, v1;
	v11 =	vmul.f32 v11, v2;
	v4 =	vld [tilespmem:s26+$0xFFFFFF00]  }
0x1f1: {  	s17 =	simm.s32 $0x4;
	s31 =	smov.u32 s9;
	s18 =	sadd.s32 $0x200, s26;
	v8 =	vmul.f32 v13, v1;
	v9 =	vadd.f32 v12, v9;
	v12 =	vperm.xlane v13, v0;
	[tilespmem:s9+$0xFFFFFF80] =	vst v14  }
.LBB2_35:
0x1f2: {  	s17 =	sadd.s32 $0x4, s17  }
0x1f3: {  	v13 =	vld [tilespmem:s18+$0xFFFFFF80];
	v14 =	vperm.xlane v5, v0;
	v15 =	vmul.f32 v5, v1;
	v17 =	vadd.f32 v11, v10;
	p0 =	slt.u32 s17, $0x1C  }
.Ltmp18:
0x1f4: {  	v5 =	vld [tilespmem:s18+$0x0];
	v11 =	vmul.f32 v12, v2;
	v12 =	vperm.xlane v3, v0;
	[tilespmem:s31+$0x0] =	vst v9;
	v9 =	vadd.f32 v7, v6;
	(pc) =	sbr.rel @p0 .LBB2_35-.Ltmp18, $4  }
0x1f5: {  	v6 =	vmovc v3;
	v16 =	vperm.xlane v4, v0;
	v14 =	vmul.f32 v14, v2;
	[tilespmem:s31+$0xFFFFFF00] =	vst v17;
	v3 =	vld [tilespmem:s18+$0x80];
	v10 =	vmov v4  }
0x1f6: {  	v6 =	vmul.f32 v6, v1;
	v4 =	vld [tilespmem:s18+$0xFFFFFF00];
	v17 =	vadd.f32 v11, v8;
	v7 =	vmul.f32 v12, v2;
	[tilespmem:s31+$0x80] =	vst v9;
	s31 =	smov.u32 s26;
	s26 =	smov.u32 s18  }
0x1f7: {  	v10 =	vmul.f32 v10, v1;
	v11 =	vmul.f32 v16, v2;
	v9 =	vadd.f32 v14, v15  }
0x1f8: {  	s18 =	sadd.s32 $0x200, s18;
	v12 =	vperm.xlane v13, v0;
	v8 =	vmul.f32 v13, v1;
	[tilespmem:s31+$0xFFFFFF80] =	vst v17  }
0x1f9: {  	_ = 	snop  }
0x1fa: {  	v13 =	vperm.xlane v5, v0;
	v5 =	vmul.f32 v5, v1  }
0x1fb: {  	v10 =	vadd.f32 v11, v10;
	v11 =	vmul.f32 v12, v2;
	v12 =	vperm.xlane v4, v0  }
0x1fc: {  	[tilespmem:s31+$0x0] =	vst v9;
	v6 =	vadd.f32 v7, v6;
	v14 =	vperm.xlane v3, v0;
	v7 =	vmul.f32 v13, v2  }
0x1fd: {  	[tilespmem:s31+$0xFFFFFF00] =	vst v10;
	v4 =	vmul.f32 v4, v1;
	v8 =	vadd.f32 v11, v8;
	v9 =	vmul.f32 v12, v2  }
0x1fe: {  	v1 =	vmul.f32 v3, v1;
	[tilespmem:s31+$0x80] =	vst v6;
	v2 =	vmul.f32 v14, v2;
	v3 =	vadd.f32 v7, v5  }
0x1ff: {  	[tilespmem:s26+$0xFFFFFF80] =	vst v8;
	v4 =	vadd.f32 v9, v4  }
0x200: {  	[tilespmem:s26+$0x0] =	vst v3;
	v1 =	vadd.f32 v2, v1  }
0x201: {  	[tilespmem:s26+$0xFFFFFF00] =	vst v4  }
0x202: {  	[tilespmem:s26+$0x80] =	vst v1  }
0x203: {  	v1 =	vld [tilespmem:s16+$0x18870]  }
0x204: {  	v2 =	vld [tilespmem:s16+$0x188F0]  }
0x205: {  	v3 =	vld [tilespmem:s10+$0xFFFFFF80]  }
0x206: {  	v4 =	vld [tilespmem:s10+$0x0]  }
0x207: {  	v6 =	vld [tilespmem:s10+$0x80]  }
0x208: {  	v8 =	vld [tilespmem:s10+$0xFFFFFF00];
	_ =	sdelay $0x1  }
0x209: {  	s16 =	sadd.s32 $0x200, s10;
	v5 =	vperm.xlane v3, v0;
	v3 =	vmul.f32 v3, v1  }
0x20a: {  	v13 =	vld [tilespmem:s16+$0xFFFFFF80];
	v7 =	vperm.xlane v4, v0;
	v9 =	vmul.f32 v4, v1  }
0x20b: {  	v10 =	vperm.xlane v6, v0;
	v4 =	vmul.f32 v5, v2  }
0x20c: {  	v11 =	vperm.xlane v8, v0;
	v6 =	vmul.f32 v6, v1;
	v5 =	vld [tilespmem:s16+$0x0]  }
0x20d: {  	v12 =	vmul.f32 v7, v2;
	v7 =	vmul.f32 v10, v2;
	v14 =	vadd.f32 v4, v3;
	v3 =	vld [tilespmem:s16+$0x80]  }
0x20e: {  	v10 =	vmul.f32 v8, v1;
	v11 =	vmul.f32 v11, v2;
	v4 =	vld [tilespmem:s16+$0xFFFFFF00]  }
0x20f: {  	s17 =	simm.s32 $0x4;
	s26 =	smov.u32 s10;
	s18 =	sadd.s32 $0x200, s16;
	v8 =	vmul.f32 v13, v1;
	v9 =	vadd.f32 v12, v9;
	v12 =	vperm.xlane v13, v0;
	[tilespmem:s10+$0xFFFFFF80] =	vst v14  }
.LBB2_37:
0x210: {  	s17 =	sadd.s32 $0x4, s17  }
0x211: {  	v13 =	vld [tilespmem:s18+$0xFFFFFF80];
	v14 =	vperm.xlane v5, v0;
	v15 =	vmul.f32 v5, v1;
	v17 =	vadd.f32 v11, v10;
	p0 =	slt.u32 s17, $0x1C  }
.Ltmp19:
0x212: {  	v5 =	vld [tilespmem:s18+$0x0];
	v11 =	vmul.f32 v12, v2;
	v12 =	vperm.xlane v3, v0;
	[tilespmem:s26+$0x0] =	vst v9;
	v9 =	vadd.f32 v7, v6;
	(pc) =	sbr.rel @p0 .LBB2_37-.Ltmp19, $4  }
0x213: {  	v6 =	vmovc v3;
	v16 =	vperm.xlane v4, v0;
	v14 =	vmul.f32 v14, v2;
	[tilespmem:s26+$0xFFFFFF00] =	vst v17;
	v3 =	vld [tilespmem:s18+$0x80];
	v10 =	vmov v4  }
0x214: {  	v6 =	vmul.f32 v6, v1;
	v4 =	vld [tilespmem:s18+$0xFFFFFF00];
	v17 =	vadd.f32 v11, v8;
	v7 =	vmul.f32 v12, v2;
	[tilespmem:s26+$0x80] =	vst v9;
	s26 =	smov.u32 s16;
	s16 =	smov.u32 s18  }
0x215: {  	v10 =	vmul.f32 v10, v1;
	v11 =	vmul.f32 v16, v2;
	v9 =	vadd.f32 v14, v15  }
0x216: {  	s18 =	sadd.s32 $0x200, s18;
	v12 =	vperm.xlane v13, v0;
	v8 =	vmul.f32 v13, v1;
	[tilespmem:s26+$0xFFFFFF80] =	vst v17  }
0x217: {  	_ = 	snop  }
0x218: {  	v13 =	vperm.xlane v5, v0;
	v57 =	vmul.f32 v5, v1  }
0x219: {  	v10 =	vadd.f32 v11, v10;
	v58 =	vmul.f32 v12, v2;
	v59 =	vperm.xlane v4, v0  }
0x21a: {  	[tilespmem:s26+$0x0] =	vst v9;
	v6 =	vadd.f32 v7, v6;
	s30 =	sadd.s32 $0x1, s30;
	v60 =	vperm.xlane v3, v0;
	v61 =	vmul.f32 v13, v2  }
0x21b: {  	p0 =	sne.s32 s30, $0x8;
	[tilespmem:s26+$0xFFFFFF00] =	vst v10;
	v62 =	vmul.f32 v4, v1;
	v8 =	vadd.f32 v58, v8;
	v63 =	vmul.f32 v59, v2  }
.Ltmp20:
0x21c: {  	v1 =	vmul.f32 v3, v1;
	[tilespmem:s26+$0x80] =	vst v6;
	v2 =	vmul.f32 v60, v2;
	v3 =	vadd.f32 v61, v57;
	(pc) =	sbr.rel @p0 .LBB2_22-.Ltmp20, $4  }
0x21d: {  	[tilespmem:s16+$0xFFFFFF80] =	vst v8;
	v4 =	vadd.f32 v63, v62  }
0x21e: {  	s24 =	sadd.s32 $0x1000, s24;
	s0 =	sadd.s32 $0x1000, s0;
	[tilespmem:s16+$0x0] =	vst v3;
	v1 =	vadd.f32 v2, v1  }
0x21f: {  	s3 =	sadd.s32 $0x1000, s3;
	s19 =	sadd.s32 $0x1000, s19;
	s7 =	sadd.s32 $0x1000, s7;
	[tilespmem:s16+$0xFFFFFF00] =	vst v4  }
0x220: {  	s8 =	sadd.s32 $0x1000, s8;
	s9 =	sadd.s32 $0x1000, s9;
	s10 =	sadd.s32 $0x1000, s10;
	[tilespmem:s16+$0x80] =	vst v1  }
0x221: {  	s0 =	smul.u32 $0x18000, s28;
	_ =	sdelay $0x1  }
0x222: {  	s0 =	sadd.s32 s0, s12  }
0x223: {  	s30 =	simm.s32 $0x0;
	s0 =	sshrl.u32 s0, $0x3  }
0x224: {  	s3 =	simm.s32 $0x8000;
	s19 =	sadd.s32 s29, s13;
	s0 =	sadd.s32 s2, s0  }
0x225: {  	[hbm4b:s0+s30] =	stream.linear.scatter [tilespmem:s3], [sflag:$0x5], $0x8000, $0x38;
	[tilespmem:$0x19800] =	vst v63  }
0x226: {  	s24 =	sshll.u32 s19, $0x9;
	_ =	swait.ge [sflag:s21], $0x8000  }
0x227: {  	s3 =	sand.u32 $0x1FFFF000, s24;
	s0 =	sshll.u32 s19, $0x5;
	[sflag:s21] =	ssyncset.done $0x0  }
0x228: {  	s3 =	sadd.s32 s1, s3;
	s0 =	sand.u32 $0x1FFFFF00, s0;
	[sflag:s21] =	ssyncadd.s32 $0xFFFF8000  }
0x229: {  	[tilespmem:s30], [sflag:$0x1] =	stream.linear.gather [hbm4b:s3+s30], $0x8000, $0x38;
	[tilespmem:$0x19800] =	vst v63  }
0x22a: {  	s26 =	simm.s32 $0x18000;
	s0 =	sadd.s32 s5, s0  }
0x22b: {  	[tilespmem:s26], [sflag:$0x1] =	stream.linear.gather [hbm4b:s0+s30], $0x800, $0x38;
	[tilespmem:$0x19800] =	vst v63  }
0x22c: {  	_ =	swait.ge [sflag:s23], $0x8000  }
0x22d: {  	[sflag:s23] =	ssyncset.done $0x0  }
0x22e: {  	s31 =	simm.s32 $0x10100;
	s7 =	simm.s32 $0x10140;
	[sflag:s23] =	ssyncadd.s32 $0xFFFF8000  }
0x22f: {  	s8 =	simm.s32 $0x10150;
	s9 =	simm.s32 $0x10160;
	_ =	swait.ge [sflag:s23], $0x800  }
0x230: {  	s10 =	simm.s32 $0x10170;
	s19 =	simm.s32 $0x10130;
	[sflag:s23] =	ssyncset.done $0x0  }
0x231: {  	s3 =	simm.s32 $0x10120;
	s0 =	simm.s32 $0x10110;
	[sflag:s23] =	ssyncadd.s32 $0xFFFFF800  }
.LBB2_40:
0x232: {  	v3 =	vld [tilespmem:s31+$0xFFFFFF80]  }
0x233: {  	s16 =	sshll.u32 s30, $0x8;
	v4 =	vld [tilespmem:s31+$0x0]  }
0x234: {  	v6 =	vld [tilespmem:s31+$0x80];
	s16 =	sand.u32 $0x3FFFFF00, s16  }
0x235: {  	v1 =	vld [tilespmem:s16+$0x19000]  }
0x236: {  	v2 =	vld [tilespmem:s16+$0x19080]  }
0x237: {  	v8 =	vld [tilespmem:s31+$0xFFFFFF00];
	_ =	sdelay $0x1  }
0x238: {  	s26 =	sadd.s32 $0x200, s31;
	v5 =	vperm.xlane v3, v0;
	v7 =	vperm.xlane v4, v0  }
0x239: {  	v13 =	vld [tilespmem:s26+$0xFFFFFF80];
	v10 =	vperm.xlane v6, v0;
	v3 =	vmul.f32 v3, v1  }
0x23a: {  	v9 =	vmul.f32 v4, v1;
	v4 =	vmul.f32 v5, v2  }
0x23b: {  	v11 =	vperm.xlane v8, v0;
	v12 =	vmul.f32 v7, v2;
	v5 =	vld [tilespmem:s26+$0x0]  }
0x23c: {  	v6 =	vmul.f32 v6, v1;
	v7 =	vmul.f32 v10, v2;
	v14 =	vadd.f32 v4, v3;
	v3 =	vld [tilespmem:s26+$0x80]  }
0x23d: {  	v10 =	vmul.f32 v8, v1;
	v11 =	vmul.f32 v11, v2;
	v4 =	vld [tilespmem:s26+$0xFFFFFF00]  }
0x23e: {  	s17 =	simm.s32 $0x4;
	s24 =	smov.u32 s31;
	s18 =	sadd.s32 $0x200, s26;
	v8 =	vmul.f32 v13, v1;
	v9 =	vadd.f32 v12, v9;
	v12 =	vperm.xlane v13, v0;
	[tilespmem:s31+$0xFFFFFF80] =	vst v14  }
.LBB2_41:
0x23f: {  	s17 =	sadd.s32 $0x4, s17  }
0x240: {  	v13 =	vld [tilespmem:s18+$0xFFFFFF80];
	v14 =	vperm.xlane v5, v0;
	v15 =	vmul.f32 v5, v1;
	v17 =	vadd.f32 v11, v10;
	p0 =	slt.u32 s17, $0x1C  }
.Ltmp21:
0x241: {  	v5 =	vld [tilespmem:s18+$0x0];
	v11 =	vmul.f32 v12, v2;
	v12 =	vperm.xlane v3, v0;
	[tilespmem:s24+$0x0] =	vst v9;
	v9 =	vadd.f32 v7, v6;
	(pc) =	sbr.rel @p0 .LBB2_41-.Ltmp21, $4  }
0x242: {  	v6 =	vmovc v3;
	v16 =	vperm.xlane v4, v0;
	v14 =	vmul.f32 v14, v2;
	[tilespmem:s24+$0xFFFFFF00] =	vst v17;
	v3 =	vld [tilespmem:s18+$0x80];
	v10 =	vmov v4  }
0x243: {  	v6 =	vmul.f32 v6, v1;
	v4 =	vld [tilespmem:s18+$0xFFFFFF00];
	v17 =	vadd.f32 v11, v8;
	v7 =	vmul.f32 v12, v2;
	[tilespmem:s24+$0x80] =	vst v9;
	s24 =	smov.u32 s26;
	s26 =	smov.u32 s18  }
0x244: {  	v10 =	vmul.f32 v10, v1;
	v11 =	vmul.f32 v16, v2;
	v9 =	vadd.f32 v14, v15  }
0x245: {  	s18 =	sadd.s32 $0x200, s18;
	v12 =	vperm.xlane v13, v0;
	v8 =	vmul.f32 v13, v1;
	[tilespmem:s24+$0xFFFFFF80] =	vst v17  }
0x246: {  	_ = 	snop  }
0x247: {  	v13 =	vperm.xlane v5, v0;
	v5 =	vmul.f32 v5, v1  }
0x248: {  	v10 =	vadd.f32 v11, v10;
	v11 =	vmul.f32 v12, v2;
	v12 =	vperm.xlane v4, v0  }
0x249: {  	[tilespmem:s24+$0x0] =	vst v9;
	v6 =	vadd.f32 v7, v6;
	v14 =	vperm.xlane v3, v0;
	v7 =	vmul.f32 v13, v2  }
0x24a: {  	[tilespmem:s24+$0xFFFFFF00] =	vst v10;
	v4 =	vmul.f32 v4, v1;
	v8 =	vadd.f32 v11, v8;
	v9 =	vmul.f32 v12, v2  }
0x24b: {  	v1 =	vmul.f32 v3, v1;
	[tilespmem:s24+$0x80] =	vst v6;
	v2 =	vmul.f32 v14, v2;
	v3 =	vadd.f32 v7, v5  }
0x24c: {  	[tilespmem:s26+$0xFFFFFF80] =	vst v8;
	v4 =	vadd.f32 v9, v4  }
0x24d: {  	[tilespmem:s26+$0x0] =	vst v3;
	v1 =	vadd.f32 v2, v1  }
0x24e: {  	[tilespmem:s26+$0xFFFFFF00] =	vst v4  }
0x24f: {  	[tilespmem:s26+$0x80] =	vst v1  }
0x250: {  	v1 =	vld [tilespmem:s16+$0x19010]  }
0x251: {  	v2 =	vld [tilespmem:s16+$0x19090]  }
0x252: {  	v3 =	vld [tilespmem:s0+$0xFFFFFF80]  }
0x253: {  	v4 =	vld [tilespmem:s0+$0x0]  }
0x254: {  	v6 =	vld [tilespmem:s0+$0x80]  }
0x255: {  	v8 =	vld [tilespmem:s0+$0xFFFFFF00];
	_ =	sdelay $0x1  }
0x256: {  	s26 =	sadd.s32 $0x200, s0;
	v5 =	vperm.xlane v3, v0;
	v3 =	vmul.f32 v3, v1  }
0x257: {  	v13 =	vld [tilespmem:s26+$0xFFFFFF80];
	v7 =	vperm.xlane v4, v0;
	v9 =	vmul.f32 v4, v1  }
0x258: {  	v10 =	vperm.xlane v6, v0;
	v4 =	vmul.f32 v5, v2  }
0x259: {  	v11 =	vperm.xlane v8, v0;
	v6 =	vmul.f32 v6, v1;
	v5 =	vld [tilespmem:s26+$0x0]  }
0x25a: {  	v12 =	vmul.f32 v7, v2;
	v7 =	vmul.f32 v10, v2;
	v14 =	vadd.f32 v4, v3;
	v3 =	vld [tilespmem:s26+$0x80]  }
0x25b: {  	v10 =	vmul.f32 v8, v1;
	v11 =	vmul.f32 v11, v2;
	v4 =	vld [tilespmem:s26+$0xFFFFFF00]  }
0x25c: {  	s17 =	simm.s32 $0x4;
	s24 =	smov.u32 s0;
	s18 =	sadd.s32 $0x200, s26;
	v8 =	vmul.f32 v13, v1;
	v9 =	vadd.f32 v12, v9;
	v12 =	vperm.xlane v13, v0;
	[tilespmem:s0+$0xFFFFFF80] =	vst v14  }
.LBB2_43:
0x25d: {  	s17 =	sadd.s32 $0x4, s17  }
0x25e: {  	v13 =	vld [tilespmem:s18+$0xFFFFFF80];
	v14 =	vperm.xlane v5, v0;
	v15 =	vmul.f32 v5, v1;
	v17 =	vadd.f32 v11, v10;
	p0 =	slt.u32 s17, $0x1C  }
.Ltmp22:
0x25f: {  	v5 =	vld [tilespmem:s18+$0x0];
	v11 =	vmul.f32 v12, v2;
	v12 =	vperm.xlane v3, v0;
	[tilespmem:s24+$0x0] =	vst v9;
	v9 =	vadd.f32 v7, v6;
	(pc) =	sbr.rel @p0 .LBB2_43-.Ltmp22, $4  }
0x260: {  	v6 =	vmovc v3;
	v16 =	vperm.xlane v4, v0;
	v14 =	vmul.f32 v14, v2;
	[tilespmem:s24+$0xFFFFFF00] =	vst v17;
	v3 =	vld [tilespmem:s18+$0x80];
	v10 =	vmov v4  }
0x261: {  	v6 =	vmul.f32 v6, v1;
	v4 =	vld [tilespmem:s18+$0xFFFFFF00];
	v17 =	vadd.f32 v11, v8;
	v7 =	vmul.f32 v12, v2;
	[tilespmem:s24+$0x80] =	vst v9;
	s24 =	smov.u32 s26;
	s26 =	smov.u32 s18  }
0x262: {  	v10 =	vmul.f32 v10, v1;
	v11 =	vmul.f32 v16, v2;
	v9 =	vadd.f32 v14, v15  }
0x263: {  	s18 =	sadd.s32 $0x200, s18;
	v12 =	vperm.xlane v13, v0;
	v8 =	vmul.f32 v13, v1;
	[tilespmem:s24+$0xFFFFFF80] =	vst v17  }
0x264: {  	_ = 	snop  }
0x265: {  	v13 =	vperm.xlane v5, v0;
	v5 =	vmul.f32 v5, v1  }
0x266: {  	v10 =	vadd.f32 v11, v10;
	v11 =	vmul.f32 v12, v2;
	v12 =	vperm.xlane v4, v0  }
0x267: {  	[tilespmem:s24+$0x0] =	vst v9;
	v6 =	vadd.f32 v7, v6;
	v14 =	vperm.xlane v3, v0;
	v7 =	vmul.f32 v13, v2  }
0x268: {  	[tilespmem:s24+$0xFFFFFF00] =	vst v10;
	v4 =	vmul.f32 v4, v1;
	v8 =	vadd.f32 v11, v8;
	v9 =	vmul.f32 v12, v2  }
0x269: {  	v1 =	vmul.f32 v3, v1;
	[tilespmem:s24+$0x80] =	vst v6;
	v2 =	vmul.f32 v14, v2;
	v3 =	vadd.f32 v7, v5  }
0x26a: {  	[tilespmem:s26+$0xFFFFFF80] =	vst v8;
	v4 =	vadd.f32 v9, v4  }
0x26b: {  	[tilespmem:s26+$0x0] =	vst v3;
	v1 =	vadd.f32 v2, v1  }
0x26c: {  	[tilespmem:s26+$0xFFFFFF00] =	vst v4  }
0x26d: {  	[tilespmem:s26+$0x80] =	vst v1  }
0x26e: {  	v1 =	vld [tilespmem:s16+$0x19020]  }
0x26f: {  	v2 =	vld [tilespmem:s16+$0x190A0]  }
0x270: {  	v3 =	vld [tilespmem:s3+$0xFFFFFF80]  }
0x271: {  	v4 =	vld [tilespmem:s3+$0x0]  }
0x272: {  	v6 =	vld [tilespmem:s3+$0x80]  }
0x273: {  	v8 =	vld [tilespmem:s3+$0xFFFFFF00];
	_ =	sdelay $0x1  }
0x274: {  	s26 =	sadd.s32 $0x200, s3;
	v5 =	vperm.xlane v3, v0;
	v3 =	vmul.f32 v3, v1  }
0x275: {  	v13 =	vld [tilespmem:s26+$0xFFFFFF80];
	v7 =	vperm.xlane v4, v0;
	v9 =	vmul.f32 v4, v1  }
0x276: {  	v10 =	vperm.xlane v6, v0;
	v4 =	vmul.f32 v5, v2  }
0x277: {  	v11 =	vperm.xlane v8, v0;
	v6 =	vmul.f32 v6, v1;
	v5 =	vld [tilespmem:s26+$0x0]  }
0x278: {  	v12 =	vmul.f32 v7, v2;
	v7 =	vmul.f32 v10, v2;
	v14 =	vadd.f32 v4, v3;
	v3 =	vld [tilespmem:s26+$0x80]  }
0x279: {  	v10 =	vmul.f32 v8, v1;
	v11 =	vmul.f32 v11, v2;
	v4 =	vld [tilespmem:s26+$0xFFFFFF00]  }
0x27a: {  	s17 =	simm.s32 $0x4;
	s24 =	smov.u32 s3;
	s18 =	sadd.s32 $0x200, s26;
	v8 =	vmul.f32 v13, v1;
	v9 =	vadd.f32 v12, v9;
	v12 =	vperm.xlane v13, v0;
	[tilespmem:s3+$0xFFFFFF80] =	vst v14  }
.LBB2_45:
0x27b: {  	s17 =	sadd.s32 $0x4, s17  }
0x27c: {  	v13 =	vld [tilespmem:s18+$0xFFFFFF80];
	v14 =	vperm.xlane v5, v0;
	v15 =	vmul.f32 v5, v1;
	v17 =	vadd.f32 v11, v10;
	p0 =	slt.u32 s17, $0x1C  }
.Ltmp23:
0x27d: {  	v5 =	vld [tilespmem:s18+$0x0];
	v11 =	vmul.f32 v12, v2;
	v12 =	vperm.xlane v3, v0;
	[tilespmem:s24+$0x0] =	vst v9;
	v9 =	vadd.f32 v7, v6;
	(pc) =	sbr.rel @p0 .LBB2_45-.Ltmp23, $4  }
0x27e: {  	v6 =	vmovc v3;
	v16 =	vperm.xlane v4, v0;
	v14 =	vmul.f32 v14, v2;
	[tilespmem:s24+$0xFFFFFF00] =	vst v17;
	v3 =	vld [tilespmem:s18+$0x80];
	v10 =	vmov v4  }
0x27f: {  	v6 =	vmul.f32 v6, v1;
	v4 =	vld [tilespmem:s18+$0xFFFFFF00];
	v17 =	vadd.f32 v11, v8;
	v7 =	vmul.f32 v12, v2;
	[tilespmem:s24+$0x80] =	vst v9;
	s24 =	smov.u32 s26;
	s26 =	smov.u32 s18  }
0x280: {  	v10 =	vmul.f32 v10, v1;
	v11 =	vmul.f32 v16, v2;
	v9 =	vadd.f32 v14, v15  }
0x281: {  	s18 =	sadd.s32 $0x200, s18;
	v12 =	vperm.xlane v13, v0;
	v8 =	vmul.f32 v13, v1;
	[tilespmem:s24+$0xFFFFFF80] =	vst v17  }
0x282: {  	_ = 	snop  }
0x283: {  	v13 =	vperm.xlane v5, v0;
	v5 =	vmul.f32 v5, v1  }
0x284: {  	v10 =	vadd.f32 v11, v10;
	v11 =	vmul.f32 v12, v2;
	v12 =	vperm.xlane v4, v0  }
0x285: {  	[tilespmem:s24+$0x0] =	vst v9;
	v6 =	vadd.f32 v7, v6;
	v14 =	vperm.xlane v3, v0;
	v7 =	vmul.f32 v13, v2  }
0x286: {  	[tilespmem:s24+$0xFFFFFF00] =	vst v10;
	v4 =	vmul.f32 v4, v1;
	v8 =	vadd.f32 v11, v8;
	v9 =	vmul.f32 v12, v2  }
0x287: {  	v1 =	vmul.f32 v3, v1;
	[tilespmem:s24+$0x80] =	vst v6;
	v2 =	vmul.f32 v14, v2;
	v3 =	vadd.f32 v7, v5  }
0x288: {  	[tilespmem:s26+$0xFFFFFF80] =	vst v8;
	v4 =	vadd.f32 v9, v4  }
0x289: {  	[tilespmem:s26+$0x0] =	vst v3;
	v1 =	vadd.f32 v2, v1  }
0x28a: {  	[tilespmem:s26+$0xFFFFFF00] =	vst v4  }
0x28b: {  	[tilespmem:s26+$0x80] =	vst v1  }
0x28c: {  	v1 =	vld [tilespmem:s16+$0x19030]  }
0x28d: {  	v2 =	vld [tilespmem:s16+$0x190B0]  }
0x28e: {  	v3 =	vld [tilespmem:s19+$0xFFFFFF80]  }
0x28f: {  	v4 =	vld [tilespmem:s19+$0x0]  }
0x290: {  	v6 =	vld [tilespmem:s19+$0x80]  }
0x291: {  	v8 =	vld [tilespmem:s19+$0xFFFFFF00];
	_ =	sdelay $0x1  }
0x292: {  	s26 =	sadd.s32 $0x200, s19;
	v5 =	vperm.xlane v3, v0;
	v3 =	vmul.f32 v3, v1  }
0x293: {  	v13 =	vld [tilespmem:s26+$0xFFFFFF80];
	v7 =	vperm.xlane v4, v0;
	v9 =	vmul.f32 v4, v1  }
0x294: {  	v10 =	vperm.xlane v6, v0;
	v4 =	vmul.f32 v5, v2  }
0x295: {  	v11 =	vperm.xlane v8, v0;
	v6 =	vmul.f32 v6, v1;
	v5 =	vld [tilespmem:s26+$0x0]  }
0x296: {  	v12 =	vmul.f32 v7, v2;
	v7 =	vmul.f32 v10, v2;
	v14 =	vadd.f32 v4, v3;
	v3 =	vld [tilespmem:s26+$0x80]  }
0x297: {  	v10 =	vmul.f32 v8, v1;
	v11 =	vmul.f32 v11, v2;
	v4 =	vld [tilespmem:s26+$0xFFFFFF00]  }
0x298: {  	s17 =	simm.s32 $0x4;
	s24 =	smov.u32 s19;
	s18 =	sadd.s32 $0x200, s26;
	v8 =	vmul.f32 v13, v1;
	v9 =	vadd.f32 v12, v9;
	v12 =	vperm.xlane v13, v0;
	[tilespmem:s19+$0xFFFFFF80] =	vst v14  }
.LBB2_47:
0x299: {  	s17 =	sadd.s32 $0x4, s17  }
0x29a: {  	v13 =	vld [tilespmem:s18+$0xFFFFFF80];
	v14 =	vperm.xlane v5, v0;
	v15 =	vmul.f32 v5, v1;
	v17 =	vadd.f32 v11, v10;
	p0 =	slt.u32 s17, $0x1C  }
.Ltmp24:
0x29b: {  	v5 =	vld [tilespmem:s18+$0x0];
	v11 =	vmul.f32 v12, v2;
	v12 =	vperm.xlane v3, v0;
	[tilespmem:s24+$0x0] =	vst v9;
	v9 =	vadd.f32 v7, v6;
	(pc) =	sbr.rel @p0 .LBB2_47-.Ltmp24, $4  }
0x29c: {  	v6 =	vmovc v3;
	v16 =	vperm.xlane v4, v0;
	v14 =	vmul.f32 v14, v2;
	[tilespmem:s24+$0xFFFFFF00] =	vst v17;
	v3 =	vld [tilespmem:s18+$0x80];
	v10 =	vmov v4  }
0x29d: {  	v6 =	vmul.f32 v6, v1;
	v4 =	vld [tilespmem:s18+$0xFFFFFF00];
	v17 =	vadd.f32 v11, v8;
	v7 =	vmul.f32 v12, v2;
	[tilespmem:s24+$0x80] =	vst v9;
	s24 =	smov.u32 s26;
	s26 =	smov.u32 s18  }
0x29e: {  	v10 =	vmul.f32 v10, v1;
	v11 =	vmul.f32 v16, v2;
	v9 =	vadd.f32 v14, v15  }
0x29f: {  	s18 =	sadd.s32 $0x200, s18;
	v12 =	vperm.xlane v13, v0;
	v8 =	vmul.f32 v13, v1;
	[tilespmem:s24+$0xFFFFFF80] =	vst v17  }
0x2a0: {  	_ = 	snop  }
0x2a1: {  	v13 =	vperm.xlane v5, v0;
	v5 =	vmul.f32 v5, v1  }
0x2a2: {  	v10 =	vadd.f32 v11, v10;
	v11 =	vmul.f32 v12, v2;
	v12 =	vperm.xlane v4, v0  }
0x2a3: {  	[tilespmem:s24+$0x0] =	vst v9;
	v6 =	vadd.f32 v7, v6;
	v14 =	vperm.xlane v3, v0;
	v7 =	vmul.f32 v13, v2  }
0x2a4: {  	[tilespmem:s24+$0xFFFFFF00] =	vst v10;
	v4 =	vmul.f32 v4, v1;
	v8 =	vadd.f32 v11, v8;
	v9 =	vmul.f32 v12, v2  }
0x2a5: {  	v1 =	vmul.f32 v3, v1;
	[tilespmem:s24+$0x80] =	vst v6;
	v2 =	vmul.f32 v14, v2;
	v3 =	vadd.f32 v7, v5  }
0x2a6: {  	[tilespmem:s26+$0xFFFFFF80] =	vst v8;
	v4 =	vadd.f32 v9, v4  }
0x2a7: {  	[tilespmem:s26+$0x0] =	vst v3;
	v1 =	vadd.f32 v2, v1  }
0x2a8: {  	[tilespmem:s26+$0xFFFFFF00] =	vst v4  }
0x2a9: {  	[tilespmem:s26+$0x80] =	vst v1  }
0x2aa: {  	v1 =	vld [tilespmem:s16+$0x19040]  }
0x2ab: {  	v2 =	vld [tilespmem:s16+$0x190C0]  }
0x2ac: {  	v3 =	vld [tilespmem:s7+$0xFFFFFF80]  }
0x2ad: {  	v4 =	vld [tilespmem:s7+$0x0]  }
0x2ae: {  	v6 =	vld [tilespmem:s7+$0x80]  }
0x2af: {  	v8 =	vld [tilespmem:s7+$0xFFFFFF00];
	_ =	sdelay $0x1  }
0x2b0: {  	s26 =	sadd.s32 $0x200, s7;
	v5 =	vperm.xlane v3, v0;
	v3 =	vmul.f32 v3, v1  }
0x2b1: {  	v13 =	vld [tilespmem:s26+$0xFFFFFF80];
	v7 =	vperm.xlane v4, v0;
	v9 =	vmul.f32 v4, v1  }
0x2b2: {  	v10 =	vperm.xlane v6, v0;
	v4 =	vmul.f32 v5, v2  }
0x2b3: {  	v11 =	vperm.xlane v8, v0;
	v6 =	vmul.f32 v6, v1;
	v5 =	vld [tilespmem:s26+$0x0]  }
0x2b4: {  	v12 =	vmul.f32 v7, v2;
	v7 =	vmul.f32 v10, v2;
	v14 =	vadd.f32 v4, v3;
	v3 =	vld [tilespmem:s26+$0x80]  }
0x2b5: {  	v10 =	vmul.f32 v8, v1;
	v11 =	vmul.f32 v11, v2;
	v4 =	vld [tilespmem:s26+$0xFFFFFF00]  }
0x2b6: {  	s17 =	simm.s32 $0x4;
	s24 =	smov.u32 s7;
	s18 =	sadd.s32 $0x200, s26;
	v8 =	vmul.f32 v13, v1;
	v9 =	vadd.f32 v12, v9;
	v12 =	vperm.xlane v13, v0;
	[tilespmem:s7+$0xFFFFFF80] =	vst v14  }
.LBB2_49:
0x2b7: {  	s17 =	sadd.s32 $0x4, s17  }
0x2b8: {  	v13 =	vld [tilespmem:s18+$0xFFFFFF80];
	v14 =	vperm.xlane v5, v0;
	v15 =	vmul.f32 v5, v1;
	v17 =	vadd.f32 v11, v10;
	p0 =	slt.u32 s17, $0x1C  }
.Ltmp25:
0x2b9: {  	v5 =	vld [tilespmem:s18+$0x0];
	v11 =	vmul.f32 v12, v2;
	v12 =	vperm.xlane v3, v0;
	[tilespmem:s24+$0x0] =	vst v9;
	v9 =	vadd.f32 v7, v6;
	(pc) =	sbr.rel @p0 .LBB2_49-.Ltmp25, $4  }
0x2ba: {  	v6 =	vmovc v3;
	v16 =	vperm.xlane v4, v0;
	v14 =	vmul.f32 v14, v2;
	[tilespmem:s24+$0xFFFFFF00] =	vst v17;
	v3 =	vld [tilespmem:s18+$0x80];
	v10 =	vmov v4  }
0x2bb: {  	v6 =	vmul.f32 v6, v1;
	v4 =	vld [tilespmem:s18+$0xFFFFFF00];
	v17 =	vadd.f32 v11, v8;
	v7 =	vmul.f32 v12, v2;
	[tilespmem:s24+$0x80] =	vst v9;
	s24 =	smov.u32 s26;
	s26 =	smov.u32 s18  }
0x2bc: {  	v10 =	vmul.f32 v10, v1;
	v11 =	vmul.f32 v16, v2;
	v9 =	vadd.f32 v14, v15  }
0x2bd: {  	s18 =	sadd.s32 $0x200, s18;
	v12 =	vperm.xlane v13, v0;
	v8 =	vmul.f32 v13, v1;
	[tilespmem:s24+$0xFFFFFF80] =	vst v17  }
0x2be: {  	_ = 	snop  }
0x2bf: {  	v13 =	vperm.xlane v5, v0;
	v5 =	vmul.f32 v5, v1  }
0x2c0: {  	v10 =	vadd.f32 v11, v10;
	v11 =	vmul.f32 v12, v2;
	v12 =	vperm.xlane v4, v0  }
0x2c1: {  	[tilespmem:s24+$0x0] =	vst v9;
	v6 =	vadd.f32 v7, v6;
	v14 =	vperm.xlane v3, v0;
	v7 =	vmul.f32 v13, v2  }
0x2c2: {  	[tilespmem:s24+$0xFFFFFF00] =	vst v10;
	v4 =	vmul.f32 v4, v1;
	v8 =	vadd.f32 v11, v8;
	v9 =	vmul.f32 v12, v2  }
0x2c3: {  	v1 =	vmul.f32 v3, v1;
	[tilespmem:s24+$0x80] =	vst v6;
	v2 =	vmul.f32 v14, v2;
	v3 =	vadd.f32 v7, v5  }
0x2c4: {  	[tilespmem:s26+$0xFFFFFF80] =	vst v8;
	v4 =	vadd.f32 v9, v4  }
0x2c5: {  	[tilespmem:s26+$0x0] =	vst v3;
	v1 =	vadd.f32 v2, v1  }
0x2c6: {  	[tilespmem:s26+$0xFFFFFF00] =	vst v4  }
0x2c7: {  	[tilespmem:s26+$0x80] =	vst v1  }
0x2c8: {  	v1 =	vld [tilespmem:s16+$0x19050]  }
0x2c9: {  	v2 =	vld [tilespmem:s16+$0x190D0]  }
0x2ca: {  	v3 =	vld [tilespmem:s8+$0xFFFFFF80]  }
0x2cb: {  	v4 =	vld [tilespmem:s8+$0x0]  }
0x2cc: {  	v6 =	vld [tilespmem:s8+$0x80]  }
0x2cd: {  	v8 =	vld [tilespmem:s8+$0xFFFFFF00];
	_ =	sdelay $0x1  }
0x2ce: {  	s26 =	sadd.s32 $0x200, s8;
	v5 =	vperm.xlane v3, v0;
	v3 =	vmul.f32 v3, v1  }
0x2cf: {  	v13 =	vld [tilespmem:s26+$0xFFFFFF80];
	v7 =	vperm.xlane v4, v0;
	v9 =	vmul.f32 v4, v1  }
0x2d0: {  	v10 =	vperm.xlane v6, v0;
	v4 =	vmul.f32 v5, v2  }
0x2d1: {  	v11 =	vperm.xlane v8, v0;
	v6 =	vmul.f32 v6, v1;
	v5 =	vld [tilespmem:s26+$0x0]  }
0x2d2: {  	v12 =	vmul.f32 v7, v2;
	v7 =	vmul.f32 v10, v2;
	v14 =	vadd.f32 v4, v3;
	v3 =	vld [tilespmem:s26+$0x80]  }
0x2d3: {  	v10 =	vmul.f32 v8, v1;
	v11 =	vmul.f32 v11, v2;
	v4 =	vld [tilespmem:s26+$0xFFFFFF00]  }
0x2d4: {  	s17 =	simm.s32 $0x4;
	s24 =	smov.u32 s8;
	s18 =	sadd.s32 $0x200, s26;
	v8 =	vmul.f32 v13, v1;
	v9 =	vadd.f32 v12, v9;
	v12 =	vperm.xlane v13, v0;
	[tilespmem:s8+$0xFFFFFF80] =	vst v14  }
.LBB2_51:
0x2d5: {  	s17 =	sadd.s32 $0x4, s17  }
0x2d6: {  	v13 =	vld [tilespmem:s18+$0xFFFFFF80];
	v14 =	vperm.xlane v5, v0;
	v15 =	vmul.f32 v5, v1;
	v17 =	vadd.f32 v11, v10;
	p0 =	slt.u32 s17, $0x1C  }
.Ltmp26:
0x2d7: {  	v5 =	vld [tilespmem:s18+$0x0];
	v11 =	vmul.f32 v12, v2;
	v12 =	vperm.xlane v3, v0;
	[tilespmem:s24+$0x0] =	vst v9;
	v9 =	vadd.f32 v7, v6;
	(pc) =	sbr.rel @p0 .LBB2_51-.Ltmp26, $4  }
0x2d8: {  	v6 =	vmovc v3;
	v16 =	vperm.xlane v4, v0;
	v14 =	vmul.f32 v14, v2;
	[tilespmem:s24+$0xFFFFFF00] =	vst v17;
	v3 =	vld [tilespmem:s18+$0x80];
	v10 =	vmov v4  }
0x2d9: {  	v6 =	vmul.f32 v6, v1;
	v4 =	vld [tilespmem:s18+$0xFFFFFF00];
	v17 =	vadd.f32 v11, v8;
	v7 =	vmul.f32 v12, v2;
	[tilespmem:s24+$0x80] =	vst v9;
	s24 =	smov.u32 s26;
	s26 =	smov.u32 s18  }
0x2da: {  	v10 =	vmul.f32 v10, v1;
	v11 =	vmul.f32 v16, v2;
	v9 =	vadd.f32 v14, v15  }
0x2db: {  	s18 =	sadd.s32 $0x200, s18;
	v12 =	vperm.xlane v13, v0;
	v8 =	vmul.f32 v13, v1;
	[tilespmem:s24+$0xFFFFFF80] =	vst v17  }
0x2dc: {  	_ = 	snop  }
0x2dd: {  	v13 =	vperm.xlane v5, v0;
	v5 =	vmul.f32 v5, v1  }
0x2de: {  	v10 =	vadd.f32 v11, v10;
	v11 =	vmul.f32 v12, v2;
	v12 =	vperm.xlane v4, v0  }
0x2df: {  	[tilespmem:s24+$0x0] =	vst v9;
	v6 =	vadd.f32 v7, v6;
	v14 =	vperm.xlane v3, v0;
	v7 =	vmul.f32 v13, v2  }
0x2e0: {  	[tilespmem:s24+$0xFFFFFF00] =	vst v10;
	v4 =	vmul.f32 v4, v1;
	v8 =	vadd.f32 v11, v8;
	v9 =	vmul.f32 v12, v2  }
0x2e1: {  	v1 =	vmul.f32 v3, v1;
	[tilespmem:s24+$0x80] =	vst v6;
	v2 =	vmul.f32 v14, v2;
	v3 =	vadd.f32 v7, v5  }
0x2e2: {  	[tilespmem:s26+$0xFFFFFF80] =	vst v8;
	v4 =	vadd.f32 v9, v4  }
0x2e3: {  	[tilespmem:s26+$0x0] =	vst v3;
	v1 =	vadd.f32 v2, v1  }
0x2e4: {  	[tilespmem:s26+$0xFFFFFF00] =	vst v4  }
0x2e5: {  	[tilespmem:s26+$0x80] =	vst v1  }
0x2e6: {  	v1 =	vld [tilespmem:s16+$0x19060]  }
0x2e7: {  	v2 =	vld [tilespmem:s16+$0x190E0]  }
0x2e8: {  	v3 =	vld [tilespmem:s9+$0xFFFFFF80]  }
0x2e9: {  	v4 =	vld [tilespmem:s9+$0x0]  }
0x2ea: {  	v6 =	vld [tilespmem:s9+$0x80]  }
0x2eb: {  	v8 =	vld [tilespmem:s9+$0xFFFFFF00];
	_ =	sdelay $0x1  }
0x2ec: {  	s26 =	sadd.s32 $0x200, s9;
	v5 =	vperm.xlane v3, v0;
	v3 =	vmul.f32 v3, v1  }
0x2ed: {  	v13 =	vld [tilespmem:s26+$0xFFFFFF80];
	v7 =	vperm.xlane v4, v0;
	v9 =	vmul.f32 v4, v1  }
0x2ee: {  	v10 =	vperm.xlane v6, v0;
	v4 =	vmul.f32 v5, v2  }
0x2ef: {  	v11 =	vperm.xlane v8, v0;
	v6 =	vmul.f32 v6, v1;
	v5 =	vld [tilespmem:s26+$0x0]  }
0x2f0: {  	v12 =	vmul.f32 v7, v2;
	v7 =	vmul.f32 v10, v2;
	v14 =	vadd.f32 v4, v3;
	v3 =	vld [tilespmem:s26+$0x80]  }
0x2f1: {  	v10 =	vmul.f32 v8, v1;
	v11 =	vmul.f32 v11, v2;
	v4 =	vld [tilespmem:s26+$0xFFFFFF00]  }
0x2f2: {  	s17 =	simm.s32 $0x4;
	s24 =	smov.u32 s9;
	s18 =	sadd.s32 $0x200, s26;
	v8 =	vmul.f32 v13, v1;
	v9 =	vadd.f32 v12, v9;
	v12 =	vperm.xlane v13, v0;
	[tilespmem:s9+$0xFFFFFF80] =	vst v14  }
.LBB2_53:
0x2f3: {  	s17 =	sadd.s32 $0x4, s17  }
0x2f4: {  	v13 =	vld [tilespmem:s18+$0xFFFFFF80];
	v14 =	vperm.xlane v5, v0;
	v15 =	vmul.f32 v5, v1;
	v17 =	vadd.f32 v11, v10;
	p0 =	slt.u32 s17, $0x1C  }
.Ltmp27:
0x2f5: {  	v5 =	vld [tilespmem:s18+$0x0];
	v11 =	vmul.f32 v12, v2;
	v12 =	vperm.xlane v3, v0;
	[tilespmem:s24+$0x0] =	vst v9;
	v9 =	vadd.f32 v7, v6;
	(pc) =	sbr.rel @p0 .LBB2_53-.Ltmp27, $4  }
0x2f6: {  	v6 =	vmovc v3;
	v16 =	vperm.xlane v4, v0;
	v14 =	vmul.f32 v14, v2;
	[tilespmem:s24+$0xFFFFFF00] =	vst v17;
	v3 =	vld [tilespmem:s18+$0x80];
	v10 =	vmov v4  }
0x2f7: {  	v6 =	vmul.f32 v6, v1;
	v4 =	vld [tilespmem:s18+$0xFFFFFF00];
	v17 =	vadd.f32 v11, v8;
	v7 =	vmul.f32 v12, v2;
	[tilespmem:s24+$0x80] =	vst v9;
	s24 =	smov.u32 s26;
	s26 =	smov.u32 s18  }
0x2f8: {  	v10 =	vmul.f32 v10, v1;
	v11 =	vmul.f32 v16, v2;
	v9 =	vadd.f32 v14, v15  }
0x2f9: {  	s18 =	sadd.s32 $0x200, s18;
	v12 =	vperm.xlane v13, v0;
	v8 =	vmul.f32 v13, v1;
	[tilespmem:s24+$0xFFFFFF80] =	vst v17  }
0x2fa: {  	_ = 	snop  }
0x2fb: {  	v13 =	vperm.xlane v5, v0;
	v5 =	vmul.f32 v5, v1  }
0x2fc: {  	v10 =	vadd.f32 v11, v10;
	v11 =	vmul.f32 v12, v2;
	v12 =	vperm.xlane v4, v0  }
0x2fd: {  	[tilespmem:s24+$0x0] =	vst v9;
	v6 =	vadd.f32 v7, v6;
	v14 =	vperm.xlane v3, v0;
	v7 =	vmul.f32 v13, v2  }
0x2fe: {  	[tilespmem:s24+$0xFFFFFF00] =	vst v10;
	v4 =	vmul.f32 v4, v1;
	v8 =	vadd.f32 v11, v8;
	v9 =	vmul.f32 v12, v2  }
0x2ff: {  	v1 =	vmul.f32 v3, v1;
	[tilespmem:s24+$0x80] =	vst v6;
	v2 =	vmul.f32 v14, v2;
	v3 =	vadd.f32 v7, v5  }
0x300: {  	[tilespmem:s26+$0xFFFFFF80] =	vst v8;
	v4 =	vadd.f32 v9, v4  }
0x301: {  	[tilespmem:s26+$0x0] =	vst v3;
	v1 =	vadd.f32 v2, v1  }
0x302: {  	[tilespmem:s26+$0xFFFFFF00] =	vst v4  }
0x303: {  	[tilespmem:s26+$0x80] =	vst v1  }
0x304: {  	v1 =	vld [tilespmem:s16+$0x19070]  }
0x305: {  	v2 =	vld [tilespmem:s16+$0x190F0]  }
0x306: {  	v3 =	vld [tilespmem:s10+$0xFFFFFF80]  }
0x307: {  	v4 =	vld [tilespmem:s10+$0x0]  }
0x308: {  	v6 =	vld [tilespmem:s10+$0x80]  }
0x309: {  	v8 =	vld [tilespmem:s10+$0xFFFFFF00];
	_ =	sdelay $0x1  }
0x30a: {  	s16 =	sadd.s32 $0x200, s10;
	v5 =	vperm.xlane v3, v0;
	v3 =	vmul.f32 v3, v1  }
0x30b: {  	v13 =	vld [tilespmem:s16+$0xFFFFFF80];
	v7 =	vperm.xlane v4, v0;
	v9 =	vmul.f32 v4, v1  }
0x30c: {  	v10 =	vperm.xlane v6, v0;
	v4 =	vmul.f32 v5, v2  }
0x30d: {  	v11 =	vperm.xlane v8, v0;
	v6 =	vmul.f32 v6, v1;
	v5 =	vld [tilespmem:s16+$0x0]  }
0x30e: {  	v12 =	vmul.f32 v7, v2;
	v7 =	vmul.f32 v10, v2;
	v14 =	vadd.f32 v4, v3;
	v3 =	vld [tilespmem:s16+$0x80]  }
0x30f: {  	v10 =	vmul.f32 v8, v1;
	v11 =	vmul.f32 v11, v2;
	v4 =	vld [tilespmem:s16+$0xFFFFFF00]  }
0x310: {  	s17 =	simm.s32 $0x4;
	s24 =	smov.u32 s10;
	s18 =	sadd.s32 $0x200, s16;
	v8 =	vmul.f32 v13, v1;
	v9 =	vadd.f32 v12, v9;
	v12 =	vperm.xlane v13, v0;
	[tilespmem:s10+$0xFFFFFF80] =	vst v14  }
.LBB2_55:
0x311: {  	s17 =	sadd.s32 $0x4, s17  }
0x312: {  	v13 =	vld [tilespmem:s18+$0xFFFFFF80];
	v14 =	vperm.xlane v5, v0;
	v15 =	vmul.f32 v5, v1;
	v17 =	vadd.f32 v11, v10;
	p0 =	slt.u32 s17, $0x1C  }
.Ltmp28:
0x313: {  	v5 =	vld [tilespmem:s18+$0x0];
	v11 =	vmul.f32 v12, v2;
	v12 =	vperm.xlane v3, v0;
	[tilespmem:s24+$0x0] =	vst v9;
	v9 =	vadd.f32 v7, v6;
	(pc) =	sbr.rel @p0 .LBB2_55-.Ltmp28, $4  }
0x314: {  	v6 =	vmovc v3;
	v16 =	vperm.xlane v4, v0;
	v14 =	vmul.f32 v14, v2;
	[tilespmem:s24+$0xFFFFFF00] =	vst v17;
	v3 =	vld [tilespmem:s18+$0x80];
	v10 =	vmov v4  }
0x315: {  	v6 =	vmul.f32 v6, v1;
	v4 =	vld [tilespmem:s18+$0xFFFFFF00];
	v17 =	vadd.f32 v11, v8;
	v7 =	vmul.f32 v12, v2;
	[tilespmem:s24+$0x80] =	vst v9;
	s24 =	smov.u32 s16;
	s16 =	smov.u32 s18  }
0x316: {  	v10 =	vmul.f32 v10, v1;
	v11 =	vmul.f32 v16, v2;
	v9 =	vadd.f32 v14, v15  }
0x317: {  	s18 =	sadd.s32 $0x200, s18;
	v12 =	vperm.xlane v13, v0;
	v8 =	vmul.f32 v13, v1;
	[tilespmem:s24+$0xFFFFFF80] =	vst v17  }
0x318: {  	_ = 	snop  }
0x319: {  	v13 =	vperm.xlane v5, v0;
	v57 =	vmul.f32 v5, v1  }
0x31a: {  	v10 =	vadd.f32 v11, v10;
	v58 =	vmul.f32 v12, v2;
	v59 =	vperm.xlane v4, v0  }
0x31b: {  	[tilespmem:s24+$0x0] =	vst v9;
	v6 =	vadd.f32 v7, v6;
	s30 =	sadd.s32 $0x1, s30;
	v60 =	vperm.xlane v3, v0;
	v61 =	vmul.f32 v13, v2  }
0x31c: {  	p0 =	sne.s32 s30, $0x8;
	[tilespmem:s24+$0xFFFFFF00] =	vst v10;
	v62 =	vmul.f32 v4, v1;
	v8 =	vadd.f32 v58, v8;
	v63 =	vmul.f32 v59, v2  }
.Ltmp29:
0x31d: {  	v1 =	vmul.f32 v3, v1;
	[tilespmem:s24+$0x80] =	vst v6;
	v2 =	vmul.f32 v60, v2;
	v3 =	vadd.f32 v61, v57;
	(pc) =	sbr.rel @p0 .LBB2_40-.Ltmp29, $4  }
0x31e: {  	[tilespmem:s16+$0xFFFFFF80] =	vst v8;
	v4 =	vadd.f32 v63, v62  }
0x31f: {  	s31 =	sadd.s32 $0x1000, s31;
	s0 =	sadd.s32 $0x1000, s0;
	[tilespmem:s16+$0x0] =	vst v3;
	v1 =	vadd.f32 v2, v1  }
0x320: {  	s3 =	sadd.s32 $0x1000, s3;
	s19 =	sadd.s32 $0x1000, s19;
	s7 =	sadd.s32 $0x1000, s7;
	[tilespmem:s16+$0xFFFFFF00] =	vst v4  }
0x321: {  	s8 =	sadd.s32 $0x1000, s8;
	s9 =	sadd.s32 $0x1000, s9;
	s10 =	sadd.s32 $0x1000, s10;
	[tilespmem:s16+$0x80] =	vst v1  }
0x322: {  	s0 =	smul.u32 $0x3000, s28;
	_ =	sdelay $0x1  }
0x323: {  	s3 =	simm.s32 $0x10000;
	p0 =	sgt.u32 s28, $0x3;
	s0 =	sadd.s32 s0, s14  }
0x324: {  	[hbm4b:s0+s4] =	stream.linear.scatter [tilespmem:s3], [sflag:$0x6], $0x8000, $0x38;
	[tilespmem:$0x19800] =	vst v63  }
0x325: {  	s7 =	simm.s32 @!p0 $0x0;
	s0 =	sadd.s32 @!p0 s29, s15  }
0x326: {  	s8 =	simm.s32 @!p0 $0x8000;
	_ =	swait.ge [sflag:s25], $0x8000;
	s3 =	sshll.u32 @!p0 s0, $0x9  }
0x327: {  	s0 =	sshll.u32 @!p0 s0, $0x5;
	[sflag:s25] =	ssyncset.done $0x0;
	s3 =	sand.u32 @!p0 $0x1FFFF000, s3  }
0x328: {  	s0 =	sand.u32 @!p0 $0x1FFFFF00, s0;
	[sflag:s25] =	ssyncadd.s32 $0xFFFF8000;
	s3 =	sadd.s32 @!p0 s1, s3  }
0x329: {  	[tilespmem:s8], [sflag:$0x2] =	stream.linear.gather @!p0 [hbm4b:s3+s7], $0x8000, $0x38;
	[tilespmem:$0x19800] =	vst v63  }
0x32a: {  	s28 =	sadd.s32 $0x1, s28;
	s0 =	sadd.s32 @!p0 s5, s0;
	s3 =	simm.s32 @!p0 $0x18800  }
0x32b: {  	[tilespmem:s3], [sflag:$0x2] =	stream.linear.gather @!p0 [hbm4b:s0+s7], $0x800, $0x38;
	[tilespmem:$0x19800] =	vst v63  }
0x32c: {  	p0 =	sne.s32 s28, $0x6  }
.Ltmp30:
0x32d: {  	_ = 	snop;
	(pc) =	sbr.rel @p0 .LBB2_2-.Ltmp30, $4  }
.Ltmp31:
0x32e: {  	_ = 	snop;
	(pc) =	sbr.rel @!p0 .LBB2_58-.Ltmp31, $4  }
0x32f: {  	_ = 	snop  }
0x330: {  	_ = 	snop  }
0x331: {  	_ = 	snop  }
0x332: {  	_ = 	snop  }
.LBB2_59:
0x333: {  	_ =	sfence.sel $0x180000  }
0x334: {  	[bflag:$0x0] =	sbarrier.arrive $0xFFFF  }
0x335: {  	_ =	strace $0x90000047  }
0x336: {  	s0 =	stileid.u32;
	[bflag:$0x2] =	sbarrier.arrive $0xFFFF  }
0x337: {  	p0 =	sne.s32 s0, $0x0;
	s0 =	rddreg [dreg:$0x3]  }
0x338: {  	s0 =	sadd.s32 @!p0 $0x100000, s0  }
0x339: {  	[sflag:s0] =	ssyncadd.tile.s32 @!p0 $0x1;
	_ =	shalt  }
.Lfunc_end2:
_tile_overlayer_lowered:
.L_overlay_start_2:
0x33a: {  	(tag) =	ssettag $0x2  }
0x33b: {  	s0 =	rddreg [dreg:$0x0];
	s2 =	stileid.u32  }
0x33c: {  	s1 =	rddreg [dreg:$0x1];
	p0 =	sne.s32 s2, $0x0  }
0x33d: {  	s3 =	rddreg [dreg:$0x2];
	[bflag:$0x3] =	sbarrier.arrive $0xFFFF;
	s2 =	simm.s32 @!p0 $0x1C07  }
0x33e: {  	[timem:s3], [sflag:s2] =	dma.local @!p0 [hbm:s0], s1  }
0x33f: {  	s0 =	simm.s32 @!p0 $0x7  }
0x340: {  	_ =	swait.ge @!p0 [sflag:s0], s1  }
0x341: {  	s1 =	ssub.s32 @!p0 $0x0, s1;
	[sflag:s0] =	ssyncset.done @!p0 $0x0  }
0x342: {  	[sflag:s0] =	ssyncadd.s32 @!p0 s1  }
0x343: {  	[bflag:$0x3] =	sbarrier.arrive $0xFFFF  }
0x344: {  	_ =	shalt  }

</sc_bundles>
